<compile_context>
chip_gen: v7x
topology: tpu7x:2x2x1
jax: 0.10.2.dev20260603
libtpu: 0.0.44.dev20260713+nightly
codegen_flags: <defaults>
</compile_context>

<pallas_src>
import functools

import jax
import jax.numpy as jnp
from jax import lax
from jax.experimental import pallas as pl
from jax.experimental.pallas import tpu as pltpu
from jax.experimental.pallas import tpu_sc as plsc

_NC = 2
_NS = 16
_NW = _NC * _NS

_GW = 400
_SW = 200


def _gather_sc(x, src, dst):
    N, C = x.shape
    E = src.shape[0]
    epw = E // _NW
    steps = epw // _GW
    mesh = plsc.VectorSubcoreMesh(core_axis_name="c", subcore_axis_name="s")

    @functools.partial(
        pl.kernel,
        out_type=(
            jax.ShapeDtypeStruct((E, C), jnp.float32),
            jax.ShapeDtypeStruct((E, C), jnp.float32),
        ),
        mesh=mesh,
        scratch_types=[
            pltpu.VMEM((_GW,), jnp.int32),
            pltpu.VMEM((_GW,), jnp.int32),
            pltpu.VMEM((_GW, C), jnp.float32),
            pltpu.VMEM((_GW, C), jnp.float32),
            pltpu.SemaphoreType.DMA,
            pltpu.SemaphoreType.DMA,
        ],
    )
    def gather_kernel(x_hbm, src_hbm, dst_hbm, xs_hbm, xd_hbm,
                      idx_s, idx_d, rows_s, rows_d, sem_s, sem_d):
        cid = lax.axis_index("c")
        sid = lax.axis_index("s")
        wid = sid * _NC + cid
        base = wid * epw

        def step(w, carry):
            off = base + w * _GW
            pltpu.sync_copy(src_hbm.at[pl.ds(off, _GW)], idx_s)
            pltpu.sync_copy(dst_hbm.at[pl.ds(off, _GW)], idx_d)
            cs = pltpu.async_copy(x_hbm.at[idx_s], rows_s, sem_s)
            cd = pltpu.async_copy(x_hbm.at[idx_d], rows_d, sem_d)
            cs.wait()
            cd.wait()
            pltpu.sync_copy(rows_s, xs_hbm.at[pl.ds(off, _GW)])
            pltpu.sync_copy(rows_d, xd_hbm.at[pl.ds(off, _GW)])
            return carry

        lax.fori_loop(0, steps, step, 0)

    return gather_kernel(x, src, dst)


def _scatter_sc(messages, dst, init, num_nodes):
    nmsg = len(messages)
    ec, C = messages[0].shape
    epw = ec // _NW
    steps = epw // _SW
    npad = ((num_nodes + 8 * _NS - 1) // (8 * _NS)) * (8 * _NS)
    npt = npad // _NS
    mesh = plsc.VectorSubcoreMesh(core_axis_name="c", subcore_axis_name="s")

    @functools.partial(
        pl.kernel,
        out_type=jax.ShapeDtypeStruct((_NC, npad, C), jnp.float32),
        mesh=mesh,
        scratch_types=[
            pltpu.VMEM((_SW,), jnp.int32),
            pltpu.VMEM((_SW, C), jnp.float32),
            pltpu.VMEM_SHARED((npad, C), jnp.float32),
        ],
    )
    def scatter_kernel(dst_hbm, init_hbm, *refs):
        msg_hbms = refs[:nmsg]
        out_hbm = refs[nmsg]
        idx_v, rows_v, acc = refs[nmsg + 1:]
        cid = lax.axis_index("c")
        sid = lax.axis_index("s")
        wid = sid * _NC + cid
        pltpu.sync_copy(init_hbm.at[cid, pl.ds(sid * npt, npt)],
                        acc.at[pl.ds(sid * npt, npt)])
        plsc.subcore_barrier()
        base = wid * epw

        for k in range(nmsg):
            def step(w, carry, k=k):
                off = base + w * _SW
                pltpu.sync_copy(dst_hbm.at[pl.ds(k * ec + off, _SW)], idx_v)
                pltpu.sync_copy(msg_hbms[k].at[pl.ds(off, _SW)], rows_v)
                pltpu.sync_copy(rows_v, acc.at[idx_v], add=True)
                return carry

            lax.fori_loop(0, steps, step, 0)
        plsc.subcore_barrier()
        pltpu.sync_copy(acc.at[pl.ds(sid * npt, npt)],
                        out_hbm.at[cid, pl.ds(sid * npt, npt)])

    return scatter_kernel(dst, init, *messages)


def _message_tc(xs, xd, ef, W1a, W1b, W1e, bm1, Wm2, bm2):
    E, C = xs.shape
    ED = ef.shape[1]
    MH = W1a.shape[1]
    blk = 4000
    grid = (E // blk,)

    def body(xs_ref, xd_ref, ef_ref, w1a_ref, w1b_ref, w1e_ref, bm1_ref,
             wm2_ref, bm2_ref, out_ref):
        pre = (
            jnp.dot(xs_ref[...].astype(jnp.bfloat16), w1a_ref[...],
                    preferred_element_type=jnp.float32)
            + jnp.dot(xd_ref[...].astype(jnp.bfloat16), w1b_ref[...],
                      preferred_element_type=jnp.float32)
            + jnp.dot(jnp.log1p(ef_ref[...]), w1e_ref[...],
                      preferred_element_type=jnp.float32)
            + bm1_ref[...]
        )
        h = jnp.maximum(pre, 0.0).astype(jnp.bfloat16)
        out_ref[...] = (
            jnp.dot(h, wm2_ref[...], preferred_element_type=jnp.float32)
            + bm2_ref[...]
        )

    return pl.pallas_call(
        body,
        grid=grid,
        in_specs=[
            pl.BlockSpec((blk, C), lambda i: (i, 0)),
            pl.BlockSpec((blk, C), lambda i: (i, 0)),
            pl.BlockSpec((blk, ED), lambda i: (i, 0)),
            pl.BlockSpec((C, MH), lambda i: (0, 0)),
            pl.BlockSpec((C, MH), lambda i: (0, 0)),
            pl.BlockSpec((ED, MH), lambda i: (0, 0)),
            pl.BlockSpec((1, MH), lambda i: (0, 0)),
            pl.BlockSpec((MH, C), lambda i: (0, 0)),
            pl.BlockSpec((1, C), lambda i: (0, 0)),
        ],
        out_specs=pl.BlockSpec((blk, C), lambda i: (i, 0)),
        out_shape=jax.ShapeDtypeStruct((E, C), jnp.float32),
    )(xs, xd, ef, W1a, W1b, W1e, bm1.reshape(1, MH), Wm2, bm2.reshape(1, C))


def _update_tc(x, parts, Wu1a, Wu1b, bu1, Wu2, bu2):
    N, C = x.shape
    UH = Wu1a.shape[1]
    blk = 2000
    grid = (N // blk,)

    def body(x_ref, p0_ref, p1_ref, wu1a_ref, wu1b_ref, bu1_ref, wu2_ref,
             bu2_ref, out_ref):
        agg = p0_ref[...] + p1_ref[...]
        pre = (
            jnp.dot(x_ref[...], wu1a_ref[...], preferred_element_type=jnp.float32)
            + jnp.dot(agg, wu1b_ref[...], preferred_element_type=jnp.float32)
            + bu1_ref[...]
        )
        h = jnp.maximum(pre, 0.0)
        out_ref[...] = (
            jnp.dot(h, wu2_ref[...], preferred_element_type=jnp.float32)
            + bu2_ref[...]
        )

    return pl.pallas_call(
        body,
        grid=grid,
        in_specs=[
            pl.BlockSpec((blk, C), lambda i: (i, 0)),
            pl.BlockSpec((blk, C), lambda i: (i, 0)),
            pl.BlockSpec((blk, C), lambda i: (i, 0)),
            pl.BlockSpec((C, UH), lambda i: (0, 0)),
            pl.BlockSpec((C, UH), lambda i: (0, 0)),
            pl.BlockSpec((1, UH), lambda i: (0, 0)),
            pl.BlockSpec((UH, C), lambda i: (0, 0)),
            pl.BlockSpec((1, C), lambda i: (0, 0)),
        ],
        out_specs=pl.BlockSpec((blk, C), lambda i: (i, 0)),
        out_shape=jax.ShapeDtypeStruct((N, C), jnp.float32),
    )(x, parts[0], parts[1], Wu1a, Wu1b, bu1.reshape(1, UH), Wu2,
      bu2.reshape(1, C))


def kernel(x, edge_index, edge_features, Wm1, bm1, Wm2, bm2, Wu1, bu1, Wu2, bu2):
    N, C = x.shape
    E = edge_index.shape[1]
    src = edge_index[0].astype(jnp.int32)
    dst = edge_index[1].astype(jnp.int32)

    nchunk = 5
    ce = E // nchunk
    npad = ((N + 8 * _NS - 1) // (8 * _NS)) * (8 * _NS)
    parts = jnp.zeros((_NC, npad, C), jnp.float32)
    groups = [(0, 1, 2), (3, 4)]
    msgs = []
    for k in range(nchunk):
        sl = slice(k * ce, (k + 1) * ce)
        xs, xd = _gather_sc(x, src[sl], dst[sl])
        msgs.append(_message_tc(xs, xd, edge_features[sl],
                                Wm1[:C].astype(jnp.bfloat16),
                                Wm1[C:2 * C].astype(jnp.bfloat16),
                                Wm1[2 * C:], bm1,
                                Wm2.astype(jnp.bfloat16), bm2))
    for g in groups:
        dsl = dst[g[0] * ce:(g[-1] + 1) * ce]
        parts = _scatter_sc([msgs[k] for k in g], dsl, parts, N)
    return _update_tc(x, parts[:, :N], Wu1[:C], Wu1[C:], bu1, Wu2, bu2)

# --- scband reference (transcript-rebuilt; emitter-appended) ---
"""Pipeline reference for scband-elphedge-aware-layer-log1p-44160853737919 (READ-ONLY COPY).

The authoritative reference and input builder live on the scoring server;
editing this copy changes nothing except your own understanding.
"""

import jax, jax.numpy as jnp
import numpy as np

N = 10000
E = 320000
C = 128
ED = 16
MH = 256
UH = 256

def setup_inputs(seed: int = 0) -> dict:
    key = jax.random.key(seed)
    ks = jax.random.split(key, 11)
    x = jax.random.normal(ks[0], (N, C), dtype=jnp.float32)
    edge_index = jax.random.randint(ks[1], (2, E), 0, N)
    edge_features = jax.random.uniform(ks[2], (E, ED), dtype=jnp.float32)
    m_in = 2 * C + ED
    u_in = 2 * C
    Wm1 = jax.random.normal(ks[3], (m_in, MH), dtype=jnp.float32) / np.sqrt(m_in)
    bm1 = jnp.zeros((MH,), dtype=jnp.float32)
    Wm2 = jax.random.normal(ks[4], (MH, C), dtype=jnp.float32) / np.sqrt(MH)
    bm2 = jnp.zeros((C,), dtype=jnp.float32)
    Wu1 = jax.random.normal(ks[5], (u_in, UH), dtype=jnp.float32) / np.sqrt(u_in)
    bu1 = jnp.zeros((UH,), dtype=jnp.float32)
    Wu2 = jax.random.normal(ks[6], (UH, C), dtype=jnp.float32) / np.sqrt(UH)
    bu2 = jnp.zeros((C,), dtype=jnp.float32)
    return {"x": x, "edge_index": edge_index, "edge_features": edge_features,
            "Wm1": Wm1, "bm1": bm1, "Wm2": Wm2, "bm2": bm2,
            "Wu1": Wu1, "bu1": bu1, "Wu2": Wu2, "bu2": bu2}

def reference(x, edge_index, edge_features, Wm1, bm1, Wm2, bm2, Wu1, bu1, Wu2, bu2):
    src = edge_index[0]
    dst = edge_index[1]
    x_src = jnp.take(x, src, axis=0)
    x_dst = jnp.take(x, dst, axis=0)
    ef = jnp.log1p(edge_features)
    message_input = jnp.concatenate([x_src, x_dst, ef], axis=-1)
    h = jax.nn.relu(message_input @ Wm1 + bm1)
    messages = h @ Wm2 + bm2
    num_nodes = x.shape[0]
    aggregated = jnp.zeros((num_nodes, messages.shape[1]), dtype=messages.dtype).at[dst].add(messages)
    update_input = jnp.concatenate([x, aggregated], axis=-1)
    hu = jax.nn.relu(update_input @ Wu1 + bu1)
    updated_x = hu @ Wu2 + bu2
    return updated_x

if __name__ == "__main__":
    import jax
    _d = setup_inputs()
    print(jax.jit(kernel)(*tuple(_d.values())))

</pallas_src>

<mosaic_0001>
#map = affine_map<(d0, d1) -> (0, 0)>
#map1 = affine_map<(d0, d1) -> (0)>
module attributes {stable_mosaic.version = 14 : i64} {
  func.func @gather_kernel(%arg0: i32, %arg1: i32, %arg2: memref<10000x128xf32, #tpu.memory_space<hbm>>, %arg3: memref<64000xi32, #tpu.memory_space<hbm>>, %arg4: memref<64000xi32, #tpu.memory_space<hbm>>, %arg5: memref<64000x128xf32, #tpu.memory_space<hbm>>, %arg6: memref<64000x128xf32, #tpu.memory_space<hbm>>, %arg7: memref<400xi32, #tpu.memory_space<vmem>>, %arg8: memref<400xi32, #tpu.memory_space<vmem>>, %arg9: memref<400x128xf32, #tpu.memory_space<vmem>>, %arg10: memref<400x128xf32, #tpu.memory_space<vmem>>, %arg11: memref<!tpu.dma_semaphore, #tpu.memory_space<semaphore_mem>>, %arg12: memref<!tpu.dma_semaphore, #tpu.memory_space<semaphore_mem>>) attributes {dimension_semantics = [#tpu.dimension_semantics<core_parallel>, #tpu.dimension_semantics<subcore_parallel>], iteration_bounds = array<i64: 2, 16>, scalar_prefetch = 0 : i64, scratch_operands = 6 : i64, tpu.core_type = #tpu.core_type<sc_vector_subcore>, window_params = [{transform_indices = #map}, {transform_indices = #map1}, {transform_indices = #map1}, {transform_indices = #map}, {transform_indices = #map}]} {
    %mul3A = arith.constant 2 : i32
    %mul3A_0 = arith.muli %arg1, %mul3A : i32
    %add3A = arith.addi %mul3A_0, %arg0 : i32
    %mul3A_1 = arith.constant 2000 : i32
    %mul3A_2 = arith.muli %add3A, %mul3A_1 : i32
    %scan3A = arith.constant 0 : i32
    %scan3A_3 = arith.constant 0 : i32
    %scan3A_4 = arith.constant 5 : i32
    %scan3A_5 = arith.addi %scan3A_3, %scan3A_4 : i32
    %scan3A_6 = arith.constant 1 : i32
    scf.for %scan3A_8 = %scan3A_3 to %scan3A_5 step %scan3A_6  : i32 {
      %mul3A_9 = arith.constant 400 : i32
      %mul3A_10 = arith.muli %scan3A_8, %mul3A_9 : i32
      %add3A_11 = arith.addi %mul3A_2, %mul3A_10 : i32
      "tpu.region"() ({
        %run_scoped3A = tpu.sem_alloc : memref<!tpu.dma_semaphore, #tpu.memory_space<semaphore_mem>>
        %dma_start3A_22 = tpu.memref_slice %arg3[%add3A_11] : memref<64000xi32, #tpu.memory_space<hbm>> -> memref<400xi32, #tpu.memory_space<hbm>>
        %dma_start3A_23 = tpu.memref_slice %arg3[%add3A_11] : memref<64000xi32, #tpu.memory_space<hbm>> -> memref<400xi32, #tpu.memory_space<hbm>>
        tpu.enqueue_dma source(%dma_start3A_23 : memref<400xi32, #tpu.memory_space<hbm>>) target(%arg7 : memref<400xi32, #tpu.memory_space<vmem>>) target_semaphore(%run_scoped3A : memref<!tpu.dma_semaphore, #tpu.memory_space<semaphore_mem>>)
        %dma_wait3A_24 = tpu.memref_slice %arg3[%add3A_11] : memref<64000xi32, #tpu.memory_space<hbm>> -> memref<400xi32, #tpu.memory_space<hbm>>
        %dma_wait3A_25 = tpu.memref_slice %arg3[%add3A_11] : memref<64000xi32, #tpu.memory_space<hbm>> -> memref<400xi32, #tpu.memory_space<hbm>>
        tpu.wait_dma2 semaphore(%run_scoped3A : memref<!tpu.dma_semaphore, #tpu.memory_space<semaphore_mem>>) src(%dma_wait3A_25 : memref<400xi32, #tpu.memory_space<hbm>>) dst(%arg7 : memref<400xi32, #tpu.memory_space<vmem>>)
        tpu.yield
      }) : () -> ()
      "tpu.region"() ({
        %run_scoped3A = tpu.sem_alloc : memref<!tpu.dma_semaphore, #tpu.memory_space<semaphore_mem>>
        %dma_start3A_22 = tpu.memref_slice %arg4[%add3A_11] : memref<64000xi32, #tpu.memory_space<hbm>> -> memref<400xi32, #tpu.memory_space<hbm>>
        %dma_start3A_23 = tpu.memref_slice %arg4[%add3A_11] : memref<64000xi32, #tpu.memory_space<hbm>> -> memref<400xi32, #tpu.memory_space<hbm>>
        tpu.enqueue_dma source(%dma_start3A_23 : memref<400xi32, #tpu.memory_space<hbm>>) target(%arg8 : memref<400xi32, #tpu.memory_space<vmem>>) target_semaphore(%run_scoped3A : memref<!tpu.dma_semaphore, #tpu.memory_space<semaphore_mem>>)
        %dma_wait3A_24 = tpu.memref_slice %arg4[%add3A_11] : memref<64000xi32, #tpu.memory_space<hbm>> -> memref<400xi32, #tpu.memory_space<hbm>>
        %dma_wait3A_25 = tpu.memref_slice %arg4[%add3A_11] : memref<64000xi32, #tpu.memory_space<hbm>> -> memref<400xi32, #tpu.memory_space<hbm>>
        tpu.wait_dma2 semaphore(%run_scoped3A : memref<!tpu.dma_semaphore, #tpu.memory_space<semaphore_mem>>) src(%dma_wait3A_25 : memref<400xi32, #tpu.memory_space<hbm>>) dst(%arg8 : memref<400xi32, #tpu.memory_space<vmem>>)
        tpu.yield
      }) : () -> ()
      %dma_start3A = arith.constant 0 : i32
      %dma_start3A_12 = arith.constant 0 : i32
      %dma_start3A_13 = tpu.memref_slice %arg2[%dma_start3A, %dma_start3A_12] : memref<10000x128xf32, #tpu.memory_space<hbm>> -> memref<10000x128xf32, #tpu.memory_space<hbm>>
      tpu.enqueue_indirect_dma source(%dma_start3A_13 : memref<10000x128xf32, #tpu.memory_space<hbm>>) target(%arg9 : memref<400x128xf32, #tpu.memory_space<vmem>>) offsets(%arg7 : memref<400xi32, #tpu.memory_space<vmem>>) semaphore(%arg11 : memref<!tpu.dma_semaphore, #tpu.memory_space<semaphore_mem>>)
      %dma_start3A_14 = arith.constant 0 : i32
      %dma_start3A_15 = arith.constant 0 : i32
      %dma_start3A_16 = tpu.memref_slice %arg2[%dma_start3A_14, %dma_start3A_15] : memref<10000x128xf32, #tpu.memory_space<hbm>> -> memref<10000x128xf32, #tpu.memory_space<hbm>>
      tpu.enqueue_indirect_dma source(%dma_start3A_16 : memref<10000x128xf32, #tpu.memory_space<hbm>>) target(%arg10 : memref<400x128xf32, #tpu.memory_space<vmem>>) offsets(%arg8 : memref<400xi32, #tpu.memory_space<vmem>>) semaphore(%arg12 : memref<!tpu.dma_semaphore, #tpu.memory_space<semaphore_mem>>)
      %dma_wait3A = arith.constant 0 : i32
      %dma_wait3A_17 = arith.constant 0 : i32
      %dma_wait3A_18 = tpu.memref_slice %arg2[%dma_wait3A, %dma_wait3A_17] : memref<10000x128xf32, #tpu.memory_space<hbm>> -> memref<10000x128xf32, #tpu.memory_space<hbm>>
      tpu.wait_indirect_dma semaphore(%arg11 : memref<!tpu.dma_semaphore, #tpu.memory_space<semaphore_mem>>) src(%dma_wait3A_18 : memref<10000x128xf32, #tpu.memory_space<hbm>>) dst(%arg9 : memref<400x128xf32, #tpu.memory_space<vmem>>)
      %dma_wait3A_19 = arith.constant 0 : i32
      %dma_wait3A_20 = arith.constant 0 : i32
      %dma_wait3A_21 = tpu.memref_slice %arg2[%dma_wait3A_19, %dma_wait3A_20] : memref<10000x128xf32, #tpu.memory_space<hbm>> -> memref<10000x128xf32, #tpu.memory_space<hbm>>
      tpu.wait_indirect_dma semaphore(%arg12 : memref<!tpu.dma_semaphore, #tpu.memory_space<semaphore_mem>>) src(%dma_wait3A_21 : memref<10000x128xf32, #tpu.memory_space<hbm>>) dst(%arg10 : memref<400x128xf32, #tpu.memory_space<vmem>>)
      "tpu.region"() ({
        %run_scoped3A = tpu.sem_alloc : memref<!tpu.dma_semaphore, #tpu.memory_space<semaphore_mem>>
        %dma_start3A_22 = arith.constant 0 : i32
        %dma_start3A_23 = tpu.memref_slice %arg5[%add3A_11, %dma_start3A_22] : memref<64000x128xf32, #tpu.memory_space<hbm>> -> memref<400x128xf32, #tpu.memory_space<hbm>>
        %dma_start3A_24 = arith.constant 0 : i32
        %dma_start3A_25 = tpu.memref_slice %arg5[%add3A_11, %dma_start3A_24] : memref<64000x128xf32, #tpu.memory_space<hbm>> -> memref<400x128xf32, #tpu.memory_space<hbm>>
        tpu.enqueue_dma source(%arg9 : memref<400x128xf32, #tpu.memory_space<vmem>>) target(%dma_start3A_25 : memref<400x128xf32, #tpu.memory_space<hbm>>) target_semaphore(%run_scoped3A : memref<!tpu.dma_semaphore, #tpu.memory_space<semaphore_mem>>)
        %dma_wait3A_26 = arith.constant 0 : i32
        %dma_wait3A_27 = tpu.memref_slice %arg5[%add3A_11, %dma_wait3A_26] : memref<64000x128xf32, #tpu.memory_space<hbm>> -> memref<400x128xf32, #tpu.memory_space<hbm>>
        %dma_wait3A_28 = arith.constant 0 : i32
        %dma_wait3A_29 = tpu.memref_slice %arg5[%add3A_11, %dma_wait3A_28] : memref<64000x128xf32, #tpu.memory_space<hbm>> -> memref<400x128xf32, #tpu.memory_space<hbm>>
        tpu.wait_dma2 semaphore(%run_scoped3A : memref<!tpu.dma_semaphore, #tpu.memory_space<semaphore_mem>>) src(%arg9 : memref<400x128xf32, #tpu.memory_space<vmem>>) dst(%dma_wait3A_29 : memref<400x128xf32, #tpu.memory_space<hbm>>)
        tpu.yield
      }) : () -> ()
      "tpu.region"() ({
        %run_scoped3A = tpu.sem_alloc : memref<!tpu.dma_semaphore, #tpu.memory_space<semaphore_mem>>
        %dma_start3A_22 = arith.constant 0 : i32
        %dma_start3A_23 = tpu.memref_slice %arg6[%add3A_11, %dma_start3A_22] : memref<64000x128xf32, #tpu.memory_space<hbm>> -> memref<400x128xf32, #tpu.memory_space<hbm>>
        %dma_start3A_24 = arith.constant 0 : i32
        %dma_start3A_25 = tpu.memref_slice %arg6[%add3A_11, %dma_start3A_24] : memref<64000x128xf32, #tpu.memory_space<hbm>> -> memref<400x128xf32, #tpu.memory_space<hbm>>
        tpu.enqueue_dma source(%arg10 : memref<400x128xf32, #tpu.memory_space<vmem>>) target(%dma_start3A_25 : memref<400x128xf32, #tpu.memory_space<hbm>>) target_semaphore(%run_scoped3A : memref<!tpu.dma_semaphore, #tpu.memory_space<semaphore_mem>>)
        %dma_wait3A_26 = arith.constant 0 : i32
        %dma_wait3A_27 = tpu.memref_slice %arg6[%add3A_11, %dma_wait3A_26] : memref<64000x128xf32, #tpu.memory_space<hbm>> -> memref<400x128xf32, #tpu.memory_space<hbm>>
        %dma_wait3A_28 = arith.constant 0 : i32
        %dma_wait3A_29 = tpu.memref_slice %arg6[%add3A_11, %dma_wait3A_28] : memref<64000x128xf32, #tpu.memory_space<hbm>> -> memref<400x128xf32, #tpu.memory_space<hbm>>
        tpu.wait_dma2 semaphore(%run_scoped3A : memref<!tpu.dma_semaphore, #tpu.memory_space<semaphore_mem>>) src(%arg10 : memref<400x128xf32, #tpu.memory_space<vmem>>) dst(%dma_wait3A_29 : memref<400x128xf32, #tpu.memory_space<hbm>>)
        tpu.yield
      }) : () -> ()
    }
    %scan3A_7 = arith.constant 5 : i32
    return
  }
}

#map = affine_map<(d0, d1) -> (0, 0)>
#map1 = affine_map<(d0, d1) -> (0)>
module attributes {stable_mosaic.version = 14 : i64} {
  func.func @gather_kernel(%arg0: i32, %arg1: i32, %arg2: memref<10000x128xf32, #tpu.memory_space<hbm>>, %arg3: memref<64000xi32, #tpu.memory_space<hbm>>, %arg4: memref<64000xi32, #tpu.memory_space<hbm>>, %arg5: memref<64000x128xf32, #tpu.memory_space<hbm>>, %arg6: memref<64000x128xf32, #tpu.memory_space<hbm>>, %arg7: memref<400xi32, #tpu.memory_space<vmem>>, %arg8: memref<400xi32, #tpu.memory_space<vmem>>, %arg9: memref<400x128xf32, #tpu.memory_space<vmem>>, %arg10: memref<400x128xf32, #tpu.memory_space<vmem>>, %arg11: memref<!tpu.dma_semaphore, #tpu.memory_space<semaphore_mem>>, %arg12: memref<!tpu.dma_semaphore, #tpu.memory_space<semaphore_mem>>) attributes {dimension_semantics = [#tpu.dimension_semantics<core_parallel>, #tpu.dimension_semantics<subcore_parallel>], iteration_bounds = array<i64: 2, 16>, scalar_prefetch = 0 : i64, scratch_operands = 6 : i64, tpu.core_type = #tpu.core_type<sc_vector_subcore>, window_params = [{transform_indices = #map}, {transform_indices = #map1}, {transform_indices = #map1}, {transform_indices = #map}, {transform_indices = #map}]} {
    %mul3A = arith.constant 2 : i32
    %mul3A_0 = arith.muli %arg1, %mul3A : i32
    %add3A = arith.addi %mul3A_0, %arg0 : i32
    %mul3A_1 = arith.constant 2000 : i32
    %mul3A_2 = arith.muli %add3A, %mul3A_1 : i32
    %scan3A = arith.constant 0 : i32
    %scan3A_3 = arith.constant 0 : i32
    %scan3A_4 = arith.constant 5 : i32
    %scan3A_5 = arith.addi %scan3A_3, %scan3A_4 : i32
    %scan3A_6 = arith.constant 1 : i32
    scf.for %scan3A_8 = %scan3A_3 to %scan3A_5 step %scan3A_6  : i32 {
      %mul3A_9 = arith.constant 400 : i32
      %mul3A_10 = arith.muli %scan3A_8, %mul3A_9 : i32
      %add3A_11 = arith.addi %mul3A_2, %mul3A_10 : i32
      "tpu.region"() ({
        %run_scoped3A = tpu.sem_alloc : memref<!tpu.dma_semaphore, #tpu.memory_space<semaphore_mem>>
        %dma_start3A_22 = tpu.memref_slice %arg3[%add3A_11] : memref<64000xi32, #tpu.memory_space<hbm>> -> memref<400xi32, #tpu.memory_space<hbm>>
        %dma_start3A_23 = tpu.memref_slice %arg3[%add3A_11] : memref<64000xi32, #tpu.memory_space<hbm>> -> memref<400xi32, #tpu.memory_space<hbm>>
        tpu.enqueue_dma source(%dma_start3A_23 : memref<400xi32, #tpu.memory_space<hbm>>) target(%arg7 : memref<400xi32, #tpu.memory_space<vmem>>) target_semaphore(%run_scoped3A : memref<!tpu.dma_semaphore, #tpu.memory_space<semaphore_mem>>)
        %dma_wait3A_24 = tpu.memref_slice %arg3[%add3A_11] : memref<64000xi32, #tpu.memory_space<hbm>> -> memref<400xi32, #tpu.memory_space<hbm>>
        %dma_wait3A_25 = tpu.memref_slice %arg3[%add3A_11] : memref<64000xi32, #tpu.memory_space<hbm>> -> memref<400xi32, #tpu.memory_space<hbm>>
        tpu.wait_dma2 semaphore(%run_scoped3A : memref<!tpu.dma_semaphore, #tpu.memory_space<semaphore_mem>>) src(%dma_wait3A_25 : memref<400xi32, #tpu.memory_space<hbm>>) dst(%arg7 : memref<400xi32, #tpu.memory_space<vmem>>)
        tpu.yield
      }) : () -> ()
      "tpu.region"() ({
        %run_scoped3A = tpu.sem_alloc : memref<!tpu.dma_semaphore, #tpu.memory_space<semaphore_mem>>
        %dma_start3A_22 = tpu.memref_slice %arg4[%add3A_11] : memref<64000xi32, #tpu.memory_space<hbm>> -> memref<400xi32, #tpu.memory_space<hbm>>
        %dma_start3A_23 = tpu.memref_slice %arg4[%add3A_11] : memref<64000xi32, #tpu.memory_space<hbm>> -> memref<400xi32, #tpu.memory_space<hbm>>
        tpu.enqueue_dma source(%dma_start3A_23 : memref<400xi32, #tpu.memory_space<hbm>>) target(%arg8 : memref<400xi32, #tpu.memory_space<vmem>>) target_semaphore(%run_scoped3A : memref<!tpu.dma_semaphore, #tpu.memory_space<semaphore_mem>>)
        %dma_wait3A_24 = tpu.memref_slice %arg4[%add3A_11] : memref<64000xi32, #tpu.memory_space<hbm>> -> memref<400xi32, #tpu.memory_space<hbm>>
        %dma_wait3A_25 = tpu.memref_slice %arg4[%add3A_11] : memref<64000xi32, #tpu.memory_space<hbm>> -> memref<400xi32, #tpu.memory_space<hbm>>
        tpu.wait_dma2 semaphore(%run_scoped3A : memref<!tpu.dma_semaphore, #tpu.memory_space<semaphore_mem>>) src(%dma_wait3A_25 : memref<400xi32, #tpu.memory_space<hbm>>) dst(%arg8 : memref<400xi32, #tpu.memory_space<vmem>>)
        tpu.yield
      }) : () -> ()
      %dma_start3A = arith.constant 0 : i32
      %dma_start3A_12 = arith.constant 0 : i32
      %dma_start3A_13 = tpu.memref_slice %arg2[%dma_start3A, %dma_start3A_12] : memref<10000x128xf32, #tpu.memory_space<hbm>> -> memref<10000x128xf32, #tpu.memory_space<hbm>>
      tpu.enqueue_indirect_dma source(%dma_start3A_13 : memref<10000x128xf32, #tpu.memory_space<hbm>>) target(%arg9 : memref<400x128xf32, #tpu.memory_space<vmem>>) offsets(%arg7 : memref<400xi32, #tpu.memory_space<vmem>>) semaphore(%arg11 : memref<!tpu.dma_semaphore, #tpu.memory_space<semaphore_mem>>)
      %dma_start3A_14 = arith.constant 0 : i32
      %dma_start3A_15 = arith.constant 0 : i32
      %dma_start3A_16 = tpu.memref_slice %arg2[%dma_start3A_14, %dma_start3A_15] : memref<10000x128xf32, #tpu.memory_space<hbm>> -> memref<10000x128xf32, #tpu.memory_space<hbm>>
      tpu.enqueue_indirect_dma source(%dma_start3A_16 : memref<10000x128xf32, #tpu.memory_space<hbm>>) target(%arg10 : memref<400x128xf32, #tpu.memory_space<vmem>>) offsets(%arg8 : memref<400xi32, #tpu.memory_space<vmem>>) semaphore(%arg12 : memref<!tpu.dma_semaphore, #tpu.memory_space<semaphore_mem>>)
      %dma_wait3A = arith.constant 0 : i32
      %dma_wait3A_17 = arith.constant 0 : i32
      %dma_wait3A_18 = tpu.memref_slice %arg2[%dma_wait3A, %dma_wait3A_17] : memref<10000x128xf32, #tpu.memory_space<hbm>> -> memref<10000x128xf32, #tpu.memory_space<hbm>>
      tpu.wait_indirect_dma semaphore(%arg11 : memref<!tpu.dma_semaphore, #tpu.memory_space<semaphore_mem>>) src(%dma_wait3A_18 : memref<10000x128xf32, #tpu.memory_space<hbm>>) dst(%arg9 : memref<400x128xf32, #tpu.memory_space<vmem>>)
      %dma_wait3A_19 = arith.constant 0 : i32
      %dma_wait3A_20 = arith.constant 0 : i32
      %dma_wait3A_21 = tpu.memref_slice %arg2[%dma_wait3A_19, %dma_wait3A_20] : memref<10000x128xf32, #tpu.memory_space<hbm>> -> memref<10000x128xf32, #tpu.memory_space<hbm>>
      tpu.wait_indirect_dma semaphore(%arg12 : memref<!tpu.dma_semaphore, #tpu.memory_space<semaphore_mem>>) src(%dma_wait3A_21 : memref<10000x128xf32, #tpu.memory_space<hbm>>) dst(%arg10 : memref<400x128xf32, #tpu.memory_space<vmem>>)
      "tpu.region"() ({
        %run_scoped3A = tpu.sem_alloc : memref<!tpu.dma_semaphore, #tpu.memory_space<semaphore_mem>>
        %dma_start3A_22 = arith.constant 0 : i32
        %dma_start3A_23 = tpu.memref_slice %arg5[%add3A_11, %dma_start3A_22] : memref<64000x128xf32, #tpu.memory_space<hbm>> -> memref<400x128xf32, #tpu.memory_space<hbm>>
        %dma_start3A_24 = arith.constant 0 : i32
        %dma_start3A_25 = tpu.memref_slice %arg5[%add3A_11, %dma_start3A_24] : memref<64000x128xf32, #tpu.memory_space<hbm>> -> memref<400x128xf32, #tpu.memory_space<hbm>>
        tpu.enqueue_dma source(%arg9 : memref<400x128xf32, #tpu.memory_space<vmem>>) target(%dma_start3A_25 : memref<400x128xf32, #tpu.memory_space<hbm>>) target_semaphore(%run_scoped3A : memref<!tpu.dma_semaphore, #tpu.memory_space<semaphore_mem>>)
        %dma_wait3A_26 = arith.constant 0 : i32
        %dma_wait3A_27 = tpu.memref_slice %arg5[%add3A_11, %dma_wait3A_26] : memref<64000x128xf32, #tpu.memory_space<hbm>> -> memref<400x128xf32, #tpu.memory_space<hbm>>
        %dma_wait3A_28 = arith.constant 0 : i32
        %dma_wait3A_29 = tpu.memref_slice %arg5[%add3A_11, %dma_wait3A_28] : memref<64000x128xf32, #tpu.memory_space<hbm>> -> memref<400x128xf32, #tpu.memory_space<hbm>>
        tpu.wait_dma2 semaphore(%run_scoped3A : memref<!tpu.dma_semaphore, #tpu.memory_space<semaphore_mem>>) src(%arg9 : memref<400x128xf32, #tpu.memory_space<vmem>>) dst(%dma_wait3A_29 : memref<400x128xf32, #tpu.memory_space<hbm>>)
        tpu.yield
      }) : () -> ()
      "tpu.region"() ({
        %run_scoped3A = tpu.sem_alloc : memref<!tpu.dma_semaphore, #tpu.memory_space<semaphore_mem>>
        %dma_start3A_22 = arith.constant 0 : i32
        %dma_start3A_23 = tpu.memref_slice %arg6[%add3A_11, %dma_start3A_22] : memref<64000x128xf32, #tpu.memory_space<hbm>> -> memref<400x128xf32, #tpu.memory_space<hbm>>
        %dma_start3A_24 = arith.constant 0 : i32
        %dma_start3A_25 = tpu.memref_slice %arg6[%add3A_11, %dma_start3A_24] : memref<64000x128xf32, #tpu.memory_space<hbm>> -> memref<400x128xf32, #tpu.memory_space<hbm>>
        tpu.enqueue_dma source(%arg10 : memref<400x128xf32, #tpu.memory_space<vmem>>) target(%dma_start3A_25 : memref<400x128xf32, #tpu.memory_space<hbm>>) target_semaphore(%run_scoped3A : memref<!tpu.dma_semaphore, #tpu.memory_space<semaphore_mem>>)
        %dma_wait3A_26 = arith.constant 0 : i32
        %dma_wait3A_27 = tpu.memref_slice %arg6[%add3A_11, %dma_wait3A_26] : memref<64000x128xf32, #tpu.memory_space<hbm>> -> memref<400x128xf32, #tpu.memory_space<hbm>>
        %dma_wait3A_28 = arith.constant 0 : i32
        %dma_wait3A_29 = tpu.memref_slice %arg6[%add3A_11, %dma_wait3A_28] : memref<64000x128xf32, #tpu.memory_space<hbm>> -> memref<400x128xf32, #tpu.memory_space<hbm>>
        tpu.wait_dma2 semaphore(%run_scoped3A : memref<!tpu.dma_semaphore, #tpu.memory_space<semaphore_mem>>) src(%arg10 : memref<400x128xf32, #tpu.memory_space<vmem>>) dst(%dma_wait3A_29 : memref<400x128xf32, #tpu.memory_space<hbm>>)
        tpu.yield
      }) : () -> ()
    }
    %scan3A_7 = arith.constant 5 : i32
    return
  }
}

#map = affine_map<(d0, d1) -> (0, 0)>
#map1 = affine_map<(d0, d1) -> (0)>
module attributes {stable_mosaic.version = 14 : i64} {
  func.func @gather_kernel(%arg0: i32, %arg1: i32, %arg2: memref<10000x128xf32, #tpu.memory_space<hbm>>, %arg3: memref<64000xi32, #tpu.memory_space<hbm>>, %arg4: memref<64000xi32, #tpu.memory_space<hbm>>, %arg5: memref<64000x128xf32, #tpu.memory_space<hbm>>, %arg6: memref<64000x128xf32, #tpu.memory_space<hbm>>, %arg7: memref<400xi32, #tpu.memory_space<vmem>>, %arg8: memref<400xi32, #tpu.memory_space<vmem>>, %arg9: memref<400x128xf32, #tpu.memory_space<vmem>>, %arg10: memref<400x128xf32, #tpu.memory_space<vmem>>, %arg11: memref<!tpu.dma_semaphore, #tpu.memory_space<semaphore_mem>>, %arg12: memref<!tpu.dma_semaphore, #tpu.memory_space<semaphore_mem>>) attributes {dimension_semantics = [#tpu.dimension_semantics<core_parallel>, #tpu.dimension_semantics<subcore_parallel>], iteration_bounds = array<i64: 2, 16>, scalar_prefetch = 0 : i64, scratch_operands = 6 : i64, tpu.core_type = #tpu.core_type<sc_vector_subcore>, window_params = [{transform_indices = #map}, {transform_indices = #map1}, {transform_indices = #map1}, {transform_indices = #map}, {transform_indices = #map}]} {
    %mul3A = arith.constant 2 : i32
    %mul3A_0 = arith.muli %arg1, %mul3A : i32
    %add3A = arith.addi %mul3A_0, %arg0 : i32
    %mul3A_1 = arith.constant 2000 : i32
    %mul3A_2 = arith.muli %add3A, %mul3A_1 : i32
    %scan3A = arith.constant 0 : i32
    %scan3A_3 = arith.constant 0 : i32
    %scan3A_4 = arith.constant 5 : i32
    %scan3A_5 = arith.addi %scan3A_3, %scan3A_4 : i32
    %scan3A_6 = arith.constant 1 : i32
    scf.for %scan3A_8 = %scan3A_3 to %scan3A_5 step %scan3A_6  : i32 {
      %mul3A_9 = arith.constant 400 : i32
      %mul3A_10 = arith.muli %scan3A_8, %mul3A_9 : i32
      %add3A_11 = arith.addi %mul3A_2, %mul3A_10 : i32
      "tpu.region"() ({
        %run_scoped3A = tpu.sem_alloc : memref<!tpu.dma_semaphore, #tpu.memory_space<semaphore_mem>>
        %dma_start3A_22 = tpu.memref_slice %arg3[%add3A_11] : memref<64000xi32, #tpu.memory_space<hbm>> -> memref<400xi32, #tpu.memory_space<hbm>>
        %dma_start3A_23 = tpu.memref_slice %arg3[%add3A_11] : memref<64000xi32, #tpu.memory_space<hbm>> -> memref<400xi32, #tpu.memory_space<hbm>>
        tpu.enqueue_dma source(%dma_start3A_23 : memref<400xi32, #tpu.memory_space<hbm>>) target(%arg7 : memref<400xi32, #tpu.memory_space<vmem>>) target_semaphore(%run_scoped3A : memref<!tpu.dma_semaphore, #tpu.memory_space<semaphore_mem>>)
        %dma_wait3A_24 = tpu.memref_slice %arg3[%add3A_11] : memref<64000xi32, #tpu.memory_space<hbm>> -> memref<400xi32, #tpu.memory_space<hbm>>
        %dma_wait3A_25 = tpu.memref_slice %arg3[%add3A_11] : memref<64000xi32, #tpu.memory_space<hbm>> -> memref<400xi32, #tpu.memory_space<hbm>>
        tpu.wait_dma2 semaphore(%run_scoped3A : memref<!tpu.dma_semaphore, #tpu.memory_space<semaphore_mem>>) src(%dma_wait3A_25 : memref<400xi32, #tpu.memory_space<hbm>>) dst(%arg7 : memref<400xi32, #tpu.memory_space<vmem>>)
        tpu.yield
      }) : () -> ()
      "tpu.region"() ({
        %run_scoped3A = tpu.sem_alloc : memref<!tpu.dma_semaphore, #tpu.memory_space<semaphore_mem>>
        %dma_start3A_22 = tpu.memref_slice %arg4[%add3A_11] : memref<64000xi32, #tpu.memory_space<hbm>> -> memref<400xi32, #tpu.memory_space<hbm>>
        %dma_start3A_23 = tpu.memref_slice %arg4[%add3A_11] : memref<64000xi32, #tpu.memory_space<hbm>> -> memref<400xi32, #tpu.memory_space<hbm>>
        tpu.enqueue_dma source(%dma_start3A_23 : memref<400xi32, #tpu.memory_space<hbm>>) target(%arg8 : memref<400xi32, #tpu.memory_space<vmem>>) target_semaphore(%run_scoped3A : memref<!tpu.dma_semaphore, #tpu.memory_space<semaphore_mem>>)
        %dma_wait3A_24 = tpu.memref_slice %arg4[%add3A_11] : memref<64000xi32, #tpu.memory_space<hbm>> -> memref<400xi32, #tpu.memory_space<hbm>>
        %dma_wait3A_25 = tpu.memref_slice %arg4[%add3A_11] : memref<64000xi32, #tpu.memory_space<hbm>> -> memref<400xi32, #tpu.memory_space<hbm>>
        tpu.wait_dma2 semaphore(%run_scoped3A : memref<!tpu.dma_semaphore, #tpu.memory_space<semaphore_mem>>) src(%dma_wait3A_25 : memref<400xi32, #tpu.memory_space<hbm>>) dst(%arg8 : memref<400xi32, #tpu.memory_space<vmem>>)
        tpu.yield
      }) : () -> ()
      %dma_start3A = arith.constant 0 : i32
      %dma_start3A_12 = arith.constant 0 : i32
      %dma_start3A_13 = tpu.memref_slice %arg2[%dma_start3A, %dma_start3A_12] : memref<10000x128xf32, #tpu.memory_space<hbm>> -> memref<10000x128xf32, #tpu.memory_space<hbm>>
      tpu.enqueue_indirect_dma source(%dma_start3A_13 : memref<10000x128xf32, #tpu.memory_space<hbm>>) target(%arg9 : memref<400x128xf32, #tpu.memory_space<vmem>>) offsets(%arg7 : memref<400xi32, #tpu.memory_space<vmem>>) semaphore(%arg11 : memref<!tpu.dma_semaphore, #tpu.memory_space<semaphore_mem>>)
      %dma_start3A_14 = arith.constant 0 : i32
      %dma_start3A_15 = arith.constant 0 : i32
      %dma_start3A_16 = tpu.memref_slice %arg2[%dma_start3A_14, %dma_start3A_15] : memref<10000x128xf32, #tpu.memory_space<hbm>> -> memref<10000x128xf32, #tpu.memory_space<hbm>>
      tpu.enqueue_indirect_dma source(%dma_start3A_16 : memref<10000x128xf32, #tpu.memory_space<hbm>>) target(%arg10 : memref<400x128xf32, #tpu.memory_space<vmem>>) offsets(%arg8 : memref<400xi32, #tpu.memory_space<vmem>>) semaphore(%arg12 : memref<!tpu.dma_semaphore, #tpu.memory_space<semaphore_mem>>)
      %dma_wait3A = arith.constant 0 : i32
      %dma_wait3A_17 = arith.constant 0 : i32
      %dma_wait3A_18 = tpu.memref_slice %arg2[%dma_wait3A, %dma_wait3A_17] : memref<10000x128xf32, #tpu.memory_space<hbm>> -> memref<10000x128xf32, #tpu.memory_space<hbm>>
      tpu.wait_indirect_dma semaphore(%arg11 : memref<!tpu.dma_semaphore, #tpu.memory_space<semaphore_mem>>) src(%dma_wait3A_18 : memref<10000x128xf32, #tpu.memory_space<hbm>>) dst(%arg9 : memref<400x128xf32, #tpu.memory_space<vmem>>)
      %dma_wait3A_19 = arith.constant 0 : i32
      %dma_wait3A_20 = arith.constant 0 : i32
      %dma_wait3A_21 = tpu.memref_slice %arg2[%dma_wait3A_19, %dma_wait3A_20] : memref<10000x128xf32, #tpu.memory_space<hbm>> -> memref<10000x128xf32, #tpu.memory_space<hbm>>
      tpu.wait_indirect_dma semaphore(%arg12 : memref<!tpu.dma_semaphore, #tpu.memory_space<semaphore_mem>>) src(%dma_wait3A_21 : memref<10000x128xf32, #tpu.memory_space<hbm>>) dst(%arg10 : memref<400x128xf32, #tpu.memory_space<vmem>>)
      "tpu.region"() ({
        %run_scoped3A = tpu.sem_alloc : memref<!tpu.dma_semaphore, #tpu.memory_space<semaphore_mem>>
        %dma_start3A_22 = arith.constant 0 : i32
        %dma_start3A_23 = tpu.memref_slice %arg5[%add3A_11, %dma_start3A_22] : memref<64000x128xf32, #tpu.memory_space<hbm>> -> memref<400x128xf32, #tpu.memory_space<hbm>>
        %dma_start3A_24 = arith.constant 0 : i32
        %dma_start3A_25 = tpu.memref_slice %arg5[%add3A_11, %dma_start3A_24] : memref<64000x128xf32, #tpu.memory_space<hbm>> -> memref<400x128xf32, #tpu.memory_space<hbm>>
        tpu.enqueue_dma source(%arg9 : memref<400x128xf32, #tpu.memory_space<vmem>>) target(%dma_start3A_25 : memref<400x128xf32, #tpu.memory_space<hbm>>) target_semaphore(%run_scoped3A : memref<!tpu.dma_semaphore, #tpu.memory_space<semaphore_mem>>)
        %dma_wait3A_26 = arith.constant 0 : i32
        %dma_wait3A_27 = tpu.memref_slice %arg5[%add3A_11, %dma_wait3A_26] : memref<64000x128xf32, #tpu.memory_space<hbm>> -> memref<400x128xf32, #tpu.memory_space<hbm>>
        %dma_wait3A_28 = arith.constant 0 : i32
        %dma_wait3A_29 = tpu.memref_slice %arg5[%add3A_11, %dma_wait3A_28] : memref<64000x128xf32, #tpu.memory_space<hbm>> -> memref<400x128xf32, #tpu.memory_space<hbm>>
        tpu.wait_dma2 semaphore(%run_scoped3A : memref<!tpu.dma_semaphore, #tpu.memory_space<semaphore_mem>>) src(%arg9 : memref<400x128xf32, #tpu.memory_space<vmem>>) dst(%dma_wait3A_29 : memref<400x128xf32, #tpu.memory_space<hbm>>)
        tpu.yield
      }) : () -> ()
      "tpu.region"() ({
        %run_scoped3A = tpu.sem_alloc : memref<!tpu.dma_semaphore, #tpu.memory_space<semaphore_mem>>
        %dma_start3A_22 = arith.constant 0 : i32
        %dma_start3A_23 = tpu.memref_slice %arg6[%add3A_11, %dma_start3A_22] : memref<64000x128xf32, #tpu.memory_space<hbm>> -> memref<400x128xf32, #tpu.memory_space<hbm>>
        %dma_start3A_24 = arith.constant 0 : i32
        %dma_start3A_25 = tpu.memref_slice %arg6[%add3A_11, %dma_start3A_24] : memref<64000x128xf32, #tpu.memory_space<hbm>> -> memref<400x128xf32, #tpu.memory_space<hbm>>
        tpu.enqueue_dma source(%arg10 : memref<400x128xf32, #tpu.memory_space<vmem>>) target(%dma_start3A_25 : memref<400x128xf32, #tpu.memory_space<hbm>>) target_semaphore(%run_scoped3A : memref<!tpu.dma_semaphore, #tpu.memory_space<semaphore_mem>>)
        %dma_wait3A_26 = arith.constant 0 : i32
        %dma_wait3A_27 = tpu.memref_slice %arg6[%add3A_11, %dma_wait3A_26] : memref<64000x128xf32, #tpu.memory_space<hbm>> -> memref<400x128xf32, #tpu.memory_space<hbm>>
        %dma_wait3A_28 = arith.constant 0 : i32
        %dma_wait3A_29 = tpu.memref_slice %arg6[%add3A_11, %dma_wait3A_28] : memref<64000x128xf32, #tpu.memory_space<hbm>> -> memref<400x128xf32, #tpu.memory_space<hbm>>
        tpu.wait_dma2 semaphore(%run_scoped3A : memref<!tpu.dma_semaphore, #tpu.memory_space<semaphore_mem>>) src(%arg10 : memref<400x128xf32, #tpu.memory_space<vmem>>) dst(%dma_wait3A_29 : memref<400x128xf32, #tpu.memory_space<hbm>>)
        tpu.yield
      }) : () -> ()
    }
    %scan3A_7 = arith.constant 5 : i32
    return
  }
}

#map = affine_map<(d0, d1) -> (0, 0)>
#map1 = affine_map<(d0, d1) -> (0)>
module attributes {stable_mosaic.version = 14 : i64} {
  func.func @gather_kernel(%arg0: i32, %arg1: i32, %arg2: memref<10000x128xf32, #tpu.memory_space<hbm>>, %arg3: memref<64000xi32, #tpu.memory_space<hbm>>, %arg4: memref<64000xi32, #tpu.memory_space<hbm>>, %arg5: memref<64000x128xf32, #tpu.memory_space<hbm>>, %arg6: memref<64000x128xf32, #tpu.memory_space<hbm>>, %arg7: memref<400xi32, #tpu.memory_space<vmem>>, %arg8: memref<400xi32, #tpu.memory_space<vmem>>, %arg9: memref<400x128xf32, #tpu.memory_space<vmem>>, %arg10: memref<400x128xf32, #tpu.memory_space<vmem>>, %arg11: memref<!tpu.dma_semaphore, #tpu.memory_space<semaphore_mem>>, %arg12: memref<!tpu.dma_semaphore, #tpu.memory_space<semaphore_mem>>) attributes {dimension_semantics = [#tpu.dimension_semantics<core_parallel>, #tpu.dimension_semantics<subcore_parallel>], iteration_bounds = array<i64: 2, 16>, scalar_prefetch = 0 : i64, scratch_operands = 6 : i64, tpu.core_type = #tpu.core_type<sc_vector_subcore>, window_params = [{transform_indices = #map}, {transform_indices = #map1}, {transform_indices = #map1}, {transform_indices = #map}, {transform_indices = #map}]} {
    %mul3A = arith.constant 2 : i32
    %mul3A_0 = arith.muli %arg1, %mul3A : i32
    %add3A = arith.addi %mul3A_0, %arg0 : i32
    %mul3A_1 = arith.constant 2000 : i32
    %mul3A_2 = arith.muli %add3A, %mul3A_1 : i32
    %scan3A = arith.constant 0 : i32
    %scan3A_3 = arith.constant 0 : i32
    %scan3A_4 = arith.constant 5 : i32
    %scan3A_5 = arith.addi %scan3A_3, %scan3A_4 : i32
    %scan3A_6 = arith.constant 1 : i32
    scf.for %scan3A_8 = %scan3A_3 to %scan3A_5 step %scan3A_6  : i32 {
      %mul3A_9 = arith.constant 400 : i32
      %mul3A_10 = arith.muli %scan3A_8, %mul3A_9 : i32
      %add3A_11 = arith.addi %mul3A_2, %mul3A_10 : i32
      "tpu.region"() ({
        %run_scoped3A = tpu.sem_alloc : memref<!tpu.dma_semaphore, #tpu.memory_space<semaphore_mem>>
        %dma_start3A_22 = tpu.memref_slice %arg3[%add3A_11] : memref<64000xi32, #tpu.memory_space<hbm>> -> memref<400xi32, #tpu.memory_space<hbm>>
        %dma_start3A_23 = tpu.memref_slice %arg3[%add3A_11] : memref<64000xi32, #tpu.memory_space<hbm>> -> memref<400xi32, #tpu.memory_space<hbm>>
        tpu.enqueue_dma source(%dma_start3A_23 : memref<400xi32, #tpu.memory_space<hbm>>) target(%arg7 : memref<400xi32, #tpu.memory_space<vmem>>) target_semaphore(%run_scoped3A : memref<!tpu.dma_semaphore, #tpu.memory_space<semaphore_mem>>)
        %dma_wait3A_24 = tpu.memref_slice %arg3[%add3A_11] : memref<64000xi32, #tpu.memory_space<hbm>> -> memref<400xi32, #tpu.memory_space<hbm>>
        %dma_wait3A_25 = tpu.memref_slice %arg3[%add3A_11] : memref<64000xi32, #tpu.memory_space<hbm>> -> memref<400xi32, #tpu.memory_space<hbm>>
        tpu.wait_dma2 semaphore(%run_scoped3A : memref<!tpu.dma_semaphore, #tpu.memory_space<semaphore_mem>>) src(%dma_wait3A_25 : memref<400xi32, #tpu.memory_space<hbm>>) dst(%arg7 : memref<400xi32, #tpu.memory_space<vmem>>)
        tpu.yield
      }) : () -> ()
      "tpu.region"() ({
        %run_scoped3A = tpu.sem_alloc : memref<!tpu.dma_semaphore, #tpu.memory_space<semaphore_mem>>
        %dma_start3A_22 = tpu.memref_slice %arg4[%add3A_11] : memref<64000xi32, #tpu.memory_space<hbm>> -> memref<400xi32, #tpu.memory_space<hbm>>
        %dma_start3A_23 = tpu.memref_slice %arg4[%add3A_11] : memref<64000xi32, #tpu.memory_space<hbm>> -> memref<400xi32, #tpu.memory_space<hbm>>
        tpu.enqueue_dma source(%dma_start3A_23 : memref<400xi32, #tpu.memory_space<hbm>>) target(%arg8 : memref<400xi32, #tpu.memory_space<vmem>>) target_semaphore(%run_scoped3A : memref<!tpu.dma_semaphore, #tpu.memory_space<semaphore_mem>>)
        %dma_wait3A_24 = tpu.memref_slice %arg4[%add3A_11] : memref<64000xi32, #tpu.memory_space<hbm>> -> memref<400xi32, #tpu.memory_space<hbm>>
        %dma_wait3A_25 = tpu.memref_slice %arg4[%add3A_11] : memref<64000xi32, #tpu.memory_space<hbm>> -> memref<400xi32, #tpu.memory_space<hbm>>
        tpu.wait_dma2 semaphore(%run_scoped3A : memref<!tpu.dma_semaphore, #tpu.memory_space<semaphore_mem>>) src(%dma_wait3A_25 : memref<400xi32, #tpu.memory_space<hbm>>) dst(%arg8 : memref<400xi32, #tpu.memory_space<vmem>>)
        tpu.yield
      }) : () -> ()
      %dma_start3A = arith.constant 0 : i32
      %dma_start3A_12 = arith.constant 0 : i32
      %dma_start3A_13 = tpu.memref_slice %arg2[%dma_start3A, %dma_start3A_12] : memref<10000x128xf32, #tpu.memory_space<hbm>> -> memref<10000x128xf32, #tpu.memory_space<hbm>>
      tpu.enqueue_indirect_dma source(%dma_start3A_13 : memref<10000x128xf32, #tpu.memory_space<hbm>>) target(%arg9 : memref<400x128xf32, #tpu.memory_space<vmem>>) offsets(%arg7 : memref<400xi32, #tpu.memory_space<vmem>>) semaphore(%arg11 : memref<!tpu.dma_semaphore, #tpu.memory_space<semaphore_mem>>)
      %dma_start3A_14 = arith.constant 0 : i32
      %dma_start3A_15 = arith.constant 0 : i32
      %dma_start3A_16 = tpu.memref_slice %arg2[%dma_start3A_14, %dma_start3A_15] : memref<10000x128xf32, #tpu.memory_space<hbm>> -> memref<10000x128xf32, #tpu.memory_space<hbm>>
      tpu.enqueue_indirect_dma source(%dma_start3A_16 : memref<10000x128xf32, #tpu.memory_space<hbm>>) target(%arg10 : memref<400x128xf32, #tpu.memory_space<vmem>>) offsets(%arg8 : memref<400xi32, #tpu.memory_space<vmem>>) semaphore(%arg12 : memref<!tpu.dma_semaphore, #tpu.memory_space<semaphore_mem>>)
      %dma_wait3A = arith.constant 0 : i32
      %dma_wait3A_17 = arith.constant 0 : i32
      %dma_wait3A_18 = tpu.memref_slice %arg2[%dma_wait3A, %dma_wait3A_17] : memref<10000x128xf32, #tpu.memory_space<hbm>> -> memref<10000x128xf32, #tpu.memory_space<hbm>>
      tpu.wait_indirect_dma semaphore(%arg11 : memref<!tpu.dma_semaphore, #tpu.memory_space<semaphore_mem>>) src(%dma_wait3A_18 : memref<10000x128xf32, #tpu.memory_space<hbm>>) dst(%arg9 : memref<400x128xf32, #tpu.memory_space<vmem>>)
      %dma_wait3A_19 = arith.constant 0 : i32
      %dma_wait3A_20 = arith.constant 0 : i32
      %dma_wait3A_21 = tpu.memref_slice %arg2[%dma_wait3A_19, %dma_wait3A_20] : memref<10000x128xf32, #tpu.memory_space<hbm>> -> memref<10000x128xf32, #tpu.memory_space<hbm>>
      tpu.wait_indirect_dma semaphore(%arg12 : memref<!tpu.dma_semaphore, #tpu.memory_space<semaphore_mem>>) src(%dma_wait3A_21 : memref<10000x128xf32, #tpu.memory_space<hbm>>) dst(%arg10 : memref<400x128xf32, #tpu.memory_space<vmem>>)
      "tpu.region"() ({
        %run_scoped3A = tpu.sem_alloc : memref<!tpu.dma_semaphore, #tpu.memory_space<semaphore_mem>>
        %dma_start3A_22 = arith.constant 0 : i32
        %dma_start3A_23 = tpu.memref_slice %arg5[%add3A_11, %dma_start3A_22] : memref<64000x128xf32, #tpu.memory_space<hbm>> -> memref<400x128xf32, #tpu.memory_space<hbm>>
        %dma_start3A_24 = arith.constant 0 : i32
        %dma_start3A_25 = tpu.memref_slice %arg5[%add3A_11, %dma_start3A_24] : memref<64000x128xf32, #tpu.memory_space<hbm>> -> memref<400x128xf32, #tpu.memory_space<hbm>>
        tpu.enqueue_dma source(%arg9 : memref<400x128xf32, #tpu.memory_space<vmem>>) target(%dma_start3A_25 : memref<400x128xf32, #tpu.memory_space<hbm>>) target_semaphore(%run_scoped3A : memref<!tpu.dma_semaphore, #tpu.memory_space<semaphore_mem>>)
        %dma_wait3A_26 = arith.constant 0 : i32
        %dma_wait3A_27 = tpu.memref_slice %arg5[%add3A_11, %dma_wait3A_26] : memref<64000x128xf32, #tpu.memory_space<hbm>> -> memref<400x128xf32, #tpu.memory_space<hbm>>
        %dma_wait3A_28 = arith.constant 0 : i32
        %dma_wait3A_29 = tpu.memref_slice %arg5[%add3A_11, %dma_wait3A_28] : memref<64000x128xf32, #tpu.memory_space<hbm>> -> memref<400x128xf32, #tpu.memory_space<hbm>>
        tpu.wait_dma2 semaphore(%run_scoped3A : memref<!tpu.dma_semaphore, #tpu.memory_space<semaphore_mem>>) src(%arg9 : memref<400x128xf32, #tpu.memory_space<vmem>>) dst(%dma_wait3A_29 : memref<400x128xf32, #tpu.memory_space<hbm>>)
        tpu.yield
      }) : () -> ()
      "tpu.region"() ({
        %run_scoped3A = tpu.sem_alloc : memref<!tpu.dma_semaphore, #tpu.memory_space<semaphore_mem>>
        %dma_start3A_22 = arith.constant 0 : i32
        %dma_start3A_23 = tpu.memref_slice %arg6[%add3A_11, %dma_start3A_22] : memref<64000x128xf32, #tpu.memory_space<hbm>> -> memref<400x128xf32, #tpu.memory_space<hbm>>
        %dma_start3A_24 = arith.constant 0 : i32
        %dma_start3A_25 = tpu.memref_slice %arg6[%add3A_11, %dma_start3A_24] : memref<64000x128xf32, #tpu.memory_space<hbm>> -> memref<400x128xf32, #tpu.memory_space<hbm>>
        tpu.enqueue_dma source(%arg10 : memref<400x128xf32, #tpu.memory_space<vmem>>) target(%dma_start3A_25 : memref<400x128xf32, #tpu.memory_space<hbm>>) target_semaphore(%run_scoped3A : memref<!tpu.dma_semaphore, #tpu.memory_space<semaphore_mem>>)
        %dma_wait3A_26 = arith.constant 0 : i32
        %dma_wait3A_27 = tpu.memref_slice %arg6[%add3A_11, %dma_wait3A_26] : memref<64000x128xf32, #tpu.memory_space<hbm>> -> memref<400x128xf32, #tpu.memory_space<hbm>>
        %dma_wait3A_28 = arith.constant 0 : i32
        %dma_wait3A_29 = tpu.memref_slice %arg6[%add3A_11, %dma_wait3A_28] : memref<64000x128xf32, #tpu.memory_space<hbm>> -> memref<400x128xf32, #tpu.memory_space<hbm>>
        tpu.wait_dma2 semaphore(%run_scoped3A : memref<!tpu.dma_semaphore, #tpu.memory_space<semaphore_mem>>) src(%arg10 : memref<400x128xf32, #tpu.memory_space<vmem>>) dst(%dma_wait3A_29 : memref<400x128xf32, #tpu.memory_space<hbm>>)
        tpu.yield
      }) : () -> ()
    }
    %scan3A_7 = arith.constant 5 : i32
    return
  }
}

#map = affine_map<(d0, d1) -> (0)>
#map1 = affine_map<(d0, d1) -> (0, 0, 0)>
#map2 = affine_map<(d0, d1) -> (0, 0)>
module attributes {stable_mosaic.version = 14 : i64} {
  func.func @scatter_kernel(%arg0: i32, %arg1: i32, %arg2: memref<192000xi32, #tpu.memory_space<hbm>>, %arg3: memref<2x10112x128xf32, #tpu.memory_space<hbm>>, %arg4: memref<64000x128xf32, #tpu.memory_space<hbm>>, %arg5: memref<64000x128xf32, #tpu.memory_space<hbm>>, %arg6: memref<64000x128xf32, #tpu.memory_space<hbm>>, %arg7: memref<2x10112x128xf32, #tpu.memory_space<hbm>>, %arg8: memref<200xi32, #tpu.memory_space<vmem>>, %arg9: memref<200x128xf32, #tpu.memory_space<vmem>>, %arg10: memref<10112x128xf32, #tpu.memory_space<vmem_shared>>) attributes {dimension_semantics = [#tpu.dimension_semantics<core_parallel>, #tpu.dimension_semantics<subcore_parallel>], iteration_bounds = array<i64: 2, 16>, scalar_prefetch = 0 : i64, scratch_operands = 3 : i64, tpu.core_type = #tpu.core_type<sc_vector_subcore>, window_params = [{transform_indices = #map}, {transform_indices = #map1}, {transform_indices = #map2}, {transform_indices = #map2}, {transform_indices = #map2}, {transform_indices = #map1}]} {
    %mul3A = arith.constant 2 : i32
    %mul3A_0 = arith.muli %arg1, %mul3A : i32
    %add3A = arith.addi %mul3A_0, %arg0 : i32
    %mul3A_1 = arith.constant 632 : i32
    %mul3A_2 = arith.muli %arg1, %mul3A_1 : i32
    %mul3A_3 = arith.constant 632 : i32
    %mul3A_4 = arith.muli %arg1, %mul3A_3 : i32
    "tpu.region"() ({
      %run_scoped3A = tpu.sem_alloc : memref<!tpu.dma_semaphore, #tpu.memory_space<semaphore_mem>>
      %dma_start3A = arith.constant 0 : i32
      %dma_start3A_29 = tpu.memref_slice %arg10[%mul3A_4, %dma_start3A] : memref<10112x128xf32, #tpu.memory_space<vmem_shared>> -> memref<632x128xf32, #tpu.memory_space<vmem_shared>>
      %dma_start3A_30 = arith.constant 0 : i32
      %dma_start3A_31 = tpu.memref_slice %arg3[%arg0, %mul3A_2, %dma_start3A_30] : memref<2x10112x128xf32, #tpu.memory_space<hbm>> -> memref<1x632x128xf32, #tpu.memory_space<hbm>>
      %dma_start3A_32 = tpu.memref_squeeze %dma_start3A_31 : memref<1x632x128xf32, #tpu.memory_space<hbm>> -> memref<632x128xf32, #tpu.memory_space<hbm>>
      tpu.enqueue_dma source(%dma_start3A_32 : memref<632x128xf32, #tpu.memory_space<hbm>>) target(%dma_start3A_29 : memref<632x128xf32, #tpu.memory_space<vmem_shared>>) target_semaphore(%run_scoped3A : memref<!tpu.dma_semaphore, #tpu.memory_space<semaphore_mem>>)
      %dma_wait3A = arith.constant 0 : i32
      %dma_wait3A_33 = tpu.memref_slice %arg10[%mul3A_4, %dma_wait3A] : memref<10112x128xf32, #tpu.memory_space<vmem_shared>> -> memref<632x128xf32, #tpu.memory_space<vmem_shared>>
      %dma_wait3A_34 = arith.constant 0 : i32
      %dma_wait3A_35 = tpu.memref_slice %arg3[%arg0, %mul3A_2, %dma_wait3A_34] : memref<2x10112x128xf32, #tpu.memory_space<hbm>> -> memref<1x632x128xf32, #tpu.memory_space<hbm>>
      %dma_wait3A_36 = tpu.memref_squeeze %dma_wait3A_35 : memref<1x632x128xf32, #tpu.memory_space<hbm>> -> memref<632x128xf32, #tpu.memory_space<hbm>>
      tpu.wait_dma2 semaphore(%run_scoped3A : memref<!tpu.dma_semaphore, #tpu.memory_space<semaphore_mem>>) src(%dma_wait3A_36 : memref<632x128xf32, #tpu.memory_space<hbm>>) dst(%dma_wait3A_33 : memref<632x128xf32, #tpu.memory_space<vmem_shared>>)
      tpu.yield
    }) : () -> ()
    %barrier3A = arith.constant 0 : index
    tpu.barrier barrier_id(%barrier3A)
    %mul3A_5 = arith.constant 2000 : i32
    %mul3A_6 = arith.muli %add3A, %mul3A_5 : i32
    %scan3A = arith.constant 0 : i32
    %scan3A_7 = arith.constant 0 : i32
    %scan3A_8 = arith.constant 10 : i32
    %scan3A_9 = arith.addi %scan3A_7, %scan3A_8 : i32
    %scan3A_10 = arith.constant 1 : i32
    scf.for %scan3A_29 = %scan3A_7 to %scan3A_9 step %scan3A_10  : i32 {
      %mul3A_30 = arith.constant 200 : i32
      %mul3A_31 = arith.muli %scan3A_29, %mul3A_30 : i32
      %add3A_32 = arith.addi %mul3A_6, %mul3A_31 : i32
      %add3A_33 = arith.constant 0 : i32
      %add3A_34 = arith.addi %add3A_33, %add3A_32 : i32
      "tpu.region"() ({
        %run_scoped3A = tpu.sem_alloc : memref<!tpu.dma_semaphore, #tpu.memory_space<semaphore_mem>>
        %dma_start3A = tpu.memref_slice %arg2[%add3A_34] : memref<192000xi32, #tpu.memory_space<hbm>> -> memref<200xi32, #tpu.memory_space<hbm>>
        %dma_start3A_35 = tpu.memref_slice %arg2[%add3A_34] : memref<192000xi32, #tpu.memory_space<hbm>> -> memref<200xi32, #tpu.memory_space<hbm>>
        tpu.enqueue_dma source(%dma_start3A_35 : memref<200xi32, #tpu.memory_space<hbm>>) target(%arg8 : memref<200xi32, #tpu.memory_space<vmem>>) target_semaphore(%run_scoped3A : memref<!tpu.dma_semaphore, #tpu.memory_space<semaphore_mem>>)
        %dma_wait3A = tpu.memref_slice %arg2[%add3A_34] : memref<192000xi32, #tpu.memory_space<hbm>> -> memref<200xi32, #tpu.memory_space<hbm>>
        %dma_wait3A_36 = tpu.memref_slice %arg2[%add3A_34] : memref<192000xi32, #tpu.memory_space<hbm>> -> memref<200xi32, #tpu.memory_space<hbm>>
        tpu.wait_dma2 semaphore(%run_scoped3A : memref<!tpu.dma_semaphore, #tpu.memory_space<semaphore_mem>>) src(%dma_wait3A_36 : memref<200xi32, #tpu.memory_space<hbm>>) dst(%arg8 : memref<200xi32, #tpu.memory_space<vmem>>)
        tpu.yield
      }) : () -> ()
      "tpu.region"() ({
        %run_scoped3A = tpu.sem_alloc : memref<!tpu.dma_semaphore, #tpu.memory_space<semaphore_mem>>
        %dma_start3A = arith.constant 0 : i32
        %dma_start3A_35 = tpu.memref_slice %arg4[%add3A_32, %dma_start3A] : memref<64000x128xf32, #tpu.memory_space<hbm>> -> memref<200x128xf32, #tpu.memory_space<hbm>>
        %dma_start3A_36 = arith.constant 0 : i32
        %dma_start3A_37 = tpu.memref_slice %arg4[%add3A_32, %dma_start3A_36] : memref<64000x128xf32, #tpu.memory_space<hbm>> -> memref<200x128xf32, #tpu.memory_space<hbm>>
        tpu.enqueue_dma source(%dma_start3A_37 : memref<200x128xf32, #tpu.memory_space<hbm>>) target(%arg9 : memref<200x128xf32, #tpu.memory_space<vmem>>) target_semaphore(%run_scoped3A : memref<!tpu.dma_semaphore, #tpu.memory_space<semaphore_mem>>)
        %dma_wait3A = arith.constant 0 : i32
        %dma_wait3A_38 = tpu.memref_slice %arg4[%add3A_32, %dma_wait3A] : memref<64000x128xf32, #tpu.memory_space<hbm>> -> memref<200x128xf32, #tpu.memory_space<hbm>>
        %dma_wait3A_39 = arith.constant 0 : i32
        %dma_wait3A_40 = tpu.memref_slice %arg4[%add3A_32, %dma_wait3A_39] : memref<64000x128xf32, #tpu.memory_space<hbm>> -> memref<200x128xf32, #tpu.memory_space<hbm>>
        tpu.wait_dma2 semaphore(%run_scoped3A : memref<!tpu.dma_semaphore, #tpu.memory_space<semaphore_mem>>) src(%dma_wait3A_40 : memref<200x128xf32, #tpu.memory_space<hbm>>) dst(%arg9 : memref<200x128xf32, #tpu.memory_space<vmem>>)
        tpu.yield
      }) : () -> ()
      "tpu.region"() ({
        %run_scoped3A = tpu.sem_alloc : memref<!tpu.dma_semaphore, #tpu.memory_space<semaphore_mem>>
        %dma_start3A = arith.constant 0 : i32
        %dma_start3A_35 = arith.constant 0 : i32
        %dma_start3A_36 = tpu.memref_slice %arg10[%dma_start3A, %dma_start3A_35] : memref<10112x128xf32, #tpu.memory_space<vmem_shared>> -> memref<10112x128xf32, #tpu.memory_space<vmem_shared>>
        tpu.enqueue_indirect_dma source(%arg9 : memref<200x128xf32, #tpu.memory_space<vmem>>) target(%dma_start3A_36 : memref<10112x128xf32, #tpu.memory_space<vmem_shared>>) offsets(%arg8 : memref<200xi32, #tpu.memory_space<vmem>>) semaphore(%run_scoped3A : memref<!tpu.dma_semaphore, #tpu.memory_space<semaphore_mem>>) {add = true}
        %dma_wait3A = arith.constant 0 : i32
        %dma_wait3A_37 = arith.constant 0 : i32
        %dma_wait3A_38 = tpu.memref_slice %arg10[%dma_wait3A, %dma_wait3A_37] : memref<10112x128xf32, #tpu.memory_space<vmem_shared>> -> memref<10112x128xf32, #tpu.memory_space<vmem_shared>>
        tpu.wait_indirect_dma semaphore(%run_scoped3A : memref<!tpu.dma_semaphore, #tpu.memory_space<semaphore_mem>>) src(%arg9 : memref<200x128xf32, #tpu.memory_space<vmem>>) dst(%dma_wait3A_38 : memref<10112x128xf32, #tpu.memory_space<vmem_shared>>)
        tpu.yield
      }) : () -> ()
    }
    %scan3A_11 = arith.constant 10 : i32
    %scan3A_12 = arith.constant 0 : i32
    %scan3A_13 = arith.constant 0 : i32
    %scan3A_14 = arith.constant 10 : i32
    %scan3A_15 = arith.addi %scan3A_13, %scan3A_14 : i32
    %scan3A_16 = arith.constant 1 : i32
    scf.for %scan3A_29 = %scan3A_13 to %scan3A_15 step %scan3A_16  : i32 {
      %mul3A_30 = arith.constant 200 : i32
      %mul3A_31 = arith.muli %scan3A_29, %mul3A_30 : i32
      %add3A_32 = arith.addi %mul3A_6, %mul3A_31 : i32
      %add3A_33 = arith.constant 64000 : i32
      %add3A_34 = arith.addi %add3A_33, %add3A_32 : i32
      "tpu.region"() ({
        %run_scoped3A = tpu.sem_alloc : memref<!tpu.dma_semaphore, #tpu.memory_space<semaphore_mem>>
        %dma_start3A = tpu.memref_slice %arg2[%add3A_34] : memref<192000xi32, #tpu.memory_space<hbm>> -> memref<200xi32, #tpu.memory_space<hbm>>
        %dma_start3A_35 = tpu.memref_slice %arg2[%add3A_34] : memref<192000xi32, #tpu.memory_space<hbm>> -> memref<200xi32, #tpu.memory_space<hbm>>
        tpu.enqueue_dma source(%dma_start3A_35 : memref<200xi32, #tpu.memory_space<hbm>>) target(%arg8 : memref<200xi32, #tpu.memory_space<vmem>>) target_semaphore(%run_scoped3A : memref<!tpu.dma_semaphore, #tpu.memory_space<semaphore_mem>>)
        %dma_wait3A = tpu.memref_slice %arg2[%add3A_34] : memref<192000xi32, #tpu.memory_space<hbm>> -> memref<200xi32, #tpu.memory_space<hbm>>
        %dma_wait3A_36 = tpu.memref_slice %arg2[%add3A_34] : memref<192000xi32, #tpu.memory_space<hbm>> -> memref<200xi32, #tpu.memory_space<hbm>>
        tpu.wait_dma2 semaphore(%run_scoped3A : memref<!tpu.dma_semaphore, #tpu.memory_space<semaphore_mem>>) src(%dma_wait3A_36 : memref<200xi32, #tpu.memory_space<hbm>>) dst(%arg8 : memref<200xi32, #tpu.memory_space<vmem>>)
        tpu.yield
      }) : () -> ()
      "tpu.region"() ({
        %run_scoped3A = tpu.sem_alloc : memref<!tpu.dma_semaphore, #tpu.memory_space<semaphore_mem>>
        %dma_start3A = arith.constant 0 : i32
        %dma_start3A_35 = tpu.memref_slice %arg5[%add3A_32, %dma_start3A] : memref<64000x128xf32, #tpu.memory_space<hbm>> -> memref<200x128xf32, #tpu.memory_space<hbm>>
        %dma_start3A_36 = arith.constant 0 : i32
        %dma_start3A_37 = tpu.memref_slice %arg5[%add3A_32, %dma_start3A_36] : memref<64000x128xf32, #tpu.memory_space<hbm>> -> memref<200x128xf32, #tpu.memory_space<hbm>>
        tpu.enqueue_dma source(%dma_start3A_37 : memref<200x128xf32, #tpu.memory_space<hbm>>) target(%arg9 : memref<200x128xf32, #tpu.memory_space<vmem>>) target_semaphore(%run_scoped3A : memref<!tpu.dma_semaphore, #tpu.memory_space<semaphore_mem>>)
        %dma_wait3A = arith.constant 0 : i32
        %dma_wait3A_38 = tpu.memref_slice %arg5[%add3A_32, %dma_wait3A] : memref<64000x128xf32, #tpu.memory_space<hbm>> -> memref<200x128xf32, #tpu.memory_space<hbm>>
        %dma_wait3A_39 = arith.constant 0 : i32
        %dma_wait3A_40 = tpu.memref_slice %arg5[%add3A_32, %dma_wait3A_39] : memref<64000x128xf32, #tpu.memory_space<hbm>> -> memref<200x128xf32, #tpu.memory_space<hbm>>
        tpu.wait_dma2 semaphore(%run_scoped3A : memref<!tpu.dma_semaphore, #tpu.memory_space<semaphore_mem>>) src(%dma_wait3A_40 : memref<200x128xf32, #tpu.memory_space<hbm>>) dst(%arg9 : memref<200x128xf32, #tpu.memory_space<vmem>>)
        tpu.yield
      }) : () -> ()
      "tpu.region"() ({
        %run_scoped3A = tpu.sem_alloc : memref<!tpu.dma_semaphore, #tpu.memory_space<semaphore_mem>>
        %dma_start3A = arith.constant 0 : i32
        %dma_start3A_35 = arith.constant 0 : i32
        %dma_start3A_36 = tpu.memref_slice %arg10[%dma_start3A, %dma_start3A_35] : memref<10112x128xf32, #tpu.memory_space<vmem_shared>> -> memref<10112x128xf32, #tpu.memory_space<vmem_shared>>
        tpu.enqueue_indirect_dma source(%arg9 : memref<200x128xf32, #tpu.memory_space<vmem>>) target(%dma_start3A_36 : memref<10112x128xf32, #tpu.memory_space<vmem_shared>>) offsets(%arg8 : memref<200xi32, #tpu.memory_space<vmem>>) semaphore(%run_scoped3A : memref<!tpu.dma_semaphore, #tpu.memory_space<semaphore_mem>>) {add = true}
        %dma_wait3A = arith.constant 0 : i32
        %dma_wait3A_37 = arith.constant 0 : i32
        %dma_wait3A_38 = tpu.memref_slice %arg10[%dma_wait3A, %dma_wait3A_37] : memref<10112x128xf32, #tpu.memory_space<vmem_shared>> -> memref<10112x128xf32, #tpu.memory_space<vmem_shared>>
        tpu.wait_indirect_dma semaphore(%run_scoped3A : memref<!tpu.dma_semaphore, #tpu.memory_space<semaphore_mem>>) src(%arg9 : memref<200x128xf32, #tpu.memory_space<vmem>>) dst(%dma_wait3A_38 : memref<10112x128xf32, #tpu.memory_space<vmem_shared>>)
        tpu.yield
      }) : () -> ()
    }
    %scan3A_17 = arith.constant 10 : i32
    %scan3A_18 = arith.constant 0 : i32
    %scan3A_19 = arith.constant 0 : i32
    %scan3A_20 = arith.constant 10 : i32
    %scan3A_21 = arith.addi %scan3A_19, %scan3A_20 : i32
    %scan3A_22 = arith.constant 1 : i32
    scf.for %scan3A_29 = %scan3A_19 to %scan3A_21 step %scan3A_22  : i32 {
      %mul3A_30 = arith.constant 200 : i32
      %mul3A_31 = arith.muli %scan3A_29, %mul3A_30 : i32
      %add3A_32 = arith.addi %mul3A_6, %mul3A_31 : i32
      %add3A_33 = arith.constant 128000 : i32
      %add3A_34 = arith.addi %add3A_33, %add3A_32 : i32
      "tpu.region"() ({
        %run_scoped3A = tpu.sem_alloc : memref<!tpu.dma_semaphore, #tpu.memory_space<semaphore_mem>>
        %dma_start3A = tpu.memref_slice %arg2[%add3A_34] : memref<192000xi32, #tpu.memory_space<hbm>> -> memref<200xi32, #tpu.memory_space<hbm>>
        %dma_start3A_35 = tpu.memref_slice %arg2[%add3A_34] : memref<192000xi32, #tpu.memory_space<hbm>> -> memref<200xi32, #tpu.memory_space<hbm>>
        tpu.enqueue_dma source(%dma_start3A_35 : memref<200xi32, #tpu.memory_space<hbm>>) target(%arg8 : memref<200xi32, #tpu.memory_space<vmem>>) target_semaphore(%run_scoped3A : memref<!tpu.dma_semaphore, #tpu.memory_space<semaphore_mem>>)
        %dma_wait3A = tpu.memref_slice %arg2[%add3A_34] : memref<192000xi32, #tpu.memory_space<hbm>> -> memref<200xi32, #tpu.memory_space<hbm>>
        %dma_wait3A_36 = tpu.memref_slice %arg2[%add3A_34] : memref<192000xi32, #tpu.memory_space<hbm>> -> memref<200xi32, #tpu.memory_space<hbm>>
        tpu.wait_dma2 semaphore(%run_scoped3A : memref<!tpu.dma_semaphore, #tpu.memory_space<semaphore_mem>>) src(%dma_wait3A_36 : memref<200xi32, #tpu.memory_space<hbm>>) dst(%arg8 : memref<200xi32, #tpu.memory_space<vmem>>)
        tpu.yield
      }) : () -> ()
      "tpu.region"() ({
        %run_scoped3A = tpu.sem_alloc : memref<!tpu.dma_semaphore, #tpu.memory_space<semaphore_mem>>
        %dma_start3A = arith.constant 0 : i32
        %dma_start3A_35 = tpu.memref_slice %arg6[%add3A_32, %dma_start3A] : memref<64000x128xf32, #tpu.memory_space<hbm>> -> memref<200x128xf32, #tpu.memory_space<hbm>>
        %dma_start3A_36 = arith.constant 0 : i32
        %dma_start3A_37 = tpu.memref_slice %arg6[%add3A_32, %dma_start3A_36] : memref<64000x128xf32, #tpu.memory_space<hbm>> -> memref<200x128xf32, #tpu.memory_space<hbm>>
        tpu.enqueue_dma source(%dma_start3A_37 : memref<200x128xf32, #tpu.memory_space<hbm>>) target(%arg9 : memref<200x128xf32, #tpu.memory_space<vmem>>) target_semaphore(%run_scoped3A : memref<!tpu.dma_semaphore, #tpu.memory_space<semaphore_mem>>)
        %dma_wait3A = arith.constant 0 : i32
        %dma_wait3A_38 = tpu.memref_slice %arg6[%add3A_32, %dma_wait3A] : memref<64000x128xf32, #tpu.memory_space<hbm>> -> memref<200x128xf32, #tpu.memory_space<hbm>>
        %dma_wait3A_39 = arith.constant 0 : i32
        %dma_wait3A_40 = tpu.memref_slice %arg6[%add3A_32, %dma_wait3A_39] : memref<64000x128xf32, #tpu.memory_space<hbm>> -> memref<200x128xf32, #tpu.memory_space<hbm>>
        tpu.wait_dma2 semaphore(%run_scoped3A : memref<!tpu.dma_semaphore, #tpu.memory_space<semaphore_mem>>) src(%dma_wait3A_40 : memref<200x128xf32, #tpu.memory_space<hbm>>) dst(%arg9 : memref<200x128xf32, #tpu.memory_space<vmem>>)
        tpu.yield
      }) : () -> ()
      "tpu.region"() ({
        %run_scoped3A = tpu.sem_alloc : memref<!tpu.dma_semaphore, #tpu.memory_space<semaphore_mem>>
        %dma_start3A = arith.constant 0 : i32
        %dma_start3A_35 = arith.constant 0 : i32
        %dma_start3A_36 = tpu.memref_slice %arg10[%dma_start3A, %dma_start3A_35] : memref<10112x128xf32, #tpu.memory_space<vmem_shared>> -> memref<10112x128xf32, #tpu.memory_space<vmem_shared>>
        tpu.enqueue_indirect_dma source(%arg9 : memref<200x128xf32, #tpu.memory_space<vmem>>) target(%dma_start3A_36 : memref<10112x128xf32, #tpu.memory_space<vmem_shared>>) offsets(%arg8 : memref<200xi32, #tpu.memory_space<vmem>>) semaphore(%run_scoped3A : memref<!tpu.dma_semaphore, #tpu.memory_space<semaphore_mem>>) {add = true}
        %dma_wait3A = arith.constant 0 : i32
        %dma_wait3A_37 = arith.constant 0 : i32
        %dma_wait3A_38 = tpu.memref_slice %arg10[%dma_wait3A, %dma_wait3A_37] : memref<10112x128xf32, #tpu.memory_space<vmem_shared>> -> memref<10112x128xf32, #tpu.memory_space<vmem_shared>>
        tpu.wait_indirect_dma semaphore(%run_scoped3A : memref<!tpu.dma_semaphore, #tpu.memory_space<semaphore_mem>>) src(%arg9 : memref<200x128xf32, #tpu.memory_space<vmem>>) dst(%dma_wait3A_38 : memref<10112x128xf32, #tpu.memory_space<vmem_shared>>)
        tpu.yield
      }) : () -> ()
    }
    %scan3A_23 = arith.constant 10 : i32
    %barrier3A_24 = arith.constant 0 : index
    tpu.barrier barrier_id(%barrier3A_24)
    %mul3A_25 = arith.constant 632 : i32
    %mul3A_26 = arith.muli %arg1, %mul3A_25 : i32
    %mul3A_27 = arith.constant 632 : i32
    %mul3A_28 = arith.muli %arg1, %mul3A_27 : i32
    "tpu.region"() ({
      %run_scoped3A = tpu.sem_alloc : memref<!tpu.dma_semaphore, #tpu.memory_space<semaphore_mem>>
      %dma_start3A = arith.constant 0 : i32
      %dma_start3A_29 = tpu.memref_slice %arg7[%arg0, %mul3A_28, %dma_start3A] : memref<2x10112x128xf32, #tpu.memory_space<hbm>> -> memref<1x632x128xf32, #tpu.memory_space<hbm>>
      %dma_start3A_30 = tpu.memref_squeeze %dma_start3A_29 : memref<1x632x128xf32, #tpu.memory_space<hbm>> -> memref<632x128xf32, #tpu.memory_space<hbm>>
      %dma_start3A_31 = arith.constant 0 : i32
      %dma_start3A_32 = tpu.memref_slice %arg10[%mul3A_26, %dma_start3A_31] : memref<10112x128xf32, #tpu.memory_space<vmem_shared>> -> memref<632x128xf32, #tpu.memory_space<vmem_shared>>
      tpu.enqueue_dma source(%dma_start3A_32 : memref<632x128xf32, #tpu.memory_space<vmem_shared>>) target(%dma_start3A_30 : memref<632x128xf32, #tpu.memory_space<hbm>>) target_semaphore(%run_scoped3A : memref<!tpu.dma_semaphore, #tpu.memory_space<semaphore_mem>>)
      %dma_wait3A = arith.constant 0 : i32
      %dma_wait3A_33 = tpu.memref_slice %arg7[%arg0, %mul3A_28, %dma_wait3A] : memref<2x10112x128xf32, #tpu.memory_space<hbm>> -> memref<1x632x128xf32, #tpu.memory_space<hbm>>
      %dma_wait3A_34 = tpu.memref_squeeze %dma_wait3A_33 : memref<1x632x128xf32, #tpu.memory_space<hbm>> -> memref<632x128xf32, #tpu.memory_space<hbm>>
      %dma_wait3A_35 = arith.constant 0 : i32
      %dma_wait3A_36 = tpu.memref_slice %arg10[%mul3A_26, %dma_wait3A_35] : memref<10112x128xf32, #tpu.memory_space<vmem_shared>> -> memref<632x128xf32, #tpu.memory_space<vmem_shared>>
      tpu.wait_dma2 semaphore(%run_scoped3A : memref<!tpu.dma_semaphore, #tpu.memory_space<semaphore_mem>>) src(%dma_wait3A_36 : memref<632x128xf32, #tpu.memory_space<vmem_shared>>) dst(%dma_wait3A_34 : memref<632x128xf32, #tpu.memory_space<hbm>>)
      tpu.yield
    }) : () -> ()
    return
  }
}

#map = affine_map<(d0, d1) -> (0)>
#map1 = affine_map<(d0, d1) -> (0, 0, 0)>
#map2 = affine_map<(d0, d1) -> (0, 0)>
module attributes {stable_mosaic.version = 14 : i64} {
  func.func @scatter_kernel(%arg0: i32, %arg1: i32, %arg2: memref<128000xi32, #tpu.memory_space<hbm>>, %arg3: memref<2x10112x128xf32, #tpu.memory_space<hbm>>, %arg4: memref<64000x128xf32, #tpu.memory_space<hbm>>, %arg5: memref<64000x128xf32, #tpu.memory_space<hbm>>, %arg6: memref<2x10112x128xf32, #tpu.memory_space<hbm>>, %arg7: memref<200xi32, #tpu.memory_space<vmem>>, %arg8: memref<200x128xf32, #tpu.memory_space<vmem>>, %arg9: memref<10112x128xf32, #tpu.memory_space<vmem_shared>>) attributes {dimension_semantics = [#tpu.dimension_semantics<core_parallel>, #tpu.dimension_semantics<subcore_parallel>], iteration_bounds = array<i64: 2, 16>, scalar_prefetch = 0 : i64, scratch_operands = 3 : i64, tpu.core_type = #tpu.core_type<sc_vector_subcore>, window_params = [{transform_indices = #map}, {transform_indices = #map1}, {transform_indices = #map2}, {transform_indices = #map2}, {transform_indices = #map1}]} {
    %mul3A = arith.constant 2 : i32
    %mul3A_0 = arith.muli %arg1, %mul3A : i32
    %add3A = arith.addi %mul3A_0, %arg0 : i32
    %mul3A_1 = arith.constant 632 : i32
    %mul3A_2 = arith.muli %arg1, %mul3A_1 : i32
    %mul3A_3 = arith.constant 632 : i32
    %mul3A_4 = arith.muli %arg1, %mul3A_3 : i32
    "tpu.region"() ({
      %run_scoped3A = tpu.sem_alloc : memref<!tpu.dma_semaphore, #tpu.memory_space<semaphore_mem>>
      %dma_start3A = arith.constant 0 : i32
      %dma_start3A_23 = tpu.memref_slice %arg9[%mul3A_4, %dma_start3A] : memref<10112x128xf32, #tpu.memory_space<vmem_shared>> -> memref<632x128xf32, #tpu.memory_space<vmem_shared>>
      %dma_start3A_24 = arith.constant 0 : i32
      %dma_start3A_25 = tpu.memref_slice %arg3[%arg0, %mul3A_2, %dma_start3A_24] : memref<2x10112x128xf32, #tpu.memory_space<hbm>> -> memref<1x632x128xf32, #tpu.memory_space<hbm>>
      %dma_start3A_26 = tpu.memref_squeeze %dma_start3A_25 : memref<1x632x128xf32, #tpu.memory_space<hbm>> -> memref<632x128xf32, #tpu.memory_space<hbm>>
      tpu.enqueue_dma source(%dma_start3A_26 : memref<632x128xf32, #tpu.memory_space<hbm>>) target(%dma_start3A_23 : memref<632x128xf32, #tpu.memory_space<vmem_shared>>) target_semaphore(%run_scoped3A : memref<!tpu.dma_semaphore, #tpu.memory_space<semaphore_mem>>)
      %dma_wait3A = arith.constant 0 : i32
      %dma_wait3A_27 = tpu.memref_slice %arg9[%mul3A_4, %dma_wait3A] : memref<10112x128xf32, #tpu.memory_space<vmem_shared>> -> memref<632x128xf32, #tpu.memory_space<vmem_shared>>
      %dma_wait3A_28 = arith.constant 0 : i32
      %dma_wait3A_29 = tpu.memref_slice %arg3[%arg0, %mul3A_2, %dma_wait3A_28] : memref<2x10112x128xf32, #tpu.memory_space<hbm>> -> memref<1x632x128xf32, #tpu.memory_space<hbm>>
      %dma_wait3A_30 = tpu.memref_squeeze %dma_wait3A_29 : memref<1x632x128xf32, #tpu.memory_space<hbm>> -> memref<632x128xf32, #tpu.memory_space<hbm>>
      tpu.wait_dma2 semaphore(%run_scoped3A : memref<!tpu.dma_semaphore, #tpu.memory_space<semaphore_mem>>) src(%dma_wait3A_30 : memref<632x128xf32, #tpu.memory_space<hbm>>) dst(%dma_wait3A_27 : memref<632x128xf32, #tpu.memory_space<vmem_shared>>)
      tpu.yield
    }) : () -> ()
    %barrier3A = arith.constant 0 : index
    tpu.barrier barrier_id(%barrier3A)
    %mul3A_5 = arith.constant 2000 : i32
    %mul3A_6 = arith.muli %add3A, %mul3A_5 : i32
    %scan3A = arith.constant 0 : i32
    %scan3A_7 = arith.constant 0 : i32
    %scan3A_8 = arith.constant 10 : i32
    %scan3A_9 = arith.addi %scan3A_7, %scan3A_8 : i32
    %scan3A_10 = arith.constant 1 : i32
    scf.for %scan3A_23 = %scan3A_7 to %scan3A_9 step %scan3A_10  : i32 {
      %mul3A_24 = arith.constant 200 : i32
      %mul3A_25 = arith.muli %scan3A_23, %mul3A_24 : i32
      %add3A_26 = arith.addi %mul3A_6, %mul3A_25 : i32
      %add3A_27 = arith.constant 0 : i32
      %add3A_28 = arith.addi %add3A_27, %add3A_26 : i32
      "tpu.region"() ({
        %run_scoped3A = tpu.sem_alloc : memref<!tpu.dma_semaphore, #tpu.memory_space<semaphore_mem>>
        %dma_start3A = tpu.memref_slice %arg2[%add3A_28] : memref<128000xi32, #tpu.memory_space<hbm>> -> memref<200xi32, #tpu.memory_space<hbm>>
        %dma_start3A_29 = tpu.memref_slice %arg2[%add3A_28] : memref<128000xi32, #tpu.memory_space<hbm>> -> memref<200xi32, #tpu.memory_space<hbm>>
        tpu.enqueue_dma source(%dma_start3A_29 : memref<200xi32, #tpu.memory_space<hbm>>) target(%arg7 : memref<200xi32, #tpu.memory_space<vmem>>) target_semaphore(%run_scoped3A : memref<!tpu.dma_semaphore, #tpu.memory_space<semaphore_mem>>)
        %dma_wait3A = tpu.memref_slice %arg2[%add3A_28] : memref<128000xi32, #tpu.memory_space<hbm>> -> memref<200xi32, #tpu.memory_space<hbm>>
        %dma_wait3A_30 = tpu.memref_slice %arg2[%add3A_28] : memref<128000xi32, #tpu.memory_space<hbm>> -> memref<200xi32, #tpu.memory_space<hbm>>
        tpu.wait_dma2 semaphore(%run_scoped3A : memref<!tpu.dma_semaphore, #tpu.memory_space<semaphore_mem>>) src(%dma_wait3A_30 : memref<200xi32, #tpu.memory_space<hbm>>) dst(%arg7 : memref<200xi32, #tpu.memory_space<vmem>>)
        tpu.yield
      }) : () -> ()
      "tpu.region"() ({
        %run_scoped3A = tpu.sem_alloc : memref<!tpu.dma_semaphore, #tpu.memory_space<semaphore_mem>>
        %dma_start3A = arith.constant 0 : i32
        %dma_start3A_29 = tpu.memref_slice %arg4[%add3A_26, %dma_start3A] : memref<64000x128xf32, #tpu.memory_space<hbm>> -> memref<200x128xf32, #tpu.memory_space<hbm>>
        %dma_start3A_30 = arith.constant 0 : i32
        %dma_start3A_31 = tpu.memref_slice %arg4[%add3A_26, %dma_start3A_30] : memref<64000x128xf32, #tpu.memory_space<hbm>> -> memref<200x128xf32, #tpu.memory_space<hbm>>
        tpu.enqueue_dma source(%dma_start3A_31 : memref<200x128xf32, #tpu.memory_space<hbm>>) target(%arg8 : memref<200x128xf32, #tpu.memory_space<vmem>>) target_semaphore(%run_scoped3A : memref<!tpu.dma_semaphore, #tpu.memory_space<semaphore_mem>>)
        %dma_wait3A = arith.constant 0 : i32
        %dma_wait3A_32 = tpu.memref_slice %arg4[%add3A_26, %dma_wait3A] : memref<64000x128xf32, #tpu.memory_space<hbm>> -> memref<200x128xf32, #tpu.memory_space<hbm>>
        %dma_wait3A_33 = arith.constant 0 : i32
        %dma_wait3A_34 = tpu.memref_slice %arg4[%add3A_26, %dma_wait3A_33] : memref<64000x128xf32, #tpu.memory_space<hbm>> -> memref<200x128xf32, #tpu.memory_space<hbm>>
        tpu.wait_dma2 semaphore(%run_scoped3A : memref<!tpu.dma_semaphore, #tpu.memory_space<semaphore_mem>>) src(%dma_wait3A_34 : memref<200x128xf32, #tpu.memory_space<hbm>>) dst(%arg8 : memref<200x128xf32, #tpu.memory_space<vmem>>)
        tpu.yield
      }) : () -> ()
      "tpu.region"() ({
        %run_scoped3A = tpu.sem_alloc : memref<!tpu.dma_semaphore, #tpu.memory_space<semaphore_mem>>
        %dma_start3A = arith.constant 0 : i32
        %dma_start3A_29 = arith.constant 0 : i32
        %dma_start3A_30 = tpu.memref_slice %arg9[%dma_start3A, %dma_start3A_29] : memref<10112x128xf32, #tpu.memory_space<vmem_shared>> -> memref<10112x128xf32, #tpu.memory_space<vmem_shared>>
        tpu.enqueue_indirect_dma source(%arg8 : memref<200x128xf32, #tpu.memory_space<vmem>>) target(%dma_start3A_30 : memref<10112x128xf32, #tpu.memory_space<vmem_shared>>) offsets(%arg7 : memref<200xi32, #tpu.memory_space<vmem>>) semaphore(%run_scoped3A : memref<!tpu.dma_semaphore, #tpu.memory_space<semaphore_mem>>) {add = true}
        %dma_wait3A = arith.constant 0 : i32
        %dma_wait3A_31 = arith.constant 0 : i32
        %dma_wait3A_32 = tpu.memref_slice %arg9[%dma_wait3A, %dma_wait3A_31] : memref<10112x128xf32, #tpu.memory_space<vmem_shared>> -> memref<10112x128xf32, #tpu.memory_space<vmem_shared>>
        tpu.wait_indirect_dma semaphore(%run_scoped3A : memref<!tpu.dma_semaphore, #tpu.memory_space<semaphore_mem>>) src(%arg8 : memref<200x128xf32, #tpu.memory_space<vmem>>) dst(%dma_wait3A_32 : memref<10112x128xf32, #tpu.memory_space<vmem_shared>>)
        tpu.yield
      }) : () -> ()
    }
    %scan3A_11 = arith.constant 10 : i32
    %scan3A_12 = arith.constant 0 : i32
    %scan3A_13 = arith.constant 0 : i32
    %scan3A_14 = arith.constant 10 : i32
    %scan3A_15 = arith.addi %scan3A_13, %scan3A_14 : i32
    %scan3A_16 = arith.constant 1 : i32
    scf.for %scan3A_23 = %scan3A_13 to %scan3A_15 step %scan3A_16  : i32 {
      %mul3A_24 = arith.constant 200 : i32
      %mul3A_25 = arith.muli %scan3A_23, %mul3A_24 : i32
      %add3A_26 = arith.addi %mul3A_6, %mul3A_25 : i32
      %add3A_27 = arith.constant 64000 : i32
      %add3A_28 = arith.addi %add3A_27, %add3A_26 : i32
      "tpu.region"() ({
        %run_scoped3A = tpu.sem_alloc : memref<!tpu.dma_semaphore, #tpu.memory_space<semaphore_mem>>
        %dma_start3A = tpu.memref_slice %arg2[%add3A_28] : memref<128000xi32, #tpu.memory_space<hbm>> -> memref<200xi32, #tpu.memory_space<hbm>>
        %dma_start3A_29 = tpu.memref_slice %arg2[%add3A_28] : memref<128000xi32, #tpu.memory_space<hbm>> -> memref<200xi32, #tpu.memory_space<hbm>>
        tpu.enqueue_dma source(%dma_start3A_29 : memref<200xi32, #tpu.memory_space<hbm>>) target(%arg7 : memref<200xi32, #tpu.memory_space<vmem>>) target_semaphore(%run_scoped3A : memref<!tpu.dma_semaphore, #tpu.memory_space<semaphore_mem>>)
        %dma_wait3A = tpu.memref_slice %arg2[%add3A_28] : memref<128000xi32, #tpu.memory_space<hbm>> -> memref<200xi32, #tpu.memory_space<hbm>>
        %dma_wait3A_30 = tpu.memref_slice %arg2[%add3A_28] : memref<128000xi32, #tpu.memory_space<hbm>> -> memref<200xi32, #tpu.memory_space<hbm>>
        tpu.wait_dma2 semaphore(%run_scoped3A : memref<!tpu.dma_semaphore, #tpu.memory_space<semaphore_mem>>) src(%dma_wait3A_30 : memref<200xi32, #tpu.memory_space<hbm>>) dst(%arg7 : memref<200xi32, #tpu.memory_space<vmem>>)
        tpu.yield
      }) : () -> ()
      "tpu.region"() ({
        %run_scoped3A = tpu.sem_alloc : memref<!tpu.dma_semaphore, #tpu.memory_space<semaphore_mem>>
        %dma_start3A = arith.constant 0 : i32
        %dma_start3A_29 = tpu.memref_slice %arg5[%add3A_26, %dma_start3A] : memref<64000x128xf32, #tpu.memory_space<hbm>> -> memref<200x128xf32, #tpu.memory_space<hbm>>
        %dma_start3A_30 = arith.constant 0 : i32
        %dma_start3A_31 = tpu.memref_slice %arg5[%add3A_26, %dma_start3A_30] : memref<64000x128xf32, #tpu.memory_space<hbm>> -> memref<200x128xf32, #tpu.memory_space<hbm>>
        tpu.enqueue_dma source(%dma_start3A_31 : memref<200x128xf32, #tpu.memory_space<hbm>>) target(%arg8 : memref<200x128xf32, #tpu.memory_space<vmem>>) target_semaphore(%run_scoped3A : memref<!tpu.dma_semaphore, #tpu.memory_space<semaphore_mem>>)
        %dma_wait3A = arith.constant 0 : i32
        %dma_wait3A_32 = tpu.memref_slice %arg5[%add3A_26, %dma_wait3A] : memref<64000x128xf32, #tpu.memory_space<hbm>> -> memref<200x128xf32, #tpu.memory_space<hbm>>
        %dma_wait3A_33 = arith.constant 0 : i32
        %dma_wait3A_34 = tpu.memref_slice %arg5[%add3A_26, %dma_wait3A_33] : memref<64000x128xf32, #tpu.memory_space<hbm>> -> memref<200x128xf32, #tpu.memory_space<hbm>>
        tpu.wait_dma2 semaphore(%run_scoped3A : memref<!tpu.dma_semaphore, #tpu.memory_space<semaphore_mem>>) src(%dma_wait3A_34 : memref<200x128xf32, #tpu.memory_space<hbm>>) dst(%arg8 : memref<200x128xf32, #tpu.memory_space<vmem>>)
        tpu.yield
      }) : () -> ()
      "tpu.region"() ({
        %run_scoped3A = tpu.sem_alloc : memref<!tpu.dma_semaphore, #tpu.memory_space<semaphore_mem>>
        %dma_start3A = arith.constant 0 : i32
        %dma_start3A_29 = arith.constant 0 : i32
        %dma_start3A_30 = tpu.memref_slice %arg9[%dma_start3A, %dma_start3A_29] : memref<10112x128xf32, #tpu.memory_space<vmem_shared>> -> memref<10112x128xf32, #tpu.memory_space<vmem_shared>>
        tpu.enqueue_indirect_dma source(%arg8 : memref<200x128xf32, #tpu.memory_space<vmem>>) target(%dma_start3A_30 : memref<10112x128xf32, #tpu.memory_space<vmem_shared>>) offsets(%arg7 : memref<200xi32, #tpu.memory_space<vmem>>) semaphore(%run_scoped3A : memref<!tpu.dma_semaphore, #tpu.memory_space<semaphore_mem>>) {add = true}
        %dma_wait3A = arith.constant 0 : i32
        %dma_wait3A_31 = arith.constant 0 : i32
        %dma_wait3A_32 = tpu.memref_slice %arg9[%dma_wait3A, %dma_wait3A_31] : memref<10112x128xf32, #tpu.memory_space<vmem_shared>> -> memref<10112x128xf32, #tpu.memory_space<vmem_shared>>
        tpu.wait_indirect_dma semaphore(%run_scoped3A : memref<!tpu.dma_semaphore, #tpu.memory_space<semaphore_mem>>) src(%arg8 : memref<200x128xf32, #tpu.memory_space<vmem>>) dst(%dma_wait3A_32 : memref<10112x128xf32, #tpu.memory_space<vmem_shared>>)
        tpu.yield
      }) : () -> ()
    }
    %scan3A_17 = arith.constant 10 : i32
    %barrier3A_18 = arith.constant 0 : index
    tpu.barrier barrier_id(%barrier3A_18)
    %mul3A_19 = arith.constant 632 : i32
    %mul3A_20 = arith.muli %arg1, %mul3A_19 : i32
    %mul3A_21 = arith.constant 632 : i32
    %mul3A_22 = arith.muli %arg1, %mul3A_21 : i32
    "tpu.region"() ({
      %run_scoped3A = tpu.sem_alloc : memref<!tpu.dma_semaphore, #tpu.memory_space<semaphore_mem>>
      %dma_start3A = arith.constant 0 : i32
      %dma_start3A_23 = tpu.memref_slice %arg6[%arg0, %mul3A_22, %dma_start3A] : memref<2x10112x128xf32, #tpu.memory_space<hbm>> -> memref<1x632x128xf32, #tpu.memory_space<hbm>>
      %dma_start3A_24 = tpu.memref_squeeze %dma_start3A_23 : memref<1x632x128xf32, #tpu.memory_space<hbm>> -> memref<632x128xf32, #tpu.memory_space<hbm>>
      %dma_start3A_25 = arith.constant 0 : i32
      %dma_start3A_26 = tpu.memref_slice %arg9[%mul3A_20, %dma_start3A_25] : memref<10112x128xf32, #tpu.memory_space<vmem_shared>> -> memref<632x128xf32, #tpu.memory_space<vmem_shared>>
      tpu.enqueue_dma source(%dma_start3A_26 : memref<632x128xf32, #tpu.memory_space<vmem_shared>>) target(%dma_start3A_24 : memref<632x128xf32, #tpu.memory_space<hbm>>) target_semaphore(%run_scoped3A : memref<!tpu.dma_semaphore, #tpu.memory_space<semaphore_mem>>)
      %dma_wait3A = arith.constant 0 : i32
      %dma_wait3A_27 = tpu.memref_slice %arg6[%arg0, %mul3A_22, %dma_wait3A] : memref<2x10112x128xf32, #tpu.memory_space<hbm>> -> memref<1x632x128xf32, #tpu.memory_space<hbm>>
      %dma_wait3A_28 = tpu.memref_squeeze %dma_wait3A_27 : memref<1x632x128xf32, #tpu.memory_space<hbm>> -> memref<632x128xf32, #tpu.memory_space<hbm>>
      %dma_wait3A_29 = arith.constant 0 : i32
      %dma_wait3A_30 = tpu.memref_slice %arg9[%mul3A_20, %dma_wait3A_29] : memref<10112x128xf32, #tpu.memory_space<vmem_shared>> -> memref<632x128xf32, #tpu.memory_space<vmem_shared>>
      tpu.wait_dma2 semaphore(%run_scoped3A : memref<!tpu.dma_semaphore, #tpu.memory_space<semaphore_mem>>) src(%dma_wait3A_30 : memref<632x128xf32, #tpu.memory_space<vmem_shared>>) dst(%dma_wait3A_28 : memref<632x128xf32, #tpu.memory_space<hbm>>)
      tpu.yield
    }) : () -> ()
    return
  }
}

#map = affine_map<(d0, d1) -> (0, 0)>
#map1 = affine_map<(d0, d1) -> (0)>
module attributes {stable_mosaic.version = 14 : i64} {
  func.func @gather_kernel(%arg0: i32, %arg1: i32, %arg2: memref<10000x128xf32, #tpu.memory_space<hbm>>, %arg3: memref<64000xi32, #tpu.memory_space<hbm>>, %arg4: memref<64000xi32, #tpu.memory_space<hbm>>, %arg5: memref<64000x128xf32, #tpu.memory_space<hbm>>, %arg6: memref<64000x128xf32, #tpu.memory_space<hbm>>, %arg7: memref<400xi32, #tpu.memory_space<vmem>>, %arg8: memref<400xi32, #tpu.memory_space<vmem>>, %arg9: memref<400x128xf32, #tpu.memory_space<vmem>>, %arg10: memref<400x128xf32, #tpu.memory_space<vmem>>, %arg11: memref<!tpu.dma_semaphore, #tpu.memory_space<semaphore_mem>>, %arg12: memref<!tpu.dma_semaphore, #tpu.memory_space<semaphore_mem>>) attributes {dimension_semantics = [#tpu.dimension_semantics<core_parallel>, #tpu.dimension_semantics<subcore_parallel>], iteration_bounds = array<i64: 2, 16>, scalar_prefetch = 0 : i64, scratch_operands = 6 : i64, tpu.core_type = #tpu.core_type<sc_vector_subcore>, window_params = [{transform_indices = #map}, {transform_indices = #map1}, {transform_indices = #map1}, {transform_indices = #map}, {transform_indices = #map}]} {
    %mul3A = arith.constant 2 : i32
    %mul3A_0 = arith.muli %arg1, %mul3A : i32
    %add3A = arith.addi %mul3A_0, %arg0 : i32
    %mul3A_1 = arith.constant 2000 : i32
    %mul3A_2 = arith.muli %add3A, %mul3A_1 : i32
    %scan3A = arith.constant 0 : i32
    %scan3A_3 = arith.constant 0 : i32
    %scan3A_4 = arith.constant 5 : i32
    %scan3A_5 = arith.addi %scan3A_3, %scan3A_4 : i32
    %scan3A_6 = arith.constant 1 : i32
    scf.for %scan3A_8 = %scan3A_3 to %scan3A_5 step %scan3A_6  : i32 {
      %mul3A_9 = arith.constant 400 : i32
      %mul3A_10 = arith.muli %scan3A_8, %mul3A_9 : i32
      %add3A_11 = arith.addi %mul3A_2, %mul3A_10 : i32
      "tpu.region"() ({
        %run_scoped3A = tpu.sem_alloc : memref<!tpu.dma_semaphore, #tpu.memory_space<semaphore_mem>>
        %dma_start3A_22 = tpu.memref_slice %arg3[%add3A_11] : memref<64000xi32, #tpu.memory_space<hbm>> -> memref<400xi32, #tpu.memory_space<hbm>>
        %dma_start3A_23 = tpu.memref_slice %arg3[%add3A_11] : memref<64000xi32, #tpu.memory_space<hbm>> -> memref<400xi32, #tpu.memory_space<hbm>>
        tpu.enqueue_dma source(%dma_start3A_23 : memref<400xi32, #tpu.memory_space<hbm>>) target(%arg7 : memref<400xi32, #tpu.memory_space<vmem>>) target_semaphore(%run_scoped3A : memref<!tpu.dma_semaphore, #tpu.memory_space<semaphore_mem>>)
        %dma_wait3A_24 = tpu.memref_slice %arg3[%add3A_11] : memref<64000xi32, #tpu.memory_space<hbm>> -> memref<400xi32, #tpu.memory_space<hbm>>
        %dma_wait3A_25 = tpu.memref_slice %arg3[%add3A_11] : memref<64000xi32, #tpu.memory_space<hbm>> -> memref<400xi32, #tpu.memory_space<hbm>>
        tpu.wait_dma2 semaphore(%run_scoped3A : memref<!tpu.dma_semaphore, #tpu.memory_space<semaphore_mem>>) src(%dma_wait3A_25 : memref<400xi32, #tpu.memory_space<hbm>>) dst(%arg7 : memref<400xi32, #tpu.memory_space<vmem>>)
        tpu.yield
      }) : () -> ()
      "tpu.region"() ({
        %run_scoped3A = tpu.sem_alloc : memref<!tpu.dma_semaphore, #tpu.memory_space<semaphore_mem>>
        %dma_start3A_22 = tpu.memref_slice %arg4[%add3A_11] : memref<64000xi32, #tpu.memory_space<hbm>> -> memref<400xi32, #tpu.memory_space<hbm>>
        %dma_start3A_23 = tpu.memref_slice %arg4[%add3A_11] : memref<64000xi32, #tpu.memory_space<hbm>> -> memref<400xi32, #tpu.memory_space<hbm>>
        tpu.enqueue_dma source(%dma_start3A_23 : memref<400xi32, #tpu.memory_space<hbm>>) target(%arg8 : memref<400xi32, #tpu.memory_space<vmem>>) target_semaphore(%run_scoped3A : memref<!tpu.dma_semaphore, #tpu.memory_space<semaphore_mem>>)
        %dma_wait3A_24 = tpu.memref_slice %arg4[%add3A_11] : memref<64000xi32, #tpu.memory_space<hbm>> -> memref<400xi32, #tpu.memory_space<hbm>>
        %dma_wait3A_25 = tpu.memref_slice %arg4[%add3A_11] : memref<64000xi32, #tpu.memory_space<hbm>> -> memref<400xi32, #tpu.memory_space<hbm>>
        tpu.wait_dma2 semaphore(%run_scoped3A : memref<!tpu.dma_semaphore, #tpu.memory_space<semaphore_mem>>) src(%dma_wait3A_25 : memref<400xi32, #tpu.memory_space<hbm>>) dst(%arg8 : memref<400xi32, #tpu.memory_space<vmem>>)
        tpu.yield
      }) : () -> ()
      %dma_start3A = arith.constant 0 : i32
      %dma_start3A_12 = arith.constant 0 : i32
      %dma_start3A_13 = tpu.memref_slice %arg2[%dma_start3A, %dma_start3A_12] : memref<10000x128xf32, #tpu.memory_space<hbm>> -> memref<10000x128xf32, #tpu.memory_space<hbm>>
      tpu.enqueue_indirect_dma source(%dma_start3A_13 : memref<10000x128xf32, #tpu.memory_space<hbm>>) target(%arg9 : memref<400x128xf32, #tpu.memory_space<vmem>>) offsets(%arg7 : memref<400xi32, #tpu.memory_space<vmem>>) semaphore(%arg11 : memref<!tpu.dma_semaphore, #tpu.memory_space<semaphore_mem>>)
      %dma_start3A_14 = arith.constant 0 : i32
      %dma_start3A_15 = arith.constant 0 : i32
      %dma_start3A_16 = tpu.memref_slice %arg2[%dma_start3A_14, %dma_start3A_15] : memref<10000x128xf32, #tpu.memory_space<hbm>> -> memref<10000x128xf32, #tpu.memory_space<hbm>>
      tpu.enqueue_indirect_dma source(%dma_start3A_16 : memref<10000x128xf32, #tpu.memory_space<hbm>>) target(%arg10 : memref<400x128xf32, #tpu.memory_space<vmem>>) offsets(%arg8 : memref<400xi32, #tpu.memory_space<vmem>>) semaphore(%arg12 : memref<!tpu.dma_semaphore, #tpu.memory_space<semaphore_mem>>)
      %dma_wait3A = arith.constant 0 : i32
      %dma_wait3A_17 = arith.constant 0 : i32
      %dma_wait3A_18 = tpu.memref_slice %arg2[%dma_wait3A, %dma_wait3A_17] : memref<10000x128xf32, #tpu.memory_space<hbm>> -> memref<10000x128xf32, #tpu.memory_space<hbm>>
      tpu.wait_indirect_dma semaphore(%arg11 : memref<!tpu.dma_semaphore, #tpu.memory_space<semaphore_mem>>) src(%dma_wait3A_18 : memref<10000x128xf32, #tpu.memory_space<hbm>>) dst(%arg9 : memref<400x128xf32, #tpu.memory_space<vmem>>)
      %dma_wait3A_19 = arith.constant 0 : i32
      %dma_wait3A_20 = arith.constant 0 : i32
      %dma_wait3A_21 = tpu.memref_slice %arg2[%dma_wait3A_19, %dma_wait3A_20] : memref<10000x128xf32, #tpu.memory_space<hbm>> -> memref<10000x128xf32, #tpu.memory_space<hbm>>
      tpu.wait_indirect_dma semaphore(%arg12 : memref<!tpu.dma_semaphore, #tpu.memory_space<semaphore_mem>>) src(%dma_wait3A_21 : memref<10000x128xf32, #tpu.memory_space<hbm>>) dst(%arg10 : memref<400x128xf32, #tpu.memory_space<vmem>>)
      "tpu.region"() ({
        %run_scoped3A = tpu.sem_alloc : memref<!tpu.dma_semaphore, #tpu.memory_space<semaphore_mem>>
        %dma_start3A_22 = arith.constant 0 : i32
        %dma_start3A_23 = tpu.memref_slice %arg5[%add3A_11, %dma_start3A_22] : memref<64000x128xf32, #tpu.memory_space<hbm>> -> memref<400x128xf32, #tpu.memory_space<hbm>>
        %dma_start3A_24 = arith.constant 0 : i32
        %dma_start3A_25 = tpu.memref_slice %arg5[%add3A_11, %dma_start3A_24] : memref<64000x128xf32, #tpu.memory_space<hbm>> -> memref<400x128xf32, #tpu.memory_space<hbm>>
        tpu.enqueue_dma source(%arg9 : memref<400x128xf32, #tpu.memory_space<vmem>>) target(%dma_start3A_25 : memref<400x128xf32, #tpu.memory_space<hbm>>) target_semaphore(%run_scoped3A : memref<!tpu.dma_semaphore, #tpu.memory_space<semaphore_mem>>)
        %dma_wait3A_26 = arith.constant 0 : i32
        %dma_wait3A_27 = tpu.memref_slice %arg5[%add3A_11, %dma_wait3A_26] : memref<64000x128xf32, #tpu.memory_space<hbm>> -> memref<400x128xf32, #tpu.memory_space<hbm>>
        %dma_wait3A_28 = arith.constant 0 : i32
        %dma_wait3A_29 = tpu.memref_slice %arg5[%add3A_11, %dma_wait3A_28] : memref<64000x128xf32, #tpu.memory_space<hbm>> -> memref<400x128xf32, #tpu.memory_space<hbm>>
        tpu.wait_dma2 semaphore(%run_scoped3A : memref<!tpu.dma_semaphore, #tpu.memory_space<semaphore_mem>>) src(%arg9 : memref<400x128xf32, #tpu.memory_space<vmem>>) dst(%dma_wait3A_29 : memref<400x128xf32, #tpu.memory_space<hbm>>)
        tpu.yield
      }) : () -> ()
      "tpu.region"() ({
        %run_scoped3A = tpu.sem_alloc : memref<!tpu.dma_semaphore, #tpu.memory_space<semaphore_mem>>
        %dma_start3A_22 = arith.constant 0 : i32
        %dma_start3A_23 = tpu.memref_slice %arg6[%add3A_11, %dma_start3A_22] : memref<64000x128xf32, #tpu.memory_space<hbm>> -> memref<400x128xf32, #tpu.memory_space<hbm>>
        %dma_start3A_24 = arith.constant 0 : i32
        %dma_start3A_25 = tpu.memref_slice %arg6[%add3A_11, %dma_start3A_24] : memref<64000x128xf32, #tpu.memory_space<hbm>> -> memref<400x128xf32, #tpu.memory_space<hbm>>
        tpu.enqueue_dma source(%arg10 : memref<400x128xf32, #tpu.memory_space<vmem>>) target(%dma_start3A_25 : memref<400x128xf32, #tpu.memory_space<hbm>>) target_semaphore(%run_scoped3A : memref<!tpu.dma_semaphore, #tpu.memory_space<semaphore_mem>>)
        %dma_wait3A_26 = arith.constant 0 : i32
        %dma_wait3A_27 = tpu.memref_slice %arg6[%add3A_11, %dma_wait3A_26] : memref<64000x128xf32, #tpu.memory_space<hbm>> -> memref<400x128xf32, #tpu.memory_space<hbm>>
        %dma_wait3A_28 = arith.constant 0 : i32
        %dma_wait3A_29 = tpu.memref_slice %arg6[%add3A_11, %dma_wait3A_28] : memref<64000x128xf32, #tpu.memory_space<hbm>> -> memref<400x128xf32, #tpu.memory_space<hbm>>
        tpu.wait_dma2 semaphore(%run_scoped3A : memref<!tpu.dma_semaphore, #tpu.memory_space<semaphore_mem>>) src(%arg10 : memref<400x128xf32, #tpu.memory_space<vmem>>) dst(%dma_wait3A_29 : memref<400x128xf32, #tpu.memory_space<hbm>>)
        tpu.yield
      }) : () -> ()
    }
    %scan3A_7 = arith.constant 5 : i32
    return
  }
}

module attributes {stable_mosaic.version = 14 : i64} {
  func.func @body(%arg0: i32, %arg1: memref<4000x128xf32, #tpu.memory_space<vmem>>, %arg2: memref<4000x128xf32, #tpu.memory_space<vmem>>, %arg3: memref<4000x16xf32, #tpu.memory_space<vmem>>, %arg4: memref<128x256xbf16, #tpu.memory_space<vmem>>, %arg5: memref<128x256xbf16, #tpu.memory_space<vmem>>, %arg6: memref<16x256xf32, #tpu.memory_space<vmem>>, %arg7: memref<1x256xf32, #tpu.memory_space<vmem>>, %arg8: memref<256x128xbf16, #tpu.memory_space<vmem>>, %arg9: memref<1x128xf32, #tpu.memory_space<vmem>>, %arg10: memref<4000x128xf32, #tpu.memory_space<vmem>>) attributes {dimension_semantics = [#tpu.dimension_semantics<arbitrary>], iteration_bounds = array<i64: 16>, scalar_prefetch = 0 : i64, scratch_operands = 0 : i64, tpu.core_type = #tpu.core_type<tc>, window_params = [{transform_indices = @transform_0, window_bounds = array<i64: 4000, 128>}, {transform_indices = @transform_1, window_bounds = array<i64: 4000, 128>}, {transform_indices = @transform_2, window_bounds = array<i64: 4000, 16>}, {pipeline_mode = #tpu.pipeline_mode<synchronous>, transform_indices = @transform_3, window_bounds = array<i64: 128, 256>}, {pipeline_mode = #tpu.pipeline_mode<synchronous>, transform_indices = @transform_4, window_bounds = array<i64: 128, 256>}, {pipeline_mode = #tpu.pipeline_mode<synchronous>, transform_indices = @transform_5, window_bounds = array<i64: 16, 256>}, {pipeline_mode = #tpu.pipeline_mode<synchronous>, transform_indices = @transform_6, window_bounds = array<i64: 1, 256>}, {pipeline_mode = #tpu.pipeline_mode<synchronous>, transform_indices = @transform_7, window_bounds = array<i64: 256, 128>}, {pipeline_mode = #tpu.pipeline_mode<synchronous>, transform_indices = @transform_8, window_bounds = array<i64: 1, 128>}, {transform_indices = @transform_9, window_bounds = array<i64: 4000, 128>}]} {
    %get3A = arith.constant 0 : index
    %get3A_0 = arith.constant 0 : index
    %get3A_1 = vector.load %arg1[%get3A, %get3A_0] : memref<4000x128xf32, #tpu.memory_space<vmem>>, vector<4000x128xf32>
    %convert_element_type3A = arith.truncf %get3A_1 : vector<4000x128xf32> to vector<4000x128xbf16>
    %get3A_2 = arith.constant 0 : index
    %get3A_3 = arith.constant 0 : index
    %get3A_4 = vector.load %arg4[%get3A_2, %get3A_3] : memref<128x256xbf16, #tpu.memory_space<vmem>>, vector<128x256xbf16>
    %dot_general3A = arith.constant dense<0.000000e+00> : vector<4000x256xf32>
    %dot_general3A_5 = tpu.matmul %convert_element_type3A, %get3A_4, %dot_general3A {dimension_numbers = #tpu.dot_dimension_numbers<[1], [0], [0], [1], [0, 0, 1, 1], [], []>, transpose_lhs_hint = false} : vector<4000x128xbf16>, vector<128x256xbf16>, vector<4000x256xf32> -> vector<4000x256xf32>
    %get3A_6 = arith.constant 0 : index
    %get3A_7 = arith.constant 0 : index
    %get3A_8 = vector.load %arg2[%get3A_6, %get3A_7] : memref<4000x128xf32, #tpu.memory_space<vmem>>, vector<4000x128xf32>
    %convert_element_type3A_9 = arith.truncf %get3A_8 : vector<4000x128xf32> to vector<4000x128xbf16>
    %get3A_10 = arith.constant 0 : index
    %get3A_11 = arith.constant 0 : index
    %get3A_12 = vector.load %arg5[%get3A_10, %get3A_11] : memref<128x256xbf16, #tpu.memory_space<vmem>>, vector<128x256xbf16>
    %dot_general3A_13 = arith.constant dense<0.000000e+00> : vector<4000x256xf32>
    %dot_general3A_14 = tpu.matmul %convert_element_type3A_9, %get3A_12, %dot_general3A_13 {dimension_numbers = #tpu.dot_dimension_numbers<[1], [0], [0], [1], [0, 0, 1, 1], [], []>, transpose_lhs_hint = false} : vector<4000x128xbf16>, vector<128x256xbf16>, vector<4000x256xf32> -> vector<4000x256xf32>
    %add3A = arith.addf %dot_general3A_5, %dot_general3A_14 : vector<4000x256xf32>
    %get3A_15 = arith.constant 0 : index
    %get3A_16 = arith.constant 0 : index
    %get3A_17 = vector.load %arg3[%get3A_15, %get3A_16] : memref<4000x16xf32, #tpu.memory_space<vmem>>, vector<4000x16xf32>
    %log1p3A = math.log1p %get3A_17 : vector<4000x16xf32>
    %get3A_18 = arith.constant 0 : index
    %get3A_19 = arith.constant 0 : index
    %get3A_20 = vector.load %arg6[%get3A_18, %get3A_19] : memref<16x256xf32, #tpu.memory_space<vmem>>, vector<16x256xf32>
    %dot_general3A_21 = arith.constant dense<0.000000e+00> : vector<4000x256xf32>
    %dot_general3A_22 = tpu.matmul %log1p3A, %get3A_20, %dot_general3A_21 {dimension_numbers = #tpu.dot_dimension_numbers<[1], [0], [0], [1], [0, 0, 1, 1], [], []>, transpose_lhs_hint = false} : vector<4000x16xf32>, vector<16x256xf32>, vector<4000x256xf32> -> vector<4000x256xf32>
    %add3A_23 = arith.addf %add3A, %dot_general3A_22 : vector<4000x256xf32>
    %get3A_24 = arith.constant 0 : index
    %get3A_25 = arith.constant 0 : index
    %get3A_26 = vector.load %arg7[%get3A_24, %get3A_25] : memref<1x256xf32, #tpu.memory_space<vmem>>, vector<1x256xf32>
    %add3A_27 = vector.broadcast %get3A_26 : vector<1x256xf32> to vector<4000x256xf32>
    %add3A_28 = arith.addf %add3A_23, %add3A_27 : vector<4000x256xf32>
    %max3A = arith.constant 0.000000e+00 : f32
    %max3A_29 = vector.broadcast %max3A : f32 to vector<4000x256xf32>
    %max3A_30 = arith.maximumf %add3A_28, %max3A_29 : vector<4000x256xf32>
    %convert_element_type3A_31 = arith.truncf %max3A_30 : vector<4000x256xf32> to vector<4000x256xbf16>
    %get3A_32 = arith.constant 0 : index
    %get3A_33 = arith.constant 0 : index
    %get3A_34 = vector.load %arg8[%get3A_32, %get3A_33] : memref<256x128xbf16, #tpu.memory_space<vmem>>, vector<256x128xbf16>
    %dot_general3A_35 = arith.constant dense<0.000000e+00> : vector<4000x128xf32>
    %dot_general3A_36 = tpu.matmul %convert_element_type3A_31, %get3A_34, %dot_general3A_35 {dimension_numbers = #tpu.dot_dimension_numbers<[1], [0], [0], [1], [0, 0, 1, 1], [], []>, transpose_lhs_hint = false} : vector<4000x256xbf16>, vector<256x128xbf16>, vector<4000x128xf32> -> vector<4000x128xf32>
    %get3A_37 = arith.constant 0 : index
    %get3A_38 = arith.constant 0 : index
    %get3A_39 = vector.load %arg9[%get3A_37, %get3A_38] : memref<1x128xf32, #tpu.memory_space<vmem>>, vector<1x128xf32>
    %add3A_40 = vector.broadcast %get3A_39 : vector<1x128xf32> to vector<4000x128xf32>
    %add3A_41 = arith.addf %dot_general3A_36, %add3A_40 : vector<4000x128xf32>
    %swap3A = arith.constant 0 : index
    %swap3A_42 = arith.constant 0 : index
    %swap3A_43 = vector.load %arg10[%swap3A, %swap3A_42] : memref<4000x128xf32, #tpu.memory_space<vmem>>, vector<4000x128xf32>
    tpu.vector_store %arg10[%swap3A, %swap3A_42], %add3A_41 {strides = array<i32>} : memref<4000x128xf32, #tpu.memory_space<vmem>>, vector<4000x128xf32>,
    return
  }
  func.func @transform_0(%arg0: i32) -> (i32, i32) {
    %c0_i32 = arith.constant 0 : i32
    %c0_i32_0 = arith.constant 0 : i32
    return %arg0, %c0_i32 : i32, i32
  }
  func.func @transform_1(%arg0: i32) -> (i32, i32) {
    %c0_i32 = arith.constant 0 : i32
    %c0_i32_0 = arith.constant 0 : i32
    return %arg0, %c0_i32 : i32, i32
  }
  func.func @transform_2(%arg0: i32) -> (i32, i32) {
    %c0_i32 = arith.constant 0 : i32
    %c0_i32_0 = arith.constant 0 : i32
    return %arg0, %c0_i32 : i32, i32
  }
  func.func @transform_3(%arg0: i32) -> (i32, i32) {
    %c0_i32 = arith.constant 0 : i32
    %c0_i32_0 = arith.constant 0 : i32
    %c0_i32_1 = arith.constant 0 : i32
    return %c0_i32, %c0_i32_0 : i32, i32
  }
  func.func @transform_4(%arg0: i32) -> (i32, i32) {
    %c0_i32 = arith.constant 0 : i32
    %c0_i32_0 = arith.constant 0 : i32
    %c0_i32_1 = arith.constant 0 : i32
    return %c0_i32, %c0_i32_0 : i32, i32
  }
  func.func @transform_5(%arg0: i32) -> (i32, i32) {
    %c0_i32 = arith.constant 0 : i32
    %c0_i32_0 = arith.constant 0 : i32
    %c0_i32_1 = arith.constant 0 : i32
    return %c0_i32, %c0_i32_0 : i32, i32
  }
  func.func @transform_6(%arg0: i32) -> (i32, i32) {
    %c0_i32 = arith.constant 0 : i32
    %c0_i32_0 = arith.constant 0 : i32
    %c0_i32_1 = arith.constant 0 : i32
    return %c0_i32, %c0_i32_0 : i32, i32
  }
  func.func @transform_7(%arg0: i32) -> (i32, i32) {
    %c0_i32 = arith.constant 0 : i32
    %c0_i32_0 = arith.constant 0 : i32
    %c0_i32_1 = arith.constant 0 : i32
    return %c0_i32, %c0_i32_0 : i32, i32
  }
  func.func @transform_8(%arg0: i32) -> (i32, i32) {
    %c0_i32 = arith.constant 0 : i32
    %c0_i32_0 = arith.constant 0 : i32
    %c0_i32_1 = arith.constant 0 : i32
    return %c0_i32, %c0_i32_0 : i32, i32
  }
  func.func @transform_9(%arg0: i32) -> (i32, i32) {
    %c0_i32 = arith.constant 0 : i32
    %c0_i32_0 = arith.constant 0 : i32
    return %arg0, %c0_i32 : i32, i32
  }
}

module attributes {stable_mosaic.version = 14 : i64} {
  func.func @body(%arg0: i32, %arg1: memref<2000x128xf32, #tpu.memory_space<vmem>>, %arg2: memref<2000x128xf32, #tpu.memory_space<vmem>>, %arg3: memref<2000x128xf32, #tpu.memory_space<vmem>>, %arg4: memref<128x256xf32, #tpu.memory_space<vmem>>, %arg5: memref<128x256xf32, #tpu.memory_space<vmem>>, %arg6: memref<1x256xf32, #tpu.memory_space<vmem>>, %arg7: memref<256x128xf32, #tpu.memory_space<vmem>>, %arg8: memref<1x128xf32, #tpu.memory_space<vmem>>, %arg9: memref<2000x128xf32, #tpu.memory_space<vmem>>) attributes {dimension_semantics = [#tpu.dimension_semantics<arbitrary>], iteration_bounds = array<i64: 5>, scalar_prefetch = 0 : i64, scratch_operands = 0 : i64, tpu.core_type = #tpu.core_type<tc>, window_params = [{transform_indices = @transform_0, window_bounds = array<i64: 2000, 128>}, {transform_indices = @transform_1, window_bounds = array<i64: 2000, 128>}, {transform_indices = @transform_2, window_bounds = array<i64: 2000, 128>}, {pipeline_mode = #tpu.pipeline_mode<synchronous>, transform_indices = @transform_3, window_bounds = array<i64: 128, 256>}, {pipeline_mode = #tpu.pipeline_mode<synchronous>, transform_indices = @transform_4, window_bounds = array<i64: 128, 256>}, {pipeline_mode = #tpu.pipeline_mode<synchronous>, transform_indices = @transform_5, window_bounds = array<i64: 1, 256>}, {pipeline_mode = #tpu.pipeline_mode<synchronous>, transform_indices = @transform_6, window_bounds = array<i64: 256, 128>}, {pipeline_mode = #tpu.pipeline_mode<synchronous>, transform_indices = @transform_7, window_bounds = array<i64: 1, 128>}, {transform_indices = @transform_8, window_bounds = array<i64: 2000, 128>}]} {
    %get3A = arith.constant 0 : index
    %get3A_0 = arith.constant 0 : index
    %get3A_1 = vector.load %arg2[%get3A, %get3A_0] : memref<2000x128xf32, #tpu.memory_space<vmem>>, vector<2000x128xf32>
    %get3A_2 = arith.constant 0 : index
    %get3A_3 = arith.constant 0 : index
    %get3A_4 = vector.load %arg3[%get3A_2, %get3A_3] : memref<2000x128xf32, #tpu.memory_space<vmem>>, vector<2000x128xf32>
    %add3A = arith.addf %get3A_1, %get3A_4 : vector<2000x128xf32>
    %get3A_5 = arith.constant 0 : index
    %get3A_6 = arith.constant 0 : index
    %get3A_7 = vector.load %arg1[%get3A_5, %get3A_6] : memref<2000x128xf32, #tpu.memory_space<vmem>>, vector<2000x128xf32>
    %get3A_8 = arith.constant 0 : index
    %get3A_9 = arith.constant 0 : index
    %get3A_10 = vector.load %arg4[%get3A_8, %get3A_9] : memref<128x256xf32, #tpu.memory_space<vmem>>, vector<128x256xf32>
    %dot_general3A = arith.constant dense<0.000000e+00> : vector<2000x256xf32>
    %dot_general3A_11 = tpu.matmul %get3A_7, %get3A_10, %dot_general3A {dimension_numbers = #tpu.dot_dimension_numbers<[1], [0], [0], [1], [0, 0, 1, 1], [], []>, transpose_lhs_hint = false} : vector<2000x128xf32>, vector<128x256xf32>, vector<2000x256xf32> -> vector<2000x256xf32>
    %get3A_12 = arith.constant 0 : index
    %get3A_13 = arith.constant 0 : index
    %get3A_14 = vector.load %arg5[%get3A_12, %get3A_13] : memref<128x256xf32, #tpu.memory_space<vmem>>, vector<128x256xf32>
    %dot_general3A_15 = arith.constant dense<0.000000e+00> : vector<2000x256xf32>
    %dot_general3A_16 = tpu.matmul %add3A, %get3A_14, %dot_general3A_15 {dimension_numbers = #tpu.dot_dimension_numbers<[1], [0], [0], [1], [0, 0, 1, 1], [], []>, transpose_lhs_hint = false} : vector<2000x128xf32>, vector<128x256xf32>, vector<2000x256xf32> -> vector<2000x256xf32>
    %add3A_17 = arith.addf %dot_general3A_11, %dot_general3A_16 : vector<2000x256xf32>
    %get3A_18 = arith.constant 0 : index
    %get3A_19 = arith.constant 0 : index
    %get3A_20 = vector.load %arg6[%get3A_18, %get3A_19] : memref<1x256xf32, #tpu.memory_space<vmem>>, vector<1x256xf32>
    %add3A_21 = vector.broadcast %get3A_20 : vector<1x256xf32> to vector<2000x256xf32>
    %add3A_22 = arith.addf %add3A_17, %add3A_21 : vector<2000x256xf32>
    %max3A = arith.constant 0.000000e+00 : f32
    %max3A_23 = vector.broadcast %max3A : f32 to vector<2000x256xf32>
    %max3A_24 = arith.maximumf %add3A_22, %max3A_23 : vector<2000x256xf32>
    %get3A_25 = arith.constant 0 : index
    %get3A_26 = arith.constant 0 : index
    %get3A_27 = vector.load %arg7[%get3A_25, %get3A_26] : memref<256x128xf32, #tpu.memory_space<vmem>>, vector<256x128xf32>
    %dot_general3A_28 = arith.constant dense<0.000000e+00> : vector<2000x128xf32>
    %dot_general3A_29 = tpu.matmul %max3A_24, %get3A_27, %dot_general3A_28 {dimension_numbers = #tpu.dot_dimension_numbers<[1], [0], [0], [1], [0, 0, 1, 1], [], []>, transpose_lhs_hint = false} : vector<2000x256xf32>, vector<256x128xf32>, vector<2000x128xf32> -> vector<2000x128xf32>
    %get3A_30 = arith.constant 0 : index
    %get3A_31 = arith.constant 0 : index
    %get3A_32 = vector.load %arg8[%get3A_30, %get3A_31] : memref<1x128xf32, #tpu.memory_space<vmem>>, vector<1x128xf32>
    %add3A_33 = vector.broadcast %get3A_32 : vector<1x128xf32> to vector<2000x128xf32>
    %add3A_34 = arith.addf %dot_general3A_29, %add3A_33 : vector<2000x128xf32>
    %swap3A = arith.constant 0 : index
    %swap3A_35 = arith.constant 0 : index
    %swap3A_36 = vector.load %arg9[%swap3A, %swap3A_35] : memref<2000x128xf32, #tpu.memory_space<vmem>>, vector<2000x128xf32>
    tpu.vector_store %arg9[%swap3A, %swap3A_35], %add3A_34 {strides = array<i32>} : memref<2000x128xf32, #tpu.memory_space<vmem>>, vector<2000x128xf32>,
    return
  }
  func.func @transform_0(%arg0: i32) -> (i32, i32) {
    %c0_i32 = arith.constant 0 : i32
    %c0_i32_0 = arith.constant 0 : i32
    return %arg0, %c0_i32 : i32, i32
  }
  func.func @transform_1(%arg0: i32) -> (i32, i32) {
    %c0_i32 = arith.constant 0 : i32
    %c0_i32_0 = arith.constant 0 : i32
    return %arg0, %c0_i32 : i32, i32
  }
  func.func @transform_2(%arg0: i32) -> (i32, i32) {
    %c0_i32 = arith.constant 0 : i32
    %c0_i32_0 = arith.constant 0 : i32
    return %arg0, %c0_i32 : i32, i32
  }
  func.func @transform_3(%arg0: i32) -> (i32, i32) {
    %c0_i32 = arith.constant 0 : i32
    %c0_i32_0 = arith.constant 0 : i32
    %c0_i32_1 = arith.constant 0 : i32
    return %c0_i32, %c0_i32_0 : i32, i32
  }
  func.func @transform_4(%arg0: i32) -> (i32, i32) {
    %c0_i32 = arith.constant 0 : i32
    %c0_i32_0 = arith.constant 0 : i32
    %c0_i32_1 = arith.constant 0 : i32
    return %c0_i32, %c0_i32_0 : i32, i32
  }
  func.func @transform_5(%arg0: i32) -> (i32, i32) {
    %c0_i32 = arith.constant 0 : i32
    %c0_i32_0 = arith.constant 0 : i32
    %c0_i32_1 = arith.constant 0 : i32
    return %c0_i32, %c0_i32_0 : i32, i32
  }
  func.func @transform_6(%arg0: i32) -> (i32, i32) {
    %c0_i32 = arith.constant 0 : i32
    %c0_i32_0 = arith.constant 0 : i32
    %c0_i32_1 = arith.constant 0 : i32
    return %c0_i32, %c0_i32_0 : i32, i32
  }
  func.func @transform_7(%arg0: i32) -> (i32, i32) {
    %c0_i32 = arith.constant 0 : i32
    %c0_i32_0 = arith.constant 0 : i32
    %c0_i32_1 = arith.constant 0 : i32
    return %c0_i32, %c0_i32_0 : i32, i32
  }
  func.func @transform_8(%arg0: i32) -> (i32, i32) {
    %c0_i32 = arith.constant 0 : i32
    %c0_i32_0 = arith.constant 0 : i32
    return %arg0, %c0_i32 : i32, i32
  }
}

</mosaic_0001>

<sc_bundles>
// kernel: kernel.15.cloned.1.call-start
scs
__scs_entry_jumppad:
0x0: {  	(pc) =	sbr.rel $0x88, $3  }
0x1: {  	(tag) =	ssettag $0x0;
	lr =	simm.s32 $0x1  }
0x2: {  	[smem:$0x3F96] =	sst lr;
	_ =	strace $0xD0000000  }
0x3: {  	_ = 	snop  }
0x4: {  	_ = 	snop  }
0x5: {  	_ = 	snop  }
0x6: {  	_ = 	snop  }
0x7: {  	_ = 	snop  }
__scs_overlays_trampoline_lowered:
0x8: {  	[smem:$0x3FA5] =	sst s0  }
0x9: {  	[smem:$0x3FA6] =	sst s1  }
0xa: {  	[smem:$0x3FA7] =	sst s2  }
0xb: {  	[smem:$0x3FA8] =	sst s3  }
0xc: {  	[smem:$0x3FA9] =	sst s4  }
0xd: {  	[smem:$0x3FAA] =	sst s5  }
0xe: {  	[smem:$0x3FAB] =	sst s6  }
0xf: {  	[smem:$0x3FAC] =	sst s7  }
0x10: {  	[smem:$0x3FAD] =	sst s8  }
0x11: {  	[smem:$0x3FAE] =	sst s9;
	s0 =	simm.s32 @!p0 $0x0  }
0x12: {  	s1 =	sld [smem:$0x3F94];
	s0 =	simm.s32 @p0 $0x1  }
0x13: {  	[smem:$0x3FAF] =	sst s0;
	s0 =	simm.s32 @!p1 $0x0  }
0x14: {  	s2 =	sld [smem:$0x3F93];
	s0 =	simm.s32 @p1 $0x1  }
0x15: {  	[smem:$0x3FB0] =	sst s0;
	s0 =	simm.s32 @!p2 $0x0  }
0x16: {  	s3 =	sld [smem:$0x3FDB];
	s0 =	simm.s32 @p2 $0x1  }
0x17: {  	s4 =	simm.s32 $0x1BF5;
	[smem:$0x3FB2] =	sst s0  }
0x18: {  	s0 =	sld [smem:$0x3F95];
	_ =	swait.ge [sflag:s4], $0x0  }
0x19: {  	s7 =	sld [smem:$0x3F96]  }
0x1a: {  	s8 =	sadd.s32 $0xFFFFE003, lr  }
0x1b: {  	s9 =	sadd.s32 $0xFFFFFEF7, lr;
	s5 =	simm.s32 $0xFFFFFFFF;
	p2 =	slt.u32 s8, $0xFFFFF086  }
0x1c: {  	p1 =	slt.u32 s9, $0xF7A;
	s5 =	simm.s32 @!p2 $0x0  }
0x1d: {  	s5 =	simm.s32 @p1 $0x1;
	p0 =	seq.s32 s7, s2  }
0x1e: {  	s7 =	smul.u32 @!p0 $0xF7A, s2;
	p2 =	seq.s32 @!p0 s5, $0x0  }
0x1f: {  	s9 =	smul.u32 $0xF7A, s1;
	s8 =	simm.s32 @!p0 $0x1BF5;
	p2 =	por !p2, p0  }
0x20: {  	[sflag:s8] =	ssyncset.s32 @!p0 $0xFFFFF086;
	s6 =	sadd.s32 @!p0 s3, s7;
	s7 =	simm.s32 @!p0 $0x108  }
0x21: {  	s3 =	sadd.s32 s3, s9;
	s6 =	sadd.s32 @!p0 $0x88, s6;
	s7 =	simm.s32 @p2 $0x1082  }
0x22: {  	[simem:s7], [sflag:s8] =	dma.local @!p0 [hbm:s6], $0xF7A  }
0x23: {  	s9 =	sor.u32 $0xD0000000, s2;
	s6 =	simm.s32 $0x108;
	_ =	swait.ge @!p0 [sflag:s8], $0x0  }
0x24: {  	s3 =	sadd.s32 $0x88, s3;
	s6 =	simm.s32 @!p1 $0x1082;
	[sflag:s4] =	ssyncset.s32 $0xFFFFF086  }
0x25: {  	[simem:s6], [sflag:s4] =	dma.local [hbm:s3], $0xF7A  }
0x26: {  	[smem:$0x3F96] =	sst s1;
	(tag) =	ssettag s2;
	_ =	strace s9  }
0x27: {  	s1 =	sld [smem:$0x3FA6]  }
0x28: {  	s2 =	sld [smem:$0x3FA7]  }
0x29: {  	s4 =	sld [smem:$0x3FA9]  }
0x2a: {  	p0 =	seq.s32 s5, $0x0;
	s5 =	sld [smem:$0x3FAA]  }
0x2b: {  	s6 =	sld [smem:$0x3FAB]  }
0x2c: {  	s7 =	sld [smem:$0x3FAC]  }
0x2d: {  	s3 =	simm.s32 $0x108;
	s8 =	sld [smem:$0x3FAD]  }
0x2e: {  	s3 =	simm.s32 @!p0 $0x1082;
	s9 =	sld [smem:$0x3FAE]  }
0x2f: {  	lr =	sadd.s32 s0, s3;
	s0 =	sld [smem:$0x3FA5]  }
0x30: {  	s3 =	sld [smem:$0x3FA8]  }
0x31: {  	[smem:$0x3FB1] =	sst s10  }
0x32: {  	s10 =	sld [smem:$0x3FAF];
	_ =	sdelay $0x3  }
0x33: {  	p0 =	seq.s32 s10, $0x1;
	s10 =	sld [smem:$0x3FB1];
	_ =	sdelay $0x3  }
0x34: {  	[smem:$0x3FB1] =	sst s10  }
0x35: {  	s10 =	sld [smem:$0x3FB0];
	_ =	sdelay $0x3  }
0x36: {  	p1 =	seq.s32 s10, $0x1;
	s10 =	sld [smem:$0x3FB1];
	_ =	sdelay $0x3  }
0x37: {  	[smem:$0x3FB1] =	sst s10  }
0x38: {  	s10 =	sld [smem:$0x3FB2]  }
0x39: {  	_ = 	snop;
	(pc) =	sbr.ind lr, $3  }
0x3a: {  	_ = 	snop  }
0x3b: {  	_ = 	snop  }
0x3c: {  	p2 =	seq.s32 s10, $0x1;
	s10 =	sld [smem:$0x3FB1]  }
0x3d: {  	_ =	shalt  }
0x3e: {  	_ =	shalt  }
0x3f: {  	_ =	shalt  }
0x40: {  	_ =	shalt  }
0x41: {  	_ =	shalt  }
0x42: {  	_ =	shalt  }
0x43: {  	_ =	shalt  }
0x44: {  	_ =	shalt  }
0x45: {  	_ =	shalt  }
0x46: {  	_ =	shalt  }
0x47: {  	_ =	shalt  }
0x48: {  	_ =	shalt  }
0x49: {  	_ =	shalt  }
0x4a: {  	_ =	shalt  }
0x4b: {  	_ =	shalt  }
0x4c: {  	_ =	shalt  }
0x4d: {  	_ =	shalt  }
0x4e: {  	_ =	shalt  }
0x4f: {  	_ =	shalt  }
0x50: {  	_ =	shalt  }
0x51: {  	_ =	shalt  }
0x52: {  	_ =	shalt  }
0x53: {  	_ =	shalt  }
0x54: {  	_ =	shalt  }
0x55: {  	_ =	shalt  }
0x56: {  	_ =	shalt  }
0x57: {  	_ =	shalt  }
0x58: {  	_ =	shalt  }
0x59: {  	_ =	shalt  }
0x5a: {  	_ =	shalt  }
0x5b: {  	_ =	shalt  }
0x5c: {  	_ =	shalt  }
0x5d: {  	_ =	shalt  }
0x5e: {  	_ =	shalt  }
0x5f: {  	_ =	shalt  }
0x60: {  	_ =	shalt  }
0x61: {  	_ =	shalt  }
0x62: {  	_ =	shalt  }
0x63: {  	_ =	shalt  }
0x64: {  	_ =	shalt  }
0x65: {  	_ =	shalt  }
0x66: {  	_ =	shalt  }
0x67: {  	_ =	shalt  }
0x68: {  	_ =	shalt  }
0x69: {  	_ =	shalt  }
0x6a: {  	_ =	shalt  }
0x6b: {  	_ =	shalt  }
0x6c: {  	_ =	shalt  }
0x6d: {  	_ =	shalt  }
0x6e: {  	_ =	shalt  }
0x6f: {  	_ =	shalt  }
0x70: {  	_ =	shalt  }
0x71: {  	_ =	shalt  }
0x72: {  	_ =	shalt  }
0x73: {  	_ =	shalt  }
0x74: {  	_ =	shalt  }
0x75: {  	_ =	shalt  }
0x76: {  	_ =	shalt  }
0x77: {  	_ =	shalt  }
0x78: {  	_ =	shalt  }
0x79: {  	_ =	shalt  }
0x7a: {  	_ =	shalt  }
0x7b: {  	_ =	shalt  }
0x7c: {  	_ =	shalt  }
0x7d: {  	_ =	shalt  }
0x7e: {  	_ =	shalt  }
0x7f: {  	_ =	shalt  }
0x80: {  	_ =	shalt  }
0x81: {  	_ =	shalt  }
0x82: {  	_ =	shalt  }
0x83: {  	_ =	shalt  }
0x84: {  	_ =	shalt  }
0x85: {  	_ =	shalt  }
0x86: {  	_ =	shalt  }
0x87: {  	_ =	shalt  }
.Lfunc_end0:
.L_simem_size_0:
called_computation_lowered:
.L_overlay_start_0:
0x88: {  	s2 =	sld [smem:$0x3FD9]  }
0x89: {  	s3 =	sld [smem:$0x3FFE];
	_ =	sdelay $0x1  }
0x8a: {  	s1 =	srdreg.scid  }
0x8b: {  	s0 =	sand.u32 $0x1, s1  }
0x8c: {  	s17 =	sshll.u32 s0, $0xA;
	s2 =	sadd.s32 s3, s2  }
0x8d: {  	s2 =	sadd.s32 s2, s17  }
0x8e: {  	[smem:$0x3FBD] =	sst s2  }
0x8f: {  	_ = 	snop  }
0x90: {  	s18 =	sld [smem:$0x3FC9];
	(tm) =	ssettm $0x1  }
0x91: {  	s19 =	sld [smem:$0x3FFB];
	_ =	sdelay $0x3  }
0x92: {  	_ =	strace s19  }
0x93: {  	s2 =	sld [smem:$0x3FFC];
	_ =	sdelay $0x3  }
0x94: {  	_ =	strace s2  }
0x95: {  	s2 =	sld [smem:$0x3FFD];
	_ =	sdelay $0x3  }
0x96: {  	_ =	strace s2  }
0x97: {  	_ =	strace $0x8FFFFFFF  }
0x98: {  	s20 =	sld [smem:$0x3FDB];
	_ =	sdelay $0x1  }
0x99: {  	s4 =	simm.s32 $_scs_section_size  }
0x9a: {  	s5 =	simm.s32 $_size__tile_overlayer_lowered;
	s6 =	simm.s32 $_tile_overlayer_lowered  }
0x9b: {  	s7 =	simm.s32 $0x1BFF;
	s21 =	sshll.u32 s6, $0x1;
	s4 =	sadd.s32 s4, s20  }
0x9c: {  	s22 =	simm.s32 $0x0;
	s5 =	sshll.u32 s5, $0x1;
	s6 =	sadd.s32 s21, s4  }
0x9d: {  	[timem:s22], [sflag:s7] =	dma.local [hbm:s6], s5  }
0x9e: {  	_ =	swait.ge [sflag:s7], s5  }
0x9f: {  	s5 =	ssub.s32 $0x0, s5;
	[sflag:s7] =	ssyncset.done $0x0  }
0xa0: {  	[sflag:s7] =	ssyncadd.s32 s5;
	_ =	sdelay $0x1  }
0xa1: {  	s23 =	simm.s32 $0x1B8B  }
0xa2: {  	_ =	swait.ge [sflag:s23], $0x1  }
0xa3: {  	[sflag:s23] =	ssyncset.done $0x0  }
0xa4: {  	[sflag:s23] =	ssyncadd.s32 $0xFFFFFFFF  }
0xa5: {  	s5 =	sld [smem:$0x0]  }
0xa6: {  	s6 =	sand.u32 $0xFFFFFFFE, s1  }
0xa7: {  	p0 =	sne.s32 s1, s6  }
0xa8: {  	s6 =	sshll.u32 @p0 s6, $0xE  }
0xa9: {  	s6 =	sadd.s32 @p0 $0x11B8D, s6;
	s7 =	sshll.u32 @p0 s5, $0x11  }
0xaa: {  	s6 =	sor.u32 @p0 s7, s6  }
0xab: {  	[sflag:s6] =	ssyncadd.remote.s32 @p0 $0x1;
	_ =	sdelay $0x1  }
0xac: {  	s6 =	simm.s32 @p0 $0x1B8D  }
0xad: {  	_ =	swait.eq @p0 [sflag:s6], $0x1  }
0xae: {  	[sflag:s6] =	ssyncadd.s32 @p0 $0xFFFFFFFF  }
0xaf: {  	s7 =	sshll.u32 @!p0 s1, $0xE  }
0xb0: {  	s7 =	sor.u32 @!p0 $0x4000, s7;
	s6 =	simm.s32 @!p0 $0x1B8D  }
0xb1: {  	s5 =	sshll.u32 @!p0 s5, $0x11;
	s7 =	sadd.s32 @!p0 $0x11B8D, s7;
	_ =	swait.eq @!p0 [sflag:s6], $0x1  }
0xb2: {  	s5 =	sor.u32 @!p0 s5, s7;
	[sflag:s6] =	ssyncadd.s32 @!p0 $0xFFFFFFFF  }
0xb3: {  	s25 =	simm.s32 $0x1B8E;
	s24 =	sld [smem:$0x3FFE];
	[sflag:s5] =	ssyncadd.remote.s32 @!p0 $0x1  }
0xb4: {  	s26 =	simm.s32 $execute0_lowered;
	[smem:$0x3FD2] =	sst s25  }
0xb5: {  	s6 =	sshll.u32 s26, $0x1;
	_ =	strace $0x8000004C;
	[dreg:$0x1] =	wrdreg $0xFFFFFFFF  }
0xb6: {  	s28 =	simm.s32 $_size_execute0_lowered;
	s4 =	sadd.s32 s4, s6;
	[dreg:$0x0] =	wrdreg $0x0  }
0xb7: {  	s6 =	sshll.u32 s28, $0x1;
	[dreg:$0x2] =	wrdreg s4  }
0xb8: {  	[dreg:$0x3] =	wrdreg s6  }
0xb9: {  	[dreg:$0x4] =	wrdreg $0xC0  }
0xba: {  	_ =	task [dreg:s22], $0x5FFFF  }
0xbb: {  	[dreg:$0x1] =	wrdreg $0xFFFFFFFF  }
0xbc: {  	[dreg:$0x0] =	wrdreg $0x60  }
0xbd: {  	[dreg:$0x2] =	wrdreg s18  }
0xbe: {  	[dreg:$0x3] =	wrdreg s24  }
0xbf: {  	[dreg:$0x4] =	wrdreg $0xB  }
0xc0: {  	_ =	task.clear_ibuf [dreg:s22], $0x5FFFF;
	_ =	strace $0x9000004C  }
0xc1: {  	s29 =	simm.s32 $0xB;
	_ =	strace $0x8000004E  }
0xc2: {  	_ =	swait.ge [sflag:s29], $0x1  }
0xc3: {  	[sflag:s29] =	ssyncadd.s32 $0xFFFFFFFF  }
0xc4: {  	_ =	strace $0x9000004E  }
0xc5: {  	_ =	sfence  }
0xc6: {  	s30 =	sld [smem:$0x0];
	_ =	sdelay $0x2  }
0xc7: {  	s31 =	sshll.u32 s1, $0xD;
	s1 =	sshrl.u32 s1, $0x2  }
0xc8: {  	s4 =	sand.u32 $0x4000, s31;
	s1 =	sadd.s32 s1, s30  }
0xc9: {  	s0 =	sor.u32 s4, s0;
	s1 =	sshll.u32 s1, $0x11  }
0xca: {  	s0 =	sor.u32 s1, s0  }
0xcb: {  	s0 =	sadd.s32 $0x8F2B, s0  }
0xcc: {  	[sflag:s0] =	ssyncadd.remote.s32 $0x1  }
0xcd: {  	_ =	sfence.sel $0xFFFF  }
0xce: {  	[dreg:$0x0] =	wrdreg $0xFFFFFFFF;
	(pc) =	sbr.abs _section_cstart, $3  }
0xcf: {  	[dreg:$0x1] =	wrdreg $0xFFFFFFFF  }
0xd0: {  	_ =	task.clear_ibuf [dreg:s22], $0x2FFFF;
	_ =	strace $0x9FFFFFFF  }
0xd1: {  	(tm) =	ssettm $0x7FFFFFFF  }
tec
execute0_lowered:
.L_overlay_start_1:
0x0: {  	(tag) =	ssettag $0x1  }
0x1: {  	s2 =	rddreg [dreg:$0x0];
	s1 =	srdreg.scid  }
0x2: {  	s0 =	stileid.u32;
	s4 =	rddreg [dreg:$0x1]  }
0x3: {  	s3 =	simm.s32 $0x0;
	s10 =	simm.s32 $0x200;
	s11 =	simm.s32 $0x190  }
0x4: {  	s12 =	simm.s32 $0x400;
	s13 =	simm.s32 $0xCC00;
	s6 =	smul.u32 $0xFA0, s0  }
0x5: {  	s14 =	simm.s32 $0x1;
	s5 =	sand.u32 $0x1, s1;
	s8 =	smul.u32 $0xFA00, s0  }
0x6: {  	s15 =	simm.s32 $0x2;
	s1 =	rddreg [dreg:$0x2];
	s7 =	smul.u32 $0x7D0, s5  }
0x7: {  	s16 =	simm.s32 $0x0;
	[smem:$0x7FF] =	sst s3;
	s9 =	smul.u32 $0x7D00, s5  }
0x8: {  	_ =	strace $0x8000004D;
	s5 =	ssub.s32 $0x2, s5;
	s29 =	sadd.s32 s8, s4  }
0x9: {  	s30 =	sshrl.u32 s5, $0x1;
	s6 =	sadd.s32 s7, s6;
	s7 =	sadd.s32 s9, s29  }
0xa: {  	s5 =	ssub.s32 s5, s30;
	s9 =	simm.s32 $0x3;
	s6 =	sshrl.u32 s6, $0x3  }
0xb: {  	s31 =	sadd.s32 s6, s4;
	s4 =	sadd.s32 $0x40B200, s7;
	s6 =	sadd.s32 $0x505200, s7  }
0xc: {  	s5 =	smax.u32 s5, $0x1;
	s7 =	sadd.s32 $0x407200, s31;
	s8 =	sadd.s32 $0x409200, s31  }
.LBB2_1:
0xd: {  	s17 =	sadd.s32 $0x0, s8  }
0xe: {  	[tilespmem:s3], [sflag:$0x3] =	stream.linear.gather [hbm4b:s17+s3], $0x190, $0x38;
	[tilespmem:$0x19400] =	vst v63  }
0xf: {  	_ =	swait.ge [sflag:s9], $0x190  }
0x10: {  	[sflag:s9] =	ssyncset.done $0x0  }
0x11: {  	s31 =	sadd.s32 $0x0, s7;
	[sflag:s9] =	ssyncadd.s32 $0xFFFFFE70  }
0x12: {  	[tilespmem:s10], [sflag:$0x3] =	stream.linear.gather [hbm4b:s31+s3], $0x190, $0x38;
	[tilespmem:$0x19400] =	vst v63  }
0x13: {  	_ =	swait.ge [sflag:s9], $0x190  }
0x14: {  	[sflag:s9] =	ssyncset.done $0x0  }
0x15: {  	[sflag:s9] =	ssyncadd.s32 $0xFFFFFE70  }
0x16: {  	[tilespmem:s12], [sflag:$0x1] =	stream.indirect.gather [hbm4b:s2+s11], $0x80, s3, s11, $0xb8;
	[tilespmem:$0x19400] =	vst v63  }
0x17: {  	_ = 	snop  }
0x18: {  	[tilespmem:s13], [sflag:$0x2] =	stream.indirect.gather [hbm4b:s2+s11], $0x80, s10, s11, $0xb8;
	[tilespmem:$0x19400] =	vst v63  }
0x19: {  	_ =	swait.ge [sflag:s14], $0xC800  }
0x1a: {  	[sflag:s14] =	ssyncset.done $0x0  }
0x1b: {  	[sflag:s14] =	ssyncadd.s32 $0xFFFF3800  }
0x1c: {  	_ =	swait.ge [sflag:s15], $0xC800  }
0x1d: {  	[sflag:s15] =	ssyncset.done $0x0  }
0x1e: {  	[sflag:s15] =	ssyncadd.s32 $0xFFFF3800  }
0x1f: {  	[hbm4b:s4+s3] =	stream.linear.scatter [tilespmem:s12], [sflag:$0x3], $0xC800, $0x38;
	[tilespmem:$0x19400] =	vst v63  }
0x20: {  	_ =	swait.ge [sflag:s9], $0xC800  }
0x21: {  	[sflag:s9] =	ssyncset.done $0x0  }
0x22: {  	[sflag:s9] =	ssyncadd.s32 $0xFFFF3800  }
0x23: {  	[hbm4b:s6+s3] =	stream.linear.scatter [tilespmem:s13], [sflag:$0x3], $0xC800, $0x38;
	[tilespmem:$0x19400] =	vst v63  }
0x24: {  	s19 =	simm.s32 $0x32;
	s20 =	simm.s32 $0x64;
	_ =	swait.ge [sflag:s9], $0xC800  }
0x25: {  	s18 =	sadd.s32 $0x1900, s4;
	s17 =	sadd.s32 $0x1900, s6;
	[sflag:s9] =	ssyncset.done $0x0  }
.LBB2_2:
0x26: {  	s21 =	sadd.s32 s19, s8  }
0x27: {  	[sflag:s9] =	ssyncadd.s32 $0xFFFF3800;
	s22 =	smov.u32 s20;
	s23 =	sadd.s32 $0x32, s20  }
0x28: {  	[tilespmem:s3], [sflag:$0x3] =	stream.linear.gather [hbm4b:s21+s3], $0x190, $0x38;
	[tilespmem:$0x19400] =	vst v63  }
0x29: {  	p0 =	sne.s32 s20, $0xC8;
	_ =	swait.ge [sflag:s9], $0x190  }
0x2a: {  	[sflag:s9] =	ssyncset.done $0x0  }
0x2b: {  	s20 =	sadd.s32 s19, s7;
	s19 =	smov.u32 s22;
	[sflag:s9] =	ssyncadd.s32 $0xFFFFFE70  }
0x2c: {  	[tilespmem:s10], [sflag:$0x3] =	stream.linear.gather [hbm4b:s20+s3], $0x190, $0x38;
	[tilespmem:$0x19400] =	vst v63  }
0x2d: {  	_ =	swait.ge [sflag:s9], $0x190  }
0x2e: {  	[sflag:s9] =	ssyncset.done $0x0  }
0x2f: {  	[sflag:s9] =	ssyncadd.s32 $0xFFFFFE70  }
0x30: {  	[tilespmem:s12], [sflag:$0x1] =	stream.indirect.gather [hbm4b:s2+s11], $0x80, s3, s11, $0xb8;
	[tilespmem:$0x19400] =	vst v63  }
0x31: {  	_ = 	snop  }
0x32: {  	[tilespmem:s13], [sflag:$0x2] =	stream.indirect.gather [hbm4b:s2+s11], $0x80, s10, s11, $0xb8;
	[tilespmem:$0x19400] =	vst v63  }
0x33: {  	_ =	swait.ge [sflag:s14], $0xC800  }
0x34: {  	[sflag:s14] =	ssyncset.done $0x0  }
0x35: {  	[sflag:s14] =	ssyncadd.s32 $0xFFFF3800  }
0x36: {  	_ =	swait.ge [sflag:s15], $0xC800  }
0x37: {  	[sflag:s15] =	ssyncset.done $0x0  }
0x38: {  	[sflag:s15] =	ssyncadd.s32 $0xFFFF3800  }
0x39: {  	[hbm4b:s18+s3] =	stream.linear.scatter [tilespmem:s12], [sflag:$0x3], $0xC800, $0x38;
	[tilespmem:$0x19400] =	vst v63  }
0x3a: {  	_ =	swait.ge [sflag:s9], $0xC800  }
.Ltmp0:
0x3b: {  	[sflag:s9] =	ssyncset.done $0x0;
	(pc) =	sbr.rel @p0 .LBB2_2-.Ltmp0, $4  }
0x3c: {  	[sflag:s9] =	ssyncadd.s32 $0xFFFF3800  }
0x3d: {  	[hbm4b:s17+s3] =	stream.linear.scatter [tilespmem:s13], [sflag:$0x3], $0xC800, $0x38;
	[tilespmem:$0x19400] =	vst v63  }
0x3e: {  	s20 =	smov.u32 s23;
	_ =	swait.ge [sflag:s9], $0xC800  }
0x3f: {  	s18 =	sadd.s32 $0x1900, s18;
	s17 =	sadd.s32 $0x1900, s17;
	[sflag:s9] =	ssyncset.done $0x0  }
0x40: {  	s20 =	sadd.s32 s19, s8;
	[sflag:s9] =	ssyncadd.s32 $0xFFFF3800  }
0x41: {  	[tilespmem:s3], [sflag:$0x3] =	stream.linear.gather [hbm4b:s20+s3], $0x190, $0x38;
	[tilespmem:$0x19400] =	vst v63  }
0x42: {  	_ =	swait.ge [sflag:s9], $0x190  }
0x43: {  	[sflag:s9] =	ssyncset.done $0x0  }
0x44: {  	s31 =	sadd.s32 s19, s7;
	[sflag:s9] =	ssyncadd.s32 $0xFFFFFE70  }
0x45: {  	[tilespmem:s10], [sflag:$0x3] =	stream.linear.gather [hbm4b:s31+s3], $0x190, $0x38;
	[tilespmem:$0x19400] =	vst v63  }
0x46: {  	_ =	swait.ge [sflag:s9], $0x190  }
0x47: {  	[sflag:s9] =	ssyncset.done $0x0  }
0x48: {  	[sflag:s9] =	ssyncadd.s32 $0xFFFFFE70  }
0x49: {  	[tilespmem:s12], [sflag:$0x1] =	stream.indirect.gather [hbm4b:s2+s11], $0x80, s3, s11, $0xb8;
	[tilespmem:$0x19400] =	vst v63  }
0x4a: {  	_ = 	snop  }
0x4b: {  	[tilespmem:s13], [sflag:$0x2] =	stream.indirect.gather [hbm4b:s2+s11], $0x80, s10, s11, $0xb8;
	[tilespmem:$0x19400] =	vst v63  }
0x4c: {  	_ =	swait.ge [sflag:s14], $0xC800  }
0x4d: {  	[sflag:s14] =	ssyncset.done $0x0  }
0x4e: {  	[sflag:s14] =	ssyncadd.s32 $0xFFFF3800  }
0x4f: {  	_ =	swait.ge [sflag:s15], $0xC800  }
0x50: {  	[sflag:s15] =	ssyncset.done $0x0  }
0x51: {  	[sflag:s15] =	ssyncadd.s32 $0xFFFF3800  }
0x52: {  	[hbm4b:s18+s3] =	stream.linear.scatter [tilespmem:s12], [sflag:$0x3], $0xC800, $0x38;
	[tilespmem:$0x19400] =	vst v63  }
0x53: {  	s16 =	sadd.s32 $0x1, s16;
	_ =	swait.ge [sflag:s9], $0xC800  }
0x54: {  	p0 =	sne.s32 s16, s5;
	[sflag:s9] =	ssyncset.done $0x0  }
.Ltmp1:
0x55: {  	[sflag:s9] =	ssyncadd.s32 $0xFFFF3800;
	(pc) =	sbr.rel @p0 .LBB2_1-.Ltmp1, $4  }
0x56: {  	[hbm4b:s17+s3] =	stream.linear.scatter [tilespmem:s13], [sflag:$0x3], $0xC800, $0x38;
	[tilespmem:$0x19400] =	vst v63  }
0x57: {  	_ =	swait.ge [sflag:s9], $0xC800  }
0x58: {  	[sflag:s9] =	ssyncset.done $0x0  }
0x59: {  	[sflag:s9] =	ssyncadd.s32 $0xFFFF3800  }
0x5a: {  	_ =	sfence.sel $0x180000  }
0x5b: {  	[bflag:$0x0] =	sbarrier.arrive $0xFFFF  }
0x5c: {  	p0 =	sne.s32 s0, $0x0;
	_ =	strace $0x9000004D  }
0x5d: {  	s0 =	sadd.s32 @!p0 $0x100000, s1;
	[bflag:$0x2] =	sbarrier.arrive $0xFFFF  }
0x5e: {  	[sflag:s0] =	ssyncadd.tile.s32 @!p0 $0x1;
	_ =	shalt  }
.Lfunc_end2:
_tile_overlayer_lowered:
.L_overlay_start_2:
0x5f: {  	(tag) =	ssettag $0x2  }
0x60: {  	s0 =	rddreg [dreg:$0x0];
	s2 =	stileid.u32  }
0x61: {  	s1 =	rddreg [dreg:$0x1];
	p0 =	sne.s32 s2, $0x0  }
0x62: {  	s3 =	rddreg [dreg:$0x2];
	[bflag:$0x3] =	sbarrier.arrive $0xFFFF;
	s2 =	simm.s32 @!p0 $0x1C03  }
0x63: {  	[timem:s3], [sflag:s2] =	dma.local @!p0 [hbm:s0], s1  }
0x64: {  	s0 =	simm.s32 @!p0 $0x3  }
0x65: {  	_ =	swait.ge @!p0 [sflag:s0], s1  }
0x66: {  	s1 =	ssub.s32 @!p0 $0x0, s1;
	[sflag:s0] =	ssyncset.done @!p0 $0x0  }
0x67: {  	[sflag:s0] =	ssyncadd.s32 @!p0 s1  }
0x68: {  	[bflag:$0x3] =	sbarrier.arrive $0xFFFF  }
0x69: {  	_ =	shalt  }

// kernel: kernel.18.cloned.1.call-start
scs
__scs_entry_jumppad:
0x0: {  	(pc) =	sbr.rel $0x88, $3  }
0x1: {  	(tag) =	ssettag $0x0;
	lr =	simm.s32 $0x1  }
0x2: {  	[smem:$0x3F96] =	sst lr;
	_ =	strace $0xD0000000  }
0x3: {  	_ = 	snop  }
0x4: {  	_ = 	snop  }
0x5: {  	_ = 	snop  }
0x6: {  	_ = 	snop  }
0x7: {  	_ = 	snop  }
__scs_overlays_trampoline_lowered:
0x8: {  	[smem:$0x3FA5] =	sst s0  }
0x9: {  	[smem:$0x3FA6] =	sst s1  }
0xa: {  	[smem:$0x3FA7] =	sst s2  }
0xb: {  	[smem:$0x3FA8] =	sst s3  }
0xc: {  	[smem:$0x3FA9] =	sst s4  }
0xd: {  	[smem:$0x3FAA] =	sst s5  }
0xe: {  	[smem:$0x3FAB] =	sst s6  }
0xf: {  	[smem:$0x3FAC] =	sst s7  }
0x10: {  	[smem:$0x3FAD] =	sst s8  }
0x11: {  	[smem:$0x3FAE] =	sst s9;
	s0 =	simm.s32 @!p0 $0x0  }
0x12: {  	s1 =	sld [smem:$0x3F94];
	s0 =	simm.s32 @p0 $0x1  }
0x13: {  	[smem:$0x3FAF] =	sst s0;
	s0 =	simm.s32 @!p1 $0x0  }
0x14: {  	s2 =	sld [smem:$0x3F93];
	s0 =	simm.s32 @p1 $0x1  }
0x15: {  	[smem:$0x3FB0] =	sst s0;
	s0 =	simm.s32 @!p2 $0x0  }
0x16: {  	s3 =	sld [smem:$0x3FDB];
	s0 =	simm.s32 @p2 $0x1  }
0x17: {  	s4 =	simm.s32 $0x1BF5;
	[smem:$0x3FB2] =	sst s0  }
0x18: {  	s0 =	sld [smem:$0x3F95];
	_ =	swait.ge [sflag:s4], $0x0  }
0x19: {  	s7 =	sld [smem:$0x3F96]  }
0x1a: {  	s8 =	sadd.s32 $0xFFFFE003, lr  }
0x1b: {  	s9 =	sadd.s32 $0xFFFFFEF7, lr;
	s5 =	simm.s32 $0xFFFFFFFF;
	p2 =	slt.u32 s8, $0xFFFFF086  }
0x1c: {  	p1 =	slt.u32 s9, $0xF7A;
	s5 =	simm.s32 @!p2 $0x0  }
0x1d: {  	s5 =	simm.s32 @p1 $0x1;
	p0 =	seq.s32 s7, s2  }
0x1e: {  	s7 =	smul.u32 @!p0 $0xF7A, s2;
	p2 =	seq.s32 @!p0 s5, $0x0  }
0x1f: {  	s9 =	smul.u32 $0xF7A, s1;
	s8 =	simm.s32 @!p0 $0x1BF5;
	p2 =	por !p2, p0  }
0x20: {  	[sflag:s8] =	ssyncset.s32 @!p0 $0xFFFFF086;
	s6 =	sadd.s32 @!p0 s3, s7;
	s7 =	simm.s32 @!p0 $0x108  }
0x21: {  	s3 =	sadd.s32 s3, s9;
	s6 =	sadd.s32 @!p0 $0x88, s6;
	s7 =	simm.s32 @p2 $0x1082  }
0x22: {  	[simem:s7], [sflag:s8] =	dma.local @!p0 [hbm:s6], $0xF7A  }
0x23: {  	s9 =	sor.u32 $0xD0000000, s2;
	s6 =	simm.s32 $0x108;
	_ =	swait.ge @!p0 [sflag:s8], $0x0  }
0x24: {  	s3 =	sadd.s32 $0x88, s3;
	s6 =	simm.s32 @!p1 $0x1082;
	[sflag:s4] =	ssyncset.s32 $0xFFFFF086  }
0x25: {  	[simem:s6], [sflag:s4] =	dma.local [hbm:s3], $0xF7A  }
0x26: {  	[smem:$0x3F96] =	sst s1;
	(tag) =	ssettag s2;
	_ =	strace s9  }
0x27: {  	s1 =	sld [smem:$0x3FA6]  }
0x28: {  	s2 =	sld [smem:$0x3FA7]  }
0x29: {  	s4 =	sld [smem:$0x3FA9]  }
0x2a: {  	p0 =	seq.s32 s5, $0x0;
	s5 =	sld [smem:$0x3FAA]  }
0x2b: {  	s6 =	sld [smem:$0x3FAB]  }
0x2c: {  	s7 =	sld [smem:$0x3FAC]  }
0x2d: {  	s3 =	simm.s32 $0x108;
	s8 =	sld [smem:$0x3FAD]  }
0x2e: {  	s3 =	simm.s32 @!p0 $0x1082;
	s9 =	sld [smem:$0x3FAE]  }
0x2f: {  	lr =	sadd.s32 s0, s3;
	s0 =	sld [smem:$0x3FA5]  }
0x30: {  	s3 =	sld [smem:$0x3FA8]  }
0x31: {  	[smem:$0x3FB1] =	sst s10  }
0x32: {  	s10 =	sld [smem:$0x3FAF];
	_ =	sdelay $0x3  }
0x33: {  	p0 =	seq.s32 s10, $0x1;
	s10 =	sld [smem:$0x3FB1];
	_ =	sdelay $0x3  }
0x34: {  	[smem:$0x3FB1] =	sst s10  }
0x35: {  	s10 =	sld [smem:$0x3FB0];
	_ =	sdelay $0x3  }
0x36: {  	p1 =	seq.s32 s10, $0x1;
	s10 =	sld [smem:$0x3FB1];
	_ =	sdelay $0x3  }
0x37: {  	[smem:$0x3FB1] =	sst s10  }
0x38: {  	s10 =	sld [smem:$0x3FB2]  }
0x39: {  	_ = 	snop;
	(pc) =	sbr.ind lr, $3  }
0x3a: {  	_ = 	snop  }
0x3b: {  	_ = 	snop  }
0x3c: {  	p2 =	seq.s32 s10, $0x1;
	s10 =	sld [smem:$0x3FB1]  }
0x3d: {  	_ =	shalt  }
0x3e: {  	_ =	shalt  }
0x3f: {  	_ =	shalt  }
0x40: {  	_ =	shalt  }
0x41: {  	_ =	shalt  }
0x42: {  	_ =	shalt  }
0x43: {  	_ =	shalt  }
0x44: {  	_ =	shalt  }
0x45: {  	_ =	shalt  }
0x46: {  	_ =	shalt  }
0x47: {  	_ =	shalt  }
0x48: {  	_ =	shalt  }
0x49: {  	_ =	shalt  }
0x4a: {  	_ =	shalt  }
0x4b: {  	_ =	shalt  }
0x4c: {  	_ =	shalt  }
0x4d: {  	_ =	shalt  }
0x4e: {  	_ =	shalt  }
0x4f: {  	_ =	shalt  }
0x50: {  	_ =	shalt  }
0x51: {  	_ =	shalt  }
0x52: {  	_ =	shalt  }
0x53: {  	_ =	shalt  }
0x54: {  	_ =	shalt  }
0x55: {  	_ =	shalt  }
0x56: {  	_ =	shalt  }
0x57: {  	_ =	shalt  }
0x58: {  	_ =	shalt  }
0x59: {  	_ =	shalt  }
0x5a: {  	_ =	shalt  }
0x5b: {  	_ =	shalt  }
0x5c: {  	_ =	shalt  }
0x5d: {  	_ =	shalt  }
0x5e: {  	_ =	shalt  }
0x5f: {  	_ =	shalt  }
0x60: {  	_ =	shalt  }
0x61: {  	_ =	shalt  }
0x62: {  	_ =	shalt  }
0x63: {  	_ =	shalt  }
0x64: {  	_ =	shalt  }
0x65: {  	_ =	shalt  }
0x66: {  	_ =	shalt  }
0x67: {  	_ =	shalt  }
0x68: {  	_ =	shalt  }
0x69: {  	_ =	shalt  }
0x6a: {  	_ =	shalt  }
0x6b: {  	_ =	shalt  }
0x6c: {  	_ =	shalt  }
0x6d: {  	_ =	shalt  }
0x6e: {  	_ =	shalt  }
0x6f: {  	_ =	shalt  }
0x70: {  	_ =	shalt  }
0x71: {  	_ =	shalt  }
0x72: {  	_ =	shalt  }
0x73: {  	_ =	shalt  }
0x74: {  	_ =	shalt  }
0x75: {  	_ =	shalt  }
0x76: {  	_ =	shalt  }
0x77: {  	_ =	shalt  }
0x78: {  	_ =	shalt  }
0x79: {  	_ =	shalt  }
0x7a: {  	_ =	shalt  }
0x7b: {  	_ =	shalt  }
0x7c: {  	_ =	shalt  }
0x7d: {  	_ =	shalt  }
0x7e: {  	_ =	shalt  }
0x7f: {  	_ =	shalt  }
0x80: {  	_ =	shalt  }
0x81: {  	_ =	shalt  }
0x82: {  	_ =	shalt  }
0x83: {  	_ =	shalt  }
0x84: {  	_ =	shalt  }
0x85: {  	_ =	shalt  }
0x86: {  	_ =	shalt  }
0x87: {  	_ =	shalt  }
.Lfunc_end0:
.L_simem_size_0:
called_computation.1_lowered:
.L_overlay_start_0:
0x88: {  	s2 =	sld [smem:$0x3FD9]  }
0x89: {  	s3 =	sld [smem:$0x3FFE];
	_ =	sdelay $0x1  }
0x8a: {  	s1 =	srdreg.scid  }
0x8b: {  	s0 =	sand.u32 $0x1, s1  }
0x8c: {  	s17 =	sshll.u32 s0, $0xA;
	s2 =	sadd.s32 s3, s2  }
0x8d: {  	s2 =	sadd.s32 s2, s17  }
0x8e: {  	[smem:$0x3FBD] =	sst s2  }
0x8f: {  	_ = 	snop  }
0x90: {  	s2 =	sld [smem:$0x3FC9];
	(tm) =	ssettm $0x1  }
0x91: {  	s18 =	sld [smem:$0x3FFB];
	_ =	sdelay $0x3  }
0x92: {  	_ =	strace s18  }
0x93: {  	s3 =	sld [smem:$0x3FFC];
	_ =	sdelay $0x3  }
0x94: {  	_ =	strace s3  }
0x95: {  	s3 =	sld [smem:$0x3FFD];
	_ =	sdelay $0x3  }
0x96: {  	_ =	strace s3  }
0x97: {  	_ =	strace $0x8FFFFFFF  }
0x98: {  	s19 =	sld [smem:$0x3FDB];
	_ =	sdelay $0x1  }
0x99: {  	s4 =	simm.s32 $_scs_section_size  }
0x9a: {  	s5 =	simm.s32 $_size__tile_overlayer_lowered;
	s6 =	simm.s32 $_tile_overlayer_lowered  }
0x9b: {  	s22 =	simm.s32 $0x1BFF;
	s21 =	sshll.u32 s6, $0x1;
	s3 =	sadd.s32 s4, s19  }
0x9c: {  	s7 =	simm.s32 $0x0;
	s20 =	sshll.u32 s5, $0x1;
	s5 =	sadd.s32 s21, s3  }
0x9d: {  	[timem:s7], [sflag:s22] =	dma.local [hbm:s5], s20  }
0x9e: {  	_ =	swait.ge [sflag:s22], s20  }
0x9f: {  	s4 =	ssub.s32 $0x0, s20;
	[sflag:s22] =	ssyncset.done $0x0  }
0xa0: {  	[sflag:s22] =	ssyncadd.s32 s4;
	_ =	sdelay $0x1  }
0xa1: {  	s23 =	simm.s32 $0x1B8B  }
0xa2: {  	_ =	swait.ge [sflag:s23], $0x1  }
0xa3: {  	[sflag:s23] =	ssyncset.done $0x0  }
0xa4: {  	s25 =	simm.s32 $0x1B8E;
	s24 =	sld [smem:$0x3FFE];
	[sflag:s23] =	ssyncadd.s32 $0xFFFFFFFF  }
0xa5: {  	s26 =	simm.s32 $execute0_lowered;
	[smem:$0x3FD2] =	sst s25  }
0xa6: {  	s5 =	sshll.u32 s26, $0x1;
	_ =	strace $0x80000046;
	[dreg:$0x1] =	wrdreg $0xFFFFFFFF  }
0xa7: {  	s28 =	simm.s32 $_size_execute0_lowered;
	s3 =	sadd.s32 s3, s5;
	[dreg:$0x0] =	wrdreg $0x0  }
0xa8: {  	s5 =	sshll.u32 s28, $0x1;
	[dreg:$0x2] =	wrdreg s3  }
0xa9: {  	[dreg:$0x3] =	wrdreg s5  }
0xaa: {  	[dreg:$0x4] =	wrdreg $0xC0  }
0xab: {  	_ =	task [dreg:s7], $0x5FFFF  }
0xac: {  	[dreg:$0x1] =	wrdreg $0xFFFFFFFF  }
0xad: {  	[dreg:$0x0] =	wrdreg $0x60  }
0xae: {  	[dreg:$0x2] =	wrdreg s2  }
0xaf: {  	[dreg:$0x3] =	wrdreg s24  }
0xb0: {  	[dreg:$0x4] =	wrdreg $0xC  }
0xb1: {  	_ =	task.clear_ibuf [dreg:s7], $0x5FFFF;
	_ =	strace $0x90000046  }
0xb2: {  	s29 =	simm.s32 $0xC;
	_ =	strace $0x80000048  }
0xb3: {  	_ =	swait.ge [sflag:s29], $0x1  }
0xb4: {  	[sflag:s29] =	ssyncadd.s32 $0xFFFFFFFF  }
0xb5: {  	_ =	strace $0x90000048  }
0xb6: {  	_ =	sfence  }
0xb7: {  	s30 =	sld [smem:$0x0];
	_ =	sdelay $0x2  }
0xb8: {  	s31 =	sshll.u32 s1, $0xD;
	s1 =	sshrl.u32 s1, $0x2  }
0xb9: {  	s3 =	sand.u32 $0x4000, s31;
	s1 =	sadd.s32 s1, s30  }
0xba: {  	s0 =	sor.u32 s3, s0;
	s1 =	sshll.u32 s1, $0x11  }
0xbb: {  	s0 =	sor.u32 s1, s0  }
0xbc: {  	s0 =	sadd.s32 $0x8F2B, s0  }
0xbd: {  	[sflag:s0] =	ssyncadd.remote.s32 $0x1  }
0xbe: {  	_ =	sfence.sel $0xFFFF  }
0xbf: {  	[dreg:$0x0] =	wrdreg $0xFFFFFFFF;
	(pc) =	sbr.abs _section_cstart, $3  }
0xc0: {  	[dreg:$0x1] =	wrdreg $0xFFFFFFFF  }
0xc1: {  	_ =	task.clear_ibuf [dreg:s7], $0x2FFFF;
	_ =	strace $0x9FFFFFFF  }
0xc2: {  	(tm) =	ssettm $0x7FFFFFFF  }
0xc3: {  	_ =	shalt  }
tec
execute0_lowered:
.L_overlay_start_1:
0x0: {  	(tag) =	ssettag $0x1  }
0x1: {  	s2 =	rddreg [dreg:$0x0]  }
0x2: {  	s4 =	rddreg [dreg:$0x1]  }
0x3: {  	s0 =	rddreg [dreg:$0x2];
	s5 =	srdreg.scid  }
0x4: {  	s1 =	stileid.u32;
	s3 =	simm.s32 $0x0;
	s10 =	simm.s32 $0x200  }
0x5: {  	s11 =	simm.s32 $0x190;
	s12 =	simm.s32 $0x400;
	s13 =	simm.s32 $0xCC00  }
0x6: {  	s14 =	simm.s32 $0x1;
	s15 =	simm.s32 $0x2;
	s6 =	smul.u32 $0xFA0, s1  }
0x7: {  	s16 =	simm.s32 $0x0;
	s5 =	sand.u32 $0x1, s5;
	s8 =	smul.u32 $0xFA00, s1  }
0x8: {  	[smem:$0x7FF] =	sst s3;
	s7 =	smul.u32 $0x7D0, s5;
	s9 =	ssub.s32 $0x2, s5  }
0x9: {  	_ =	strace $0x80000047;
	s5 =	smul.u32 $0x7D00, s5;
	s29 =	sshrl.u32 s9, $0x1  }
0xa: {  	s8 =	sadd.s32 s8, s4;
	s6 =	sadd.s32 s7, s6;
	s7 =	ssub.s32 s9, s29  }
0xb: {  	s31 =	sadd.s32 s5, s8;
	s9 =	simm.s32 $0x3;
	s6 =	sshrl.u32 s6, $0x3  }
0xc: {  	s5 =	sadd.s32 $0x1F200, s31;
	s30 =	sadd.s32 s6, s4;
	s4 =	smax.u32 s7, $0x1  }
0xd: {  	s6 =	sadd.s32 $0x119200, s31;
	s7 =	sadd.s32 $0xF200, s30;
	s8 =	sadd.s32 $0x11200, s30  }
.LBB2_1:
0xe: {  	s17 =	sadd.s32 $0x0, s8  }
0xf: {  	[tilespmem:s3], [sflag:$0x3] =	stream.linear.gather [hbm4b:s17+s3], $0x190, $0x38;
	[tilespmem:$0x19400] =	vst v63  }
0x10: {  	_ =	swait.ge [sflag:s9], $0x190  }
0x11: {  	[sflag:s9] =	ssyncset.done $0x0  }
0x12: {  	s31 =	sadd.s32 $0x0, s7;
	[sflag:s9] =	ssyncadd.s32 $0xFFFFFE70  }
0x13: {  	[tilespmem:s10], [sflag:$0x3] =	stream.linear.gather [hbm4b:s31+s3], $0x190, $0x38;
	[tilespmem:$0x19400] =	vst v63  }
0x14: {  	_ =	swait.ge [sflag:s9], $0x190  }
0x15: {  	[sflag:s9] =	ssyncset.done $0x0  }
0x16: {  	[sflag:s9] =	ssyncadd.s32 $0xFFFFFE70  }
0x17: {  	[tilespmem:s12], [sflag:$0x1] =	stream.indirect.gather [hbm4b:s2+s11], $0x80, s3, s11, $0xb8;
	[tilespmem:$0x19400] =	vst v63  }
0x18: {  	_ = 	snop  }
0x19: {  	[tilespmem:s13], [sflag:$0x2] =	stream.indirect.gather [hbm4b:s2+s11], $0x80, s10, s11, $0xb8;
	[tilespmem:$0x19400] =	vst v63  }
0x1a: {  	_ =	swait.ge [sflag:s14], $0xC800  }
0x1b: {  	[sflag:s14] =	ssyncset.done $0x0  }
0x1c: {  	[sflag:s14] =	ssyncadd.s32 $0xFFFF3800  }
0x1d: {  	_ =	swait.ge [sflag:s15], $0xC800  }
0x1e: {  	[sflag:s15] =	ssyncset.done $0x0  }
0x1f: {  	[sflag:s15] =	ssyncadd.s32 $0xFFFF3800  }
0x20: {  	[hbm4b:s5+s3] =	stream.linear.scatter [tilespmem:s12], [sflag:$0x3], $0xC800, $0x38;
	[tilespmem:$0x19400] =	vst v63  }
0x21: {  	_ =	swait.ge [sflag:s9], $0xC800  }
0x22: {  	[sflag:s9] =	ssyncset.done $0x0  }
0x23: {  	[sflag:s9] =	ssyncadd.s32 $0xFFFF3800  }
0x24: {  	[hbm4b:s6+s3] =	stream.linear.scatter [tilespmem:s13], [sflag:$0x3], $0xC800, $0x38;
	[tilespmem:$0x19400] =	vst v63  }
0x25: {  	s19 =	simm.s32 $0x32;
	s20 =	simm.s32 $0x64;
	_ =	swait.ge [sflag:s9], $0xC800  }
0x26: {  	s18 =	sadd.s32 $0x1900, s5;
	s17 =	sadd.s32 $0x1900, s6;
	[sflag:s9] =	ssyncset.done $0x0  }
.LBB2_2:
0x27: {  	s21 =	sadd.s32 s19, s8  }
0x28: {  	[sflag:s9] =	ssyncadd.s32 $0xFFFF3800;
	s22 =	smov.u32 s20;
	s23 =	sadd.s32 $0x32, s20  }
0x29: {  	[tilespmem:s3], [sflag:$0x3] =	stream.linear.gather [hbm4b:s21+s3], $0x190, $0x38;
	[tilespmem:$0x19400] =	vst v63  }
0x2a: {  	p0 =	sne.s32 s20, $0xC8;
	_ =	swait.ge [sflag:s9], $0x190  }
0x2b: {  	[sflag:s9] =	ssyncset.done $0x0  }
0x2c: {  	s20 =	sadd.s32 s19, s7;
	s19 =	smov.u32 s22;
	[sflag:s9] =	ssyncadd.s32 $0xFFFFFE70  }
0x2d: {  	[tilespmem:s10], [sflag:$0x3] =	stream.linear.gather [hbm4b:s20+s3], $0x190, $0x38;
	[tilespmem:$0x19400] =	vst v63  }
0x2e: {  	_ =	swait.ge [sflag:s9], $0x190  }
0x2f: {  	[sflag:s9] =	ssyncset.done $0x0  }
0x30: {  	[sflag:s9] =	ssyncadd.s32 $0xFFFFFE70  }
0x31: {  	[tilespmem:s12], [sflag:$0x1] =	stream.indirect.gather [hbm4b:s2+s11], $0x80, s3, s11, $0xb8;
	[tilespmem:$0x19400] =	vst v63  }
0x32: {  	_ = 	snop  }
0x33: {  	[tilespmem:s13], [sflag:$0x2] =	stream.indirect.gather [hbm4b:s2+s11], $0x80, s10, s11, $0xb8;
	[tilespmem:$0x19400] =	vst v63  }
0x34: {  	_ =	swait.ge [sflag:s14], $0xC800  }
0x35: {  	[sflag:s14] =	ssyncset.done $0x0  }
0x36: {  	[sflag:s14] =	ssyncadd.s32 $0xFFFF3800  }
0x37: {  	_ =	swait.ge [sflag:s15], $0xC800  }
0x38: {  	[sflag:s15] =	ssyncset.done $0x0  }
0x39: {  	[sflag:s15] =	ssyncadd.s32 $0xFFFF3800  }
0x3a: {  	[hbm4b:s18+s3] =	stream.linear.scatter [tilespmem:s12], [sflag:$0x3], $0xC800, $0x38;
	[tilespmem:$0x19400] =	vst v63  }
0x3b: {  	_ =	swait.ge [sflag:s9], $0xC800  }
.Ltmp0:
0x3c: {  	[sflag:s9] =	ssyncset.done $0x0;
	(pc) =	sbr.rel @p0 .LBB2_2-.Ltmp0, $4  }
0x3d: {  	[sflag:s9] =	ssyncadd.s32 $0xFFFF3800  }
0x3e: {  	[hbm4b:s17+s3] =	stream.linear.scatter [tilespmem:s13], [sflag:$0x3], $0xC800, $0x38;
	[tilespmem:$0x19400] =	vst v63  }
0x3f: {  	s20 =	smov.u32 s23;
	_ =	swait.ge [sflag:s9], $0xC800  }
0x40: {  	s18 =	sadd.s32 $0x1900, s18;
	s17 =	sadd.s32 $0x1900, s17;
	[sflag:s9] =	ssyncset.done $0x0  }
0x41: {  	s20 =	sadd.s32 s19, s8;
	[sflag:s9] =	ssyncadd.s32 $0xFFFF3800  }
0x42: {  	[tilespmem:s3], [sflag:$0x3] =	stream.linear.gather [hbm4b:s20+s3], $0x190, $0x38;
	[tilespmem:$0x19400] =	vst v63  }
0x43: {  	_ =	swait.ge [sflag:s9], $0x190  }
0x44: {  	[sflag:s9] =	ssyncset.done $0x0  }
0x45: {  	s31 =	sadd.s32 s19, s7;
	[sflag:s9] =	ssyncadd.s32 $0xFFFFFE70  }
0x46: {  	[tilespmem:s10], [sflag:$0x3] =	stream.linear.gather [hbm4b:s31+s3], $0x190, $0x38;
	[tilespmem:$0x19400] =	vst v63  }
0x47: {  	_ =	swait.ge [sflag:s9], $0x190  }
0x48: {  	[sflag:s9] =	ssyncset.done $0x0  }
0x49: {  	[sflag:s9] =	ssyncadd.s32 $0xFFFFFE70  }
0x4a: {  	[tilespmem:s12], [sflag:$0x1] =	stream.indirect.gather [hbm4b:s2+s11], $0x80, s3, s11, $0xb8;
	[tilespmem:$0x19400] =	vst v63  }
0x4b: {  	_ = 	snop  }
0x4c: {  	[tilespmem:s13], [sflag:$0x2] =	stream.indirect.gather [hbm4b:s2+s11], $0x80, s10, s11, $0xb8;
	[tilespmem:$0x19400] =	vst v63  }
0x4d: {  	_ =	swait.ge [sflag:s14], $0xC800  }
0x4e: {  	[sflag:s14] =	ssyncset.done $0x0  }
0x4f: {  	[sflag:s14] =	ssyncadd.s32 $0xFFFF3800  }
0x50: {  	_ =	swait.ge [sflag:s15], $0xC800  }
0x51: {  	[sflag:s15] =	ssyncset.done $0x0  }
0x52: {  	[sflag:s15] =	ssyncadd.s32 $0xFFFF3800  }
0x53: {  	[hbm4b:s18+s3] =	stream.linear.scatter [tilespmem:s12], [sflag:$0x3], $0xC800, $0x38;
	[tilespmem:$0x19400] =	vst v63  }
0x54: {  	s16 =	sadd.s32 $0x1, s16;
	_ =	swait.ge [sflag:s9], $0xC800  }
0x55: {  	p0 =	sne.s32 s16, s4;
	[sflag:s9] =	ssyncset.done $0x0  }
.Ltmp1:
0x56: {  	[sflag:s9] =	ssyncadd.s32 $0xFFFF3800;
	(pc) =	sbr.rel @p0 .LBB2_1-.Ltmp1, $4  }
0x57: {  	[hbm4b:s17+s3] =	stream.linear.scatter [tilespmem:s13], [sflag:$0x3], $0xC800, $0x38;
	[tilespmem:$0x19400] =	vst v63  }
0x58: {  	_ =	swait.ge [sflag:s9], $0xC800  }
0x59: {  	[sflag:s9] =	ssyncset.done $0x0  }
0x5a: {  	[sflag:s9] =	ssyncadd.s32 $0xFFFF3800  }
0x5b: {  	_ =	sfence.sel $0x180000  }
0x5c: {  	[bflag:$0x0] =	sbarrier.arrive $0xFFFF  }
0x5d: {  	p0 =	sne.s32 s1, $0x0;
	_ =	strace $0x90000047  }
0x5e: {  	s0 =	sadd.s32 @!p0 $0x100000, s0;
	[bflag:$0x2] =	sbarrier.arrive $0xFFFF  }
0x5f: {  	[sflag:s0] =	ssyncadd.tile.s32 @!p0 $0x1;
	_ =	shalt  }
.Lfunc_end2:
_tile_overlayer_lowered:
.L_overlay_start_2:
0x60: {  	(tag) =	ssettag $0x2  }
0x61: {  	s0 =	rddreg [dreg:$0x0];
	s2 =	stileid.u32  }
0x62: {  	s1 =	rddreg [dreg:$0x1];
	p0 =	sne.s32 s2, $0x0  }
0x63: {  	s3 =	rddreg [dreg:$0x2];
	[bflag:$0x3] =	sbarrier.arrive $0xFFFF;
	s2 =	simm.s32 @!p0 $0x1C03  }
0x64: {  	[timem:s3], [sflag:s2] =	dma.local @!p0 [hbm:s0], s1  }
0x65: {  	s0 =	simm.s32 @!p0 $0x3  }
0x66: {  	_ =	swait.ge @!p0 [sflag:s0], s1  }
0x67: {  	s1 =	ssub.s32 @!p0 $0x0, s1;
	[sflag:s0] =	ssyncset.done @!p0 $0x0  }
0x68: {  	[sflag:s0] =	ssyncadd.s32 @!p0 s1  }
0x69: {  	[bflag:$0x3] =	sbarrier.arrive $0xFFFF  }
0x6a: {  	_ =	shalt  }

// kernel: kernel.21.cloned.1.call-start
scs
__scs_entry_jumppad:
0x0: {  	(pc) =	sbr.rel $0x88, $3  }
0x1: {  	(tag) =	ssettag $0x0;
	lr =	simm.s32 $0x1  }
0x2: {  	[smem:$0x3F96] =	sst lr;
	_ =	strace $0xD0000000  }
0x3: {  	_ = 	snop  }
0x4: {  	_ = 	snop  }
0x5: {  	_ = 	snop  }
0x6: {  	_ = 	snop  }
0x7: {  	_ = 	snop  }
__scs_overlays_trampoline_lowered:
0x8: {  	[smem:$0x3FA5] =	sst s0  }
0x9: {  	[smem:$0x3FA6] =	sst s1  }
0xa: {  	[smem:$0x3FA7] =	sst s2  }
0xb: {  	[smem:$0x3FA8] =	sst s3  }
0xc: {  	[smem:$0x3FA9] =	sst s4  }
0xd: {  	[smem:$0x3FAA] =	sst s5  }
0xe: {  	[smem:$0x3FAB] =	sst s6  }
0xf: {  	[smem:$0x3FAC] =	sst s7  }
0x10: {  	[smem:$0x3FAD] =	sst s8  }
0x11: {  	[smem:$0x3FAE] =	sst s9;
	s0 =	simm.s32 @!p0 $0x0  }
0x12: {  	s1 =	sld [smem:$0x3F94];
	s0 =	simm.s32 @p0 $0x1  }
0x13: {  	[smem:$0x3FAF] =	sst s0;
	s0 =	simm.s32 @!p1 $0x0  }
0x14: {  	s2 =	sld [smem:$0x3F93];
	s0 =	simm.s32 @p1 $0x1  }
0x15: {  	[smem:$0x3FB0] =	sst s0;
	s0 =	simm.s32 @!p2 $0x0  }
0x16: {  	s3 =	sld [smem:$0x3FDB];
	s0 =	simm.s32 @p2 $0x1  }
0x17: {  	s4 =	simm.s32 $0x1BF5;
	[smem:$0x3FB2] =	sst s0  }
0x18: {  	s0 =	sld [smem:$0x3F95];
	_ =	swait.ge [sflag:s4], $0x0  }
0x19: {  	s7 =	sld [smem:$0x3F96]  }
0x1a: {  	s8 =	sadd.s32 $0xFFFFE003, lr  }
0x1b: {  	s9 =	sadd.s32 $0xFFFFFEF7, lr;
	s5 =	simm.s32 $0xFFFFFFFF;
	p2 =	slt.u32 s8, $0xFFFFF086  }
0x1c: {  	p1 =	slt.u32 s9, $0xF7A;
	s5 =	simm.s32 @!p2 $0x0  }
0x1d: {  	s5 =	simm.s32 @p1 $0x1;
	p0 =	seq.s32 s7, s2  }
0x1e: {  	s7 =	smul.u32 @!p0 $0xF7A, s2;
	p2 =	seq.s32 @!p0 s5, $0x0  }
0x1f: {  	s9 =	smul.u32 $0xF7A, s1;
	s8 =	simm.s32 @!p0 $0x1BF5;
	p2 =	por !p2, p0  }
0x20: {  	[sflag:s8] =	ssyncset.s32 @!p0 $0xFFFFF086;
	s6 =	sadd.s32 @!p0 s3, s7;
	s7 =	simm.s32 @!p0 $0x108  }
0x21: {  	s3 =	sadd.s32 s3, s9;
	s6 =	sadd.s32 @!p0 $0x88, s6;
	s7 =	simm.s32 @p2 $0x1082  }
0x22: {  	[simem:s7], [sflag:s8] =	dma.local @!p0 [hbm:s6], $0xF7A  }
0x23: {  	s9 =	sor.u32 $0xD0000000, s2;
	s6 =	simm.s32 $0x108;
	_ =	swait.ge @!p0 [sflag:s8], $0x0  }
0x24: {  	s3 =	sadd.s32 $0x88, s3;
	s6 =	simm.s32 @!p1 $0x1082;
	[sflag:s4] =	ssyncset.s32 $0xFFFFF086  }
0x25: {  	[simem:s6], [sflag:s4] =	dma.local [hbm:s3], $0xF7A  }
0x26: {  	[smem:$0x3F96] =	sst s1;
	(tag) =	ssettag s2;
	_ =	strace s9  }
0x27: {  	s1 =	sld [smem:$0x3FA6]  }
0x28: {  	s2 =	sld [smem:$0x3FA7]  }
0x29: {  	s4 =	sld [smem:$0x3FA9]  }
0x2a: {  	p0 =	seq.s32 s5, $0x0;
	s5 =	sld [smem:$0x3FAA]  }
0x2b: {  	s6 =	sld [smem:$0x3FAB]  }
0x2c: {  	s7 =	sld [smem:$0x3FAC]  }
0x2d: {  	s3 =	simm.s32 $0x108;
	s8 =	sld [smem:$0x3FAD]  }
0x2e: {  	s3 =	simm.s32 @!p0 $0x1082;
	s9 =	sld [smem:$0x3FAE]  }
0x2f: {  	lr =	sadd.s32 s0, s3;
	s0 =	sld [smem:$0x3FA5]  }
0x30: {  	s3 =	sld [smem:$0x3FA8]  }
0x31: {  	[smem:$0x3FB1] =	sst s10  }
0x32: {  	s10 =	sld [smem:$0x3FAF];
	_ =	sdelay $0x3  }
0x33: {  	p0 =	seq.s32 s10, $0x1;
	s10 =	sld [smem:$0x3FB1];
	_ =	sdelay $0x3  }
0x34: {  	[smem:$0x3FB1] =	sst s10  }
0x35: {  	s10 =	sld [smem:$0x3FB0];
	_ =	sdelay $0x3  }
0x36: {  	p1 =	seq.s32 s10, $0x1;
	s10 =	sld [smem:$0x3FB1];
	_ =	sdelay $0x3  }
0x37: {  	[smem:$0x3FB1] =	sst s10  }
0x38: {  	s10 =	sld [smem:$0x3FB2]  }
0x39: {  	_ = 	snop;
	(pc) =	sbr.ind lr, $3  }
0x3a: {  	_ = 	snop  }
0x3b: {  	_ = 	snop  }
0x3c: {  	p2 =	seq.s32 s10, $0x1;
	s10 =	sld [smem:$0x3FB1]  }
0x3d: {  	_ =	shalt  }
0x3e: {  	_ =	shalt  }
0x3f: {  	_ =	shalt  }
0x40: {  	_ =	shalt  }
0x41: {  	_ =	shalt  }
0x42: {  	_ =	shalt  }
0x43: {  	_ =	shalt  }
0x44: {  	_ =	shalt  }
0x45: {  	_ =	shalt  }
0x46: {  	_ =	shalt  }
0x47: {  	_ =	shalt  }
0x48: {  	_ =	shalt  }
0x49: {  	_ =	shalt  }
0x4a: {  	_ =	shalt  }
0x4b: {  	_ =	shalt  }
0x4c: {  	_ =	shalt  }
0x4d: {  	_ =	shalt  }
0x4e: {  	_ =	shalt  }
0x4f: {  	_ =	shalt  }
0x50: {  	_ =	shalt  }
0x51: {  	_ =	shalt  }
0x52: {  	_ =	shalt  }
0x53: {  	_ =	shalt  }
0x54: {  	_ =	shalt  }
0x55: {  	_ =	shalt  }
0x56: {  	_ =	shalt  }
0x57: {  	_ =	shalt  }
0x58: {  	_ =	shalt  }
0x59: {  	_ =	shalt  }
0x5a: {  	_ =	shalt  }
0x5b: {  	_ =	shalt  }
0x5c: {  	_ =	shalt  }
0x5d: {  	_ =	shalt  }
0x5e: {  	_ =	shalt  }
0x5f: {  	_ =	shalt  }
0x60: {  	_ =	shalt  }
0x61: {  	_ =	shalt  }
0x62: {  	_ =	shalt  }
0x63: {  	_ =	shalt  }
0x64: {  	_ =	shalt  }
0x65: {  	_ =	shalt  }
0x66: {  	_ =	shalt  }
0x67: {  	_ =	shalt  }
0x68: {  	_ =	shalt  }
0x69: {  	_ =	shalt  }
0x6a: {  	_ =	shalt  }
0x6b: {  	_ =	shalt  }
0x6c: {  	_ =	shalt  }
0x6d: {  	_ =	shalt  }
0x6e: {  	_ =	shalt  }
0x6f: {  	_ =	shalt  }
0x70: {  	_ =	shalt  }
0x71: {  	_ =	shalt  }
0x72: {  	_ =	shalt  }
0x73: {  	_ =	shalt  }
0x74: {  	_ =	shalt  }
0x75: {  	_ =	shalt  }
0x76: {  	_ =	shalt  }
0x77: {  	_ =	shalt  }
0x78: {  	_ =	shalt  }
0x79: {  	_ =	shalt  }
0x7a: {  	_ =	shalt  }
0x7b: {  	_ =	shalt  }
0x7c: {  	_ =	shalt  }
0x7d: {  	_ =	shalt  }
0x7e: {  	_ =	shalt  }
0x7f: {  	_ =	shalt  }
0x80: {  	_ =	shalt  }
0x81: {  	_ =	shalt  }
0x82: {  	_ =	shalt  }
0x83: {  	_ =	shalt  }
0x84: {  	_ =	shalt  }
0x85: {  	_ =	shalt  }
0x86: {  	_ =	shalt  }
0x87: {  	_ =	shalt  }
.Lfunc_end0:
.L_simem_size_0:
called_computation.2_lowered:
.L_overlay_start_0:
0x88: {  	s2 =	sld [smem:$0x3FD9]  }
0x89: {  	s3 =	sld [smem:$0x3FFE];
	_ =	sdelay $0x1  }
0x8a: {  	s1 =	srdreg.scid  }
0x8b: {  	s0 =	sand.u32 $0x1, s1  }
0x8c: {  	s17 =	sshll.u32 s0, $0xA;
	s2 =	sadd.s32 s3, s2  }
0x8d: {  	s2 =	sadd.s32 s2, s17  }
0x8e: {  	[smem:$0x3FBD] =	sst s2  }
0x8f: {  	_ = 	snop  }
0x90: {  	s18 =	sld [smem:$0x3FC9];
	(tm) =	ssettm $0x1  }
0x91: {  	s19 =	sld [smem:$0x3FFB];
	_ =	sdelay $0x3  }
0x92: {  	_ =	strace s19  }
0x93: {  	s2 =	sld [smem:$0x3FFC];
	_ =	sdelay $0x3  }
0x94: {  	_ =	strace s2  }
0x95: {  	s2 =	sld [smem:$0x3FFD];
	_ =	sdelay $0x3  }
0x96: {  	_ =	strace s2  }
0x97: {  	_ =	strace $0x8FFFFFFF  }
0x98: {  	s20 =	sld [smem:$0x3FDB];
	_ =	sdelay $0x1  }
0x99: {  	s4 =	simm.s32 $_scs_section_size  }
0x9a: {  	s5 =	simm.s32 $_size__tile_overlayer_lowered;
	s6 =	simm.s32 $_tile_overlayer_lowered  }
0x9b: {  	s7 =	simm.s32 $0x1BFF;
	s21 =	sshll.u32 s6, $0x1;
	s4 =	sadd.s32 s4, s20  }
0x9c: {  	s22 =	simm.s32 $0x0;
	s5 =	sshll.u32 s5, $0x1;
	s6 =	sadd.s32 s21, s4  }
0x9d: {  	[timem:s22], [sflag:s7] =	dma.local [hbm:s6], s5  }
0x9e: {  	_ =	swait.ge [sflag:s7], s5  }
0x9f: {  	s5 =	ssub.s32 $0x0, s5;
	[sflag:s7] =	ssyncset.done $0x0  }
0xa0: {  	[sflag:s7] =	ssyncadd.s32 s5;
	_ =	sdelay $0x1  }
0xa1: {  	s23 =	simm.s32 $0x1B8B  }
0xa2: {  	_ =	swait.ge [sflag:s23], $0x1  }
0xa3: {  	[sflag:s23] =	ssyncset.done $0x0  }
0xa4: {  	[sflag:s23] =	ssyncadd.s32 $0xFFFFFFFF  }
0xa5: {  	s5 =	sld [smem:$0x0]  }
0xa6: {  	s6 =	sand.u32 $0xFFFFFFFE, s1  }
0xa7: {  	p0 =	sne.s32 s1, s6  }
0xa8: {  	s6 =	sshll.u32 @p0 s6, $0xE  }
0xa9: {  	s6 =	sadd.s32 @p0 $0x11B8D, s6;
	s7 =	sshll.u32 @p0 s5, $0x11  }
0xaa: {  	s6 =	sor.u32 @p0 s7, s6  }
0xab: {  	[sflag:s6] =	ssyncadd.remote.s32 @p0 $0x1;
	_ =	sdelay $0x1  }
0xac: {  	s6 =	simm.s32 @p0 $0x1B8D  }
0xad: {  	_ =	swait.eq @p0 [sflag:s6], $0x1  }
0xae: {  	[sflag:s6] =	ssyncadd.s32 @p0 $0xFFFFFFFF  }
0xaf: {  	s7 =	sshll.u32 @!p0 s1, $0xE  }
0xb0: {  	s7 =	sor.u32 @!p0 $0x4000, s7;
	s6 =	simm.s32 @!p0 $0x1B8D  }
0xb1: {  	s5 =	sshll.u32 @!p0 s5, $0x11;
	s7 =	sadd.s32 @!p0 $0x11B8D, s7;
	_ =	swait.eq @!p0 [sflag:s6], $0x1  }
0xb2: {  	s5 =	sor.u32 @!p0 s5, s7;
	[sflag:s6] =	ssyncadd.s32 @!p0 $0xFFFFFFFF  }
0xb3: {  	s25 =	simm.s32 $0x1B8E;
	s24 =	sld [smem:$0x3FFE];
	[sflag:s5] =	ssyncadd.remote.s32 @!p0 $0x1  }
0xb4: {  	s26 =	simm.s32 $execute0_lowered;
	[smem:$0x3FD2] =	sst s25  }
0xb5: {  	s6 =	sshll.u32 s26, $0x1;
	_ =	strace $0x80000049;
	[dreg:$0x1] =	wrdreg $0xFFFFFFFF  }
0xb6: {  	s28 =	simm.s32 $_size_execute0_lowered;
	s4 =	sadd.s32 s4, s6;
	[dreg:$0x0] =	wrdreg $0x0  }
0xb7: {  	s6 =	sshll.u32 s28, $0x1;
	[dreg:$0x2] =	wrdreg s4  }
0xb8: {  	[dreg:$0x3] =	wrdreg s6  }
0xb9: {  	[dreg:$0x4] =	wrdreg $0xC0  }
0xba: {  	_ =	task [dreg:s22], $0x5FFFF  }
0xbb: {  	[dreg:$0x1] =	wrdreg $0xFFFFFFFF  }
0xbc: {  	[dreg:$0x0] =	wrdreg $0x60  }
0xbd: {  	[dreg:$0x2] =	wrdreg s18  }
0xbe: {  	[dreg:$0x3] =	wrdreg s24  }
0xbf: {  	[dreg:$0x4] =	wrdreg $0xD  }
0xc0: {  	_ =	task.clear_ibuf [dreg:s22], $0x5FFFF;
	_ =	strace $0x90000049  }
0xc1: {  	s29 =	simm.s32 $0xD;
	_ =	strace $0x8000004B  }
0xc2: {  	_ =	swait.ge [sflag:s29], $0x1  }
0xc3: {  	[sflag:s29] =	ssyncadd.s32 $0xFFFFFFFF  }
0xc4: {  	_ =	strace $0x9000004B  }
0xc5: {  	_ =	sfence  }
0xc6: {  	s30 =	sld [smem:$0x0];
	_ =	sdelay $0x2  }
0xc7: {  	s31 =	sshll.u32 s1, $0xD;
	s1 =	sshrl.u32 s1, $0x2  }
0xc8: {  	s4 =	sand.u32 $0x4000, s31;
	s1 =	sadd.s32 s1, s30  }
0xc9: {  	s0 =	sor.u32 s4, s0;
	s1 =	sshll.u32 s1, $0x11  }
0xca: {  	s0 =	sor.u32 s1, s0  }
0xcb: {  	s0 =	sadd.s32 $0x8F2B, s0  }
0xcc: {  	[sflag:s0] =	ssyncadd.remote.s32 $0x1  }
0xcd: {  	_ =	sfence.sel $0xFFFF  }
0xce: {  	[dreg:$0x0] =	wrdreg $0xFFFFFFFF;
	(pc) =	sbr.abs _section_cstart, $3  }
0xcf: {  	[dreg:$0x1] =	wrdreg $0xFFFFFFFF  }
0xd0: {  	_ =	task.clear_ibuf [dreg:s22], $0x2FFFF;
	_ =	strace $0x9FFFFFFF  }
0xd1: {  	(tm) =	ssettm $0x7FFFFFFF  }
tec
execute0_lowered:
.L_overlay_start_1:
0x0: {  	(tag) =	ssettag $0x1  }
0x1: {  	s2 =	rddreg [dreg:$0x0];
	s1 =	srdreg.scid  }
0x2: {  	s0 =	stileid.u32;
	s4 =	rddreg [dreg:$0x1]  }
0x3: {  	s3 =	simm.s32 $0x0;
	s10 =	simm.s32 $0x200;
	s11 =	simm.s32 $0x190  }
0x4: {  	s12 =	simm.s32 $0x400;
	s13 =	simm.s32 $0xCC00;
	s6 =	smul.u32 $0xFA0, s0  }
0x5: {  	s14 =	simm.s32 $0x1;
	s5 =	sand.u32 $0x1, s1;
	s8 =	smul.u32 $0xFA00, s0  }
0x6: {  	s15 =	simm.s32 $0x2;
	s1 =	rddreg [dreg:$0x2];
	s7 =	smul.u32 $0x7D0, s5  }
0x7: {  	s16 =	simm.s32 $0x0;
	[smem:$0x7FF] =	sst s3;
	s9 =	smul.u32 $0x7D00, s5  }
0x8: {  	_ =	strace $0x8000004A;
	s5 =	ssub.s32 $0x2, s5;
	s29 =	sadd.s32 s8, s4  }
0x9: {  	s30 =	sshrl.u32 s5, $0x1;
	s6 =	sadd.s32 s7, s6;
	s7 =	sadd.s32 s9, s29  }
0xa: {  	s5 =	ssub.s32 s5, s30;
	s9 =	simm.s32 $0x3;
	s6 =	sshrl.u32 s6, $0x3  }
0xb: {  	s5 =	smax.u32 s5, $0x1;
	s31 =	sadd.s32 s6, s4;
	s4 =	sadd.s32 $0x213200, s7  }
0xc: {  	s6 =	sadd.s32 $0x30D200, s7;
	s7 =	sadd.s32 $0x13200, s31;
	s8 =	sadd.s32 $0x15200, s31  }
.LBB2_1:
0xd: {  	s17 =	sadd.s32 $0x0, s8  }
0xe: {  	[tilespmem:s3], [sflag:$0x3] =	stream.linear.gather [hbm4b:s17+s3], $0x190, $0x38;
	[tilespmem:$0x19400] =	vst v63  }
0xf: {  	_ =	swait.ge [sflag:s9], $0x190  }
0x10: {  	[sflag:s9] =	ssyncset.done $0x0  }
0x11: {  	s31 =	sadd.s32 $0x0, s7;
	[sflag:s9] =	ssyncadd.s32 $0xFFFFFE70  }
0x12: {  	[tilespmem:s10], [sflag:$0x3] =	stream.linear.gather [hbm4b:s31+s3], $0x190, $0x38;
	[tilespmem:$0x19400] =	vst v63  }
0x13: {  	_ =	swait.ge [sflag:s9], $0x190  }
0x14: {  	[sflag:s9] =	ssyncset.done $0x0  }
0x15: {  	[sflag:s9] =	ssyncadd.s32 $0xFFFFFE70  }
0x16: {  	[tilespmem:s12], [sflag:$0x1] =	stream.indirect.gather [hbm4b:s2+s11], $0x80, s3, s11, $0xb8;
	[tilespmem:$0x19400] =	vst v63  }
0x17: {  	_ = 	snop  }
0x18: {  	[tilespmem:s13], [sflag:$0x2] =	stream.indirect.gather [hbm4b:s2+s11], $0x80, s10, s11, $0xb8;
	[tilespmem:$0x19400] =	vst v63  }
0x19: {  	_ =	swait.ge [sflag:s14], $0xC800  }
0x1a: {  	[sflag:s14] =	ssyncset.done $0x0  }
0x1b: {  	[sflag:s14] =	ssyncadd.s32 $0xFFFF3800  }
0x1c: {  	_ =	swait.ge [sflag:s15], $0xC800  }
0x1d: {  	[sflag:s15] =	ssyncset.done $0x0  }
0x1e: {  	[sflag:s15] =	ssyncadd.s32 $0xFFFF3800  }
0x1f: {  	[hbm4b:s4+s3] =	stream.linear.scatter [tilespmem:s12], [sflag:$0x3], $0xC800, $0x38;
	[tilespmem:$0x19400] =	vst v63  }
0x20: {  	_ =	swait.ge [sflag:s9], $0xC800  }
0x21: {  	[sflag:s9] =	ssyncset.done $0x0  }
0x22: {  	[sflag:s9] =	ssyncadd.s32 $0xFFFF3800  }
0x23: {  	[hbm4b:s6+s3] =	stream.linear.scatter [tilespmem:s13], [sflag:$0x3], $0xC800, $0x38;
	[tilespmem:$0x19400] =	vst v63  }
0x24: {  	s19 =	simm.s32 $0x32;
	s20 =	simm.s32 $0x64;
	_ =	swait.ge [sflag:s9], $0xC800  }
0x25: {  	s18 =	sadd.s32 $0x1900, s4;
	s17 =	sadd.s32 $0x1900, s6;
	[sflag:s9] =	ssyncset.done $0x0  }
.LBB2_2:
0x26: {  	s21 =	sadd.s32 s19, s8  }
0x27: {  	[sflag:s9] =	ssyncadd.s32 $0xFFFF3800;
	s22 =	smov.u32 s20;
	s23 =	sadd.s32 $0x32, s20  }
0x28: {  	[tilespmem:s3], [sflag:$0x3] =	stream.linear.gather [hbm4b:s21+s3], $0x190, $0x38;
	[tilespmem:$0x19400] =	vst v63  }
0x29: {  	p0 =	sne.s32 s20, $0xC8;
	_ =	swait.ge [sflag:s9], $0x190  }
0x2a: {  	[sflag:s9] =	ssyncset.done $0x0  }
0x2b: {  	s20 =	sadd.s32 s19, s7;
	s19 =	smov.u32 s22;
	[sflag:s9] =	ssyncadd.s32 $0xFFFFFE70  }
0x2c: {  	[tilespmem:s10], [sflag:$0x3] =	stream.linear.gather [hbm4b:s20+s3], $0x190, $0x38;
	[tilespmem:$0x19400] =	vst v63  }
0x2d: {  	_ =	swait.ge [sflag:s9], $0x190  }
0x2e: {  	[sflag:s9] =	ssyncset.done $0x0  }
0x2f: {  	[sflag:s9] =	ssyncadd.s32 $0xFFFFFE70  }
0x30: {  	[tilespmem:s12], [sflag:$0x1] =	stream.indirect.gather [hbm4b:s2+s11], $0x80, s3, s11, $0xb8;
	[tilespmem:$0x19400] =	vst v63  }
0x31: {  	_ = 	snop  }
0x32: {  	[tilespmem:s13], [sflag:$0x2] =	stream.indirect.gather [hbm4b:s2+s11], $0x80, s10, s11, $0xb8;
	[tilespmem:$0x19400] =	vst v63  }
0x33: {  	_ =	swait.ge [sflag:s14], $0xC800  }
0x34: {  	[sflag:s14] =	ssyncset.done $0x0  }
0x35: {  	[sflag:s14] =	ssyncadd.s32 $0xFFFF3800  }
0x36: {  	_ =	swait.ge [sflag:s15], $0xC800  }
0x37: {  	[sflag:s15] =	ssyncset.done $0x0  }
0x38: {  	[sflag:s15] =	ssyncadd.s32 $0xFFFF3800  }
0x39: {  	[hbm4b:s18+s3] =	stream.linear.scatter [tilespmem:s12], [sflag:$0x3], $0xC800, $0x38;
	[tilespmem:$0x19400] =	vst v63  }
0x3a: {  	_ =	swait.ge [sflag:s9], $0xC800  }
.Ltmp0:
0x3b: {  	[sflag:s9] =	ssyncset.done $0x0;
	(pc) =	sbr.rel @p0 .LBB2_2-.Ltmp0, $4  }
0x3c: {  	[sflag:s9] =	ssyncadd.s32 $0xFFFF3800  }
0x3d: {  	[hbm4b:s17+s3] =	stream.linear.scatter [tilespmem:s13], [sflag:$0x3], $0xC800, $0x38;
	[tilespmem:$0x19400] =	vst v63  }
0x3e: {  	s20 =	smov.u32 s23;
	_ =	swait.ge [sflag:s9], $0xC800  }
0x3f: {  	s18 =	sadd.s32 $0x1900, s18;
	s17 =	sadd.s32 $0x1900, s17;
	[sflag:s9] =	ssyncset.done $0x0  }
0x40: {  	s20 =	sadd.s32 s19, s8;
	[sflag:s9] =	ssyncadd.s32 $0xFFFF3800  }
0x41: {  	[tilespmem:s3], [sflag:$0x3] =	stream.linear.gather [hbm4b:s20+s3], $0x190, $0x38;
	[tilespmem:$0x19400] =	vst v63  }
0x42: {  	_ =	swait.ge [sflag:s9], $0x190  }
0x43: {  	[sflag:s9] =	ssyncset.done $0x0  }
0x44: {  	s31 =	sadd.s32 s19, s7;
	[sflag:s9] =	ssyncadd.s32 $0xFFFFFE70  }
0x45: {  	[tilespmem:s10], [sflag:$0x3] =	stream.linear.gather [hbm4b:s31+s3], $0x190, $0x38;
	[tilespmem:$0x19400] =	vst v63  }
0x46: {  	_ =	swait.ge [sflag:s9], $0x190  }
0x47: {  	[sflag:s9] =	ssyncset.done $0x0  }
0x48: {  	[sflag:s9] =	ssyncadd.s32 $0xFFFFFE70  }
0x49: {  	[tilespmem:s12], [sflag:$0x1] =	stream.indirect.gather [hbm4b:s2+s11], $0x80, s3, s11, $0xb8;
	[tilespmem:$0x19400] =	vst v63  }
0x4a: {  	_ = 	snop  }
0x4b: {  	[tilespmem:s13], [sflag:$0x2] =	stream.indirect.gather [hbm4b:s2+s11], $0x80, s10, s11, $0xb8;
	[tilespmem:$0x19400] =	vst v63  }
0x4c: {  	_ =	swait.ge [sflag:s14], $0xC800  }
0x4d: {  	[sflag:s14] =	ssyncset.done $0x0  }
0x4e: {  	[sflag:s14] =	ssyncadd.s32 $0xFFFF3800  }
0x4f: {  	_ =	swait.ge [sflag:s15], $0xC800  }
0x50: {  	[sflag:s15] =	ssyncset.done $0x0  }
0x51: {  	[sflag:s15] =	ssyncadd.s32 $0xFFFF3800  }
0x52: {  	[hbm4b:s18+s3] =	stream.linear.scatter [tilespmem:s12], [sflag:$0x3], $0xC800, $0x38;
	[tilespmem:$0x19400] =	vst v63  }
0x53: {  	s16 =	sadd.s32 $0x1, s16;
	_ =	swait.ge [sflag:s9], $0xC800  }
0x54: {  	p0 =	sne.s32 s16, s5;
	[sflag:s9] =	ssyncset.done $0x0  }
.Ltmp1:
0x55: {  	[sflag:s9] =	ssyncadd.s32 $0xFFFF3800;
	(pc) =	sbr.rel @p0 .LBB2_1-.Ltmp1, $4  }
0x56: {  	[hbm4b:s17+s3] =	stream.linear.scatter [tilespmem:s13], [sflag:$0x3], $0xC800, $0x38;
	[tilespmem:$0x19400] =	vst v63  }
0x57: {  	_ =	swait.ge [sflag:s9], $0xC800  }
0x58: {  	[sflag:s9] =	ssyncset.done $0x0  }
0x59: {  	[sflag:s9] =	ssyncadd.s32 $0xFFFF3800  }
0x5a: {  	_ =	sfence.sel $0x180000  }
0x5b: {  	[bflag:$0x0] =	sbarrier.arrive $0xFFFF  }
0x5c: {  	p0 =	sne.s32 s0, $0x0;
	_ =	strace $0x9000004A  }
0x5d: {  	s0 =	sadd.s32 @!p0 $0x100000, s1;
	[bflag:$0x2] =	sbarrier.arrive $0xFFFF  }
0x5e: {  	[sflag:s0] =	ssyncadd.tile.s32 @!p0 $0x1;
	_ =	shalt  }
.Lfunc_end2:
_tile_overlayer_lowered:
.L_overlay_start_2:
0x5f: {  	(tag) =	ssettag $0x2  }
0x60: {  	s0 =	rddreg [dreg:$0x0];
	s2 =	stileid.u32  }
0x61: {  	s1 =	rddreg [dreg:$0x1];
	p0 =	sne.s32 s2, $0x0  }
0x62: {  	s3 =	rddreg [dreg:$0x2];
	[bflag:$0x3] =	sbarrier.arrive $0xFFFF;
	s2 =	simm.s32 @!p0 $0x1C03  }
0x63: {  	[timem:s3], [sflag:s2] =	dma.local @!p0 [hbm:s0], s1  }
0x64: {  	s0 =	simm.s32 @!p0 $0x3  }
0x65: {  	_ =	swait.ge @!p0 [sflag:s0], s1  }
0x66: {  	s1 =	ssub.s32 @!p0 $0x0, s1;
	[sflag:s0] =	ssyncset.done @!p0 $0x0  }
0x67: {  	[sflag:s0] =	ssyncadd.s32 @!p0 s1  }
0x68: {  	[bflag:$0x3] =	sbarrier.arrive $0xFFFF  }
0x69: {  	_ =	shalt  }

// kernel: kernel.24.cloned.1.call-start
scs
__scs_entry_jumppad:
0x0: {  	(pc) =	sbr.rel $0x88, $3  }
0x1: {  	(tag) =	ssettag $0x0;
	lr =	simm.s32 $0x1  }
0x2: {  	[smem:$0x3F96] =	sst lr;
	_ =	strace $0xD0000000  }
0x3: {  	_ = 	snop  }
0x4: {  	_ = 	snop  }
0x5: {  	_ = 	snop  }
0x6: {  	_ = 	snop  }
0x7: {  	_ = 	snop  }
__scs_overlays_trampoline_lowered:
0x8: {  	[smem:$0x3FA5] =	sst s0  }
0x9: {  	[smem:$0x3FA6] =	sst s1  }
0xa: {  	[smem:$0x3FA7] =	sst s2  }
0xb: {  	[smem:$0x3FA8] =	sst s3  }
0xc: {  	[smem:$0x3FA9] =	sst s4  }
0xd: {  	[smem:$0x3FAA] =	sst s5  }
0xe: {  	[smem:$0x3FAB] =	sst s6  }
0xf: {  	[smem:$0x3FAC] =	sst s7  }
0x10: {  	[smem:$0x3FAD] =	sst s8  }
0x11: {  	[smem:$0x3FAE] =	sst s9;
	s0 =	simm.s32 @!p0 $0x0  }
0x12: {  	s1 =	sld [smem:$0x3F94];
	s0 =	simm.s32 @p0 $0x1  }
0x13: {  	[smem:$0x3FAF] =	sst s0;
	s0 =	simm.s32 @!p1 $0x0  }
0x14: {  	s2 =	sld [smem:$0x3F93];
	s0 =	simm.s32 @p1 $0x1  }
0x15: {  	[smem:$0x3FB0] =	sst s0;
	s0 =	simm.s32 @!p2 $0x0  }
0x16: {  	s3 =	sld [smem:$0x3FDB];
	s0 =	simm.s32 @p2 $0x1  }
0x17: {  	s4 =	simm.s32 $0x1BF5;
	[smem:$0x3FB2] =	sst s0  }
0x18: {  	s0 =	sld [smem:$0x3F95];
	_ =	swait.ge [sflag:s4], $0x0  }
0x19: {  	s7 =	sld [smem:$0x3F96]  }
0x1a: {  	s8 =	sadd.s32 $0xFFFFE003, lr  }
0x1b: {  	s9 =	sadd.s32 $0xFFFFFEF7, lr;
	s5 =	simm.s32 $0xFFFFFFFF;
	p2 =	slt.u32 s8, $0xFFFFF086  }
0x1c: {  	p1 =	slt.u32 s9, $0xF7A;
	s5 =	simm.s32 @!p2 $0x0  }
0x1d: {  	s5 =	simm.s32 @p1 $0x1;
	p0 =	seq.s32 s7, s2  }
0x1e: {  	s7 =	smul.u32 @!p0 $0xF7A, s2;
	p2 =	seq.s32 @!p0 s5, $0x0  }
0x1f: {  	s9 =	smul.u32 $0xF7A, s1;
	s8 =	simm.s32 @!p0 $0x1BF5;
	p2 =	por !p2, p0  }
0x20: {  	[sflag:s8] =	ssyncset.s32 @!p0 $0xFFFFF086;
	s6 =	sadd.s32 @!p0 s3, s7;
	s7 =	simm.s32 @!p0 $0x108  }
0x21: {  	s3 =	sadd.s32 s3, s9;
	s6 =	sadd.s32 @!p0 $0x88, s6;
	s7 =	simm.s32 @p2 $0x1082  }
0x22: {  	[simem:s7], [sflag:s8] =	dma.local @!p0 [hbm:s6], $0xF7A  }
0x23: {  	s9 =	sor.u32 $0xD0000000, s2;
	s6 =	simm.s32 $0x108;
	_ =	swait.ge @!p0 [sflag:s8], $0x0  }
0x24: {  	s3 =	sadd.s32 $0x88, s3;
	s6 =	simm.s32 @!p1 $0x1082;
	[sflag:s4] =	ssyncset.s32 $0xFFFFF086  }
0x25: {  	[simem:s6], [sflag:s4] =	dma.local [hbm:s3], $0xF7A  }
0x26: {  	[smem:$0x3F96] =	sst s1;
	(tag) =	ssettag s2;
	_ =	strace s9  }
0x27: {  	s1 =	sld [smem:$0x3FA6]  }
0x28: {  	s2 =	sld [smem:$0x3FA7]  }
0x29: {  	s4 =	sld [smem:$0x3FA9]  }
0x2a: {  	p0 =	seq.s32 s5, $0x0;
	s5 =	sld [smem:$0x3FAA]  }
0x2b: {  	s6 =	sld [smem:$0x3FAB]  }
0x2c: {  	s7 =	sld [smem:$0x3FAC]  }
0x2d: {  	s3 =	simm.s32 $0x108;
	s8 =	sld [smem:$0x3FAD]  }
0x2e: {  	s3 =	simm.s32 @!p0 $0x1082;
	s9 =	sld [smem:$0x3FAE]  }
0x2f: {  	lr =	sadd.s32 s0, s3;
	s0 =	sld [smem:$0x3FA5]  }
0x30: {  	s3 =	sld [smem:$0x3FA8]  }
0x31: {  	[smem:$0x3FB1] =	sst s10  }
0x32: {  	s10 =	sld [smem:$0x3FAF];
	_ =	sdelay $0x3  }
0x33: {  	p0 =	seq.s32 s10, $0x1;
	s10 =	sld [smem:$0x3FB1];
	_ =	sdelay $0x3  }
0x34: {  	[smem:$0x3FB1] =	sst s10  }
0x35: {  	s10 =	sld [smem:$0x3FB0];
	_ =	sdelay $0x3  }
0x36: {  	p1 =	seq.s32 s10, $0x1;
	s10 =	sld [smem:$0x3FB1];
	_ =	sdelay $0x3  }
0x37: {  	[smem:$0x3FB1] =	sst s10  }
0x38: {  	s10 =	sld [smem:$0x3FB2]  }
0x39: {  	_ = 	snop;
	(pc) =	sbr.ind lr, $3  }
0x3a: {  	_ = 	snop  }
0x3b: {  	_ = 	snop  }
0x3c: {  	p2 =	seq.s32 s10, $0x1;
	s10 =	sld [smem:$0x3FB1]  }
0x3d: {  	_ =	shalt  }
0x3e: {  	_ =	shalt  }
0x3f: {  	_ =	shalt  }
0x40: {  	_ =	shalt  }
0x41: {  	_ =	shalt  }
0x42: {  	_ =	shalt  }
0x43: {  	_ =	shalt  }
0x44: {  	_ =	shalt  }
0x45: {  	_ =	shalt  }
0x46: {  	_ =	shalt  }
0x47: {  	_ =	shalt  }
0x48: {  	_ =	shalt  }
0x49: {  	_ =	shalt  }
0x4a: {  	_ =	shalt  }
0x4b: {  	_ =	shalt  }
0x4c: {  	_ =	shalt  }
0x4d: {  	_ =	shalt  }
0x4e: {  	_ =	shalt  }
0x4f: {  	_ =	shalt  }
0x50: {  	_ =	shalt  }
0x51: {  	_ =	shalt  }
0x52: {  	_ =	shalt  }
0x53: {  	_ =	shalt  }
0x54: {  	_ =	shalt  }
0x55: {  	_ =	shalt  }
0x56: {  	_ =	shalt  }
0x57: {  	_ =	shalt  }
0x58: {  	_ =	shalt  }
0x59: {  	_ =	shalt  }
0x5a: {  	_ =	shalt  }
0x5b: {  	_ =	shalt  }
0x5c: {  	_ =	shalt  }
0x5d: {  	_ =	shalt  }
0x5e: {  	_ =	shalt  }
0x5f: {  	_ =	shalt  }
0x60: {  	_ =	shalt  }
0x61: {  	_ =	shalt  }
0x62: {  	_ =	shalt  }
0x63: {  	_ =	shalt  }
0x64: {  	_ =	shalt  }
0x65: {  	_ =	shalt  }
0x66: {  	_ =	shalt  }
0x67: {  	_ =	shalt  }
0x68: {  	_ =	shalt  }
0x69: {  	_ =	shalt  }
0x6a: {  	_ =	shalt  }
0x6b: {  	_ =	shalt  }
0x6c: {  	_ =	shalt  }
0x6d: {  	_ =	shalt  }
0x6e: {  	_ =	shalt  }
0x6f: {  	_ =	shalt  }
0x70: {  	_ =	shalt  }
0x71: {  	_ =	shalt  }
0x72: {  	_ =	shalt  }
0x73: {  	_ =	shalt  }
0x74: {  	_ =	shalt  }
0x75: {  	_ =	shalt  }
0x76: {  	_ =	shalt  }
0x77: {  	_ =	shalt  }
0x78: {  	_ =	shalt  }
0x79: {  	_ =	shalt  }
0x7a: {  	_ =	shalt  }
0x7b: {  	_ =	shalt  }
0x7c: {  	_ =	shalt  }
0x7d: {  	_ =	shalt  }
0x7e: {  	_ =	shalt  }
0x7f: {  	_ =	shalt  }
0x80: {  	_ =	shalt  }
0x81: {  	_ =	shalt  }
0x82: {  	_ =	shalt  }
0x83: {  	_ =	shalt  }
0x84: {  	_ =	shalt  }
0x85: {  	_ =	shalt  }
0x86: {  	_ =	shalt  }
0x87: {  	_ =	shalt  }
.Lfunc_end0:
.L_simem_size_0:
called_computation.3_lowered:
.L_overlay_start_0:
0x88: {  	s2 =	sld [smem:$0x3FD9]  }
0x89: {  	s3 =	sld [smem:$0x3FFE];
	_ =	sdelay $0x1  }
0x8a: {  	s1 =	srdreg.scid  }
0x8b: {  	s0 =	sand.u32 $0x1, s1  }
0x8c: {  	s17 =	sshll.u32 s0, $0xA;
	s2 =	sadd.s32 s3, s2  }
0x8d: {  	s2 =	sadd.s32 s2, s17  }
0x8e: {  	[smem:$0x3FBD] =	sst s2  }
0x8f: {  	_ = 	snop  }
0x90: {  	s18 =	sld [smem:$0x3FC9];
	(tm) =	ssettm $0x1  }
0x91: {  	s19 =	sld [smem:$0x3FFB];
	_ =	sdelay $0x3  }
0x92: {  	_ =	strace s19  }
0x93: {  	s2 =	sld [smem:$0x3FFC];
	_ =	sdelay $0x3  }
0x94: {  	_ =	strace s2  }
0x95: {  	s2 =	sld [smem:$0x3FFD];
	_ =	sdelay $0x3  }
0x96: {  	_ =	strace s2  }
0x97: {  	_ =	strace $0x8FFFFFFF  }
0x98: {  	s20 =	sld [smem:$0x3FDB];
	_ =	sdelay $0x1  }
0x99: {  	s4 =	simm.s32 $_scs_section_size  }
0x9a: {  	s5 =	simm.s32 $_size__tile_overlayer_lowered;
	s6 =	simm.s32 $_tile_overlayer_lowered  }
0x9b: {  	s7 =	simm.s32 $0x1BFF;
	s21 =	sshll.u32 s6, $0x1;
	s4 =	sadd.s32 s4, s20  }
0x9c: {  	s22 =	simm.s32 $0x0;
	s5 =	sshll.u32 s5, $0x1;
	s6 =	sadd.s32 s21, s4  }
0x9d: {  	[timem:s22], [sflag:s7] =	dma.local [hbm:s6], s5  }
0x9e: {  	_ =	swait.ge [sflag:s7], s5  }
0x9f: {  	s5 =	ssub.s32 $0x0, s5;
	[sflag:s7] =	ssyncset.done $0x0  }
0xa0: {  	[sflag:s7] =	ssyncadd.s32 s5;
	_ =	sdelay $0x1  }
0xa1: {  	s23 =	simm.s32 $0x1B8B  }
0xa2: {  	_ =	swait.ge [sflag:s23], $0x1  }
0xa3: {  	[sflag:s23] =	ssyncset.done $0x0  }
0xa4: {  	[sflag:s23] =	ssyncadd.s32 $0xFFFFFFFF  }
0xa5: {  	s5 =	sld [smem:$0x0]  }
0xa6: {  	s6 =	sand.u32 $0xFFFFFFFE, s1  }
0xa7: {  	p0 =	sne.s32 s1, s6  }
0xa8: {  	s6 =	sshll.u32 @p0 s6, $0xE  }
0xa9: {  	s6 =	sadd.s32 @p0 $0x11B8D, s6;
	s7 =	sshll.u32 @p0 s5, $0x11  }
0xaa: {  	s6 =	sor.u32 @p0 s7, s6  }
0xab: {  	[sflag:s6] =	ssyncadd.remote.s32 @p0 $0x1;
	_ =	sdelay $0x1  }
0xac: {  	s6 =	simm.s32 @p0 $0x1B8D  }
0xad: {  	_ =	swait.eq @p0 [sflag:s6], $0x1  }
0xae: {  	[sflag:s6] =	ssyncadd.s32 @p0 $0xFFFFFFFF  }
0xaf: {  	s7 =	sshll.u32 @!p0 s1, $0xE  }
0xb0: {  	s7 =	sor.u32 @!p0 $0x4000, s7;
	s6 =	simm.s32 @!p0 $0x1B8D  }
0xb1: {  	s5 =	sshll.u32 @!p0 s5, $0x11;
	s7 =	sadd.s32 @!p0 $0x11B8D, s7;
	_ =	swait.eq @!p0 [sflag:s6], $0x1  }
0xb2: {  	s5 =	sor.u32 @!p0 s5, s7;
	[sflag:s6] =	ssyncadd.s32 @!p0 $0xFFFFFFFF  }
0xb3: {  	s25 =	simm.s32 $0x1B8E;
	s24 =	sld [smem:$0x3FFE];
	[sflag:s5] =	ssyncadd.remote.s32 @!p0 $0x1  }
0xb4: {  	s26 =	simm.s32 $execute0_lowered;
	[smem:$0x3FD2] =	sst s25  }
0xb5: {  	s6 =	sshll.u32 s26, $0x1;
	_ =	strace $0x8000004F;
	[dreg:$0x1] =	wrdreg $0xFFFFFFFF  }
0xb6: {  	s28 =	simm.s32 $_size_execute0_lowered;
	s4 =	sadd.s32 s4, s6;
	[dreg:$0x0] =	wrdreg $0x0  }
0xb7: {  	s6 =	sshll.u32 s28, $0x1;
	[dreg:$0x2] =	wrdreg s4  }
0xb8: {  	[dreg:$0x3] =	wrdreg s6  }
0xb9: {  	[dreg:$0x4] =	wrdreg $0xC0  }
0xba: {  	_ =	task [dreg:s22], $0x5FFFF  }
0xbb: {  	[dreg:$0x1] =	wrdreg $0xFFFFFFFF  }
0xbc: {  	[dreg:$0x0] =	wrdreg $0x60  }
0xbd: {  	[dreg:$0x2] =	wrdreg s18  }
0xbe: {  	[dreg:$0x3] =	wrdreg s24  }
0xbf: {  	[dreg:$0x4] =	wrdreg $0x9  }
0xc0: {  	_ =	task.clear_ibuf [dreg:s22], $0x5FFFF;
	_ =	strace $0x9000004F  }
0xc1: {  	s29 =	simm.s32 $0x9;
	_ =	strace $0x80000051  }
0xc2: {  	_ =	swait.ge [sflag:s29], $0x1  }
0xc3: {  	[sflag:s29] =	ssyncadd.s32 $0xFFFFFFFF  }
0xc4: {  	_ =	strace $0x90000051  }
0xc5: {  	_ =	sfence  }
0xc6: {  	s30 =	sld [smem:$0x0];
	_ =	sdelay $0x2  }
0xc7: {  	s31 =	sshll.u32 s1, $0xD;
	s1 =	sshrl.u32 s1, $0x2  }
0xc8: {  	s4 =	sand.u32 $0x4000, s31;
	s1 =	sadd.s32 s1, s30  }
0xc9: {  	s0 =	sor.u32 s4, s0;
	s1 =	sshll.u32 s1, $0x11  }
0xca: {  	s0 =	sor.u32 s1, s0  }
0xcb: {  	s0 =	sadd.s32 $0x8F2B, s0  }
0xcc: {  	[sflag:s0] =	ssyncadd.remote.s32 $0x1  }
0xcd: {  	_ =	sfence.sel $0xFFFF  }
0xce: {  	[dreg:$0x0] =	wrdreg $0xFFFFFFFF;
	(pc) =	sbr.abs _section_cstart, $3  }
0xcf: {  	[dreg:$0x1] =	wrdreg $0xFFFFFFFF  }
0xd0: {  	_ =	task.clear_ibuf [dreg:s22], $0x2FFFF;
	_ =	strace $0x9FFFFFFF  }
0xd1: {  	(tm) =	ssettm $0x7FFFFFFF  }
tec
execute0_lowered:
.L_overlay_start_1:
0x0: {  	(tag) =	ssettag $0x1  }
0x1: {  	s2 =	rddreg [dreg:$0x0];
	s1 =	srdreg.scid  }
0x2: {  	s0 =	stileid.u32;
	s4 =	rddreg [dreg:$0x1]  }
0x3: {  	s3 =	simm.s32 $0x0;
	s10 =	simm.s32 $0x200;
	s11 =	simm.s32 $0x190  }
0x4: {  	s12 =	simm.s32 $0x400;
	s13 =	simm.s32 $0xCC00;
	s6 =	smul.u32 $0xFA0, s0  }
0x5: {  	s14 =	simm.s32 $0x1;
	s5 =	sand.u32 $0x1, s1;
	s8 =	smul.u32 $0xFA00, s0  }
0x6: {  	s15 =	simm.s32 $0x2;
	s1 =	rddreg [dreg:$0x2];
	s7 =	smul.u32 $0x7D0, s5  }
0x7: {  	s16 =	simm.s32 $0x0;
	[smem:$0x7FF] =	sst s3;
	s9 =	smul.u32 $0x7D00, s5  }
0x8: {  	_ =	strace $0x80000050;
	s5 =	ssub.s32 $0x2, s5;
	s29 =	sadd.s32 s8, s4  }
0x9: {  	s30 =	sshrl.u32 s5, $0x1;
	s6 =	sadd.s32 s7, s6;
	s7 =	sadd.s32 s9, s29  }
0xa: {  	s5 =	ssub.s32 s5, s30;
	s9 =	simm.s32 $0x3;
	s6 =	sshrl.u32 s6, $0x3  }
0xb: {  	s5 =	smax.u32 s5, $0x1;
	s31 =	sadd.s32 s6, s4;
	s4 =	sadd.s32 $0x5FF200, s7  }
0xc: {  	s6 =	sadd.s32 $0x6F9200, s7;
	s7 =	sadd.s32 $0x17200, s31;
	s8 =	sadd.s32 $0x19200, s31  }
.LBB2_1:
0xd: {  	s17 =	sadd.s32 $0x0, s8  }
0xe: {  	[tilespmem:s3], [sflag:$0x3] =	stream.linear.gather [hbm4b:s17+s3], $0x190, $0x38;
	[tilespmem:$0x19400] =	vst v63  }
0xf: {  	_ =	swait.ge [sflag:s9], $0x190  }
0x10: {  	[sflag:s9] =	ssyncset.done $0x0  }
0x11: {  	s31 =	sadd.s32 $0x0, s7;
	[sflag:s9] =	ssyncadd.s32 $0xFFFFFE70  }
0x12: {  	[tilespmem:s10], [sflag:$0x3] =	stream.linear.gather [hbm4b:s31+s3], $0x190, $0x38;
	[tilespmem:$0x19400] =	vst v63  }
0x13: {  	_ =	swait.ge [sflag:s9], $0x190  }
0x14: {  	[sflag:s9] =	ssyncset.done $0x0  }
0x15: {  	[sflag:s9] =	ssyncadd.s32 $0xFFFFFE70  }
0x16: {  	[tilespmem:s12], [sflag:$0x1] =	stream.indirect.gather [hbm4b:s2+s11], $0x80, s3, s11, $0xb8;
	[tilespmem:$0x19400] =	vst v63  }
0x17: {  	_ = 	snop  }
0x18: {  	[tilespmem:s13], [sflag:$0x2] =	stream.indirect.gather [hbm4b:s2+s11], $0x80, s10, s11, $0xb8;
	[tilespmem:$0x19400] =	vst v63  }
0x19: {  	_ =	swait.ge [sflag:s14], $0xC800  }
0x1a: {  	[sflag:s14] =	ssyncset.done $0x0  }
0x1b: {  	[sflag:s14] =	ssyncadd.s32 $0xFFFF3800  }
0x1c: {  	_ =	swait.ge [sflag:s15], $0xC800  }
0x1d: {  	[sflag:s15] =	ssyncset.done $0x0  }
0x1e: {  	[sflag:s15] =	ssyncadd.s32 $0xFFFF3800  }
0x1f: {  	[hbm4b:s4+s3] =	stream.linear.scatter [tilespmem:s12], [sflag:$0x3], $0xC800, $0x38;
	[tilespmem:$0x19400] =	vst v63  }
0x20: {  	_ =	swait.ge [sflag:s9], $0xC800  }
0x21: {  	[sflag:s9] =	ssyncset.done $0x0  }
0x22: {  	[sflag:s9] =	ssyncadd.s32 $0xFFFF3800  }
0x23: {  	[hbm4b:s6+s3] =	stream.linear.scatter [tilespmem:s13], [sflag:$0x3], $0xC800, $0x38;
	[tilespmem:$0x19400] =	vst v63  }
0x24: {  	s19 =	simm.s32 $0x32;
	s20 =	simm.s32 $0x64;
	_ =	swait.ge [sflag:s9], $0xC800  }
0x25: {  	s18 =	sadd.s32 $0x1900, s4;
	s17 =	sadd.s32 $0x1900, s6;
	[sflag:s9] =	ssyncset.done $0x0  }
.LBB2_2:
0x26: {  	s21 =	sadd.s32 s19, s8  }
0x27: {  	[sflag:s9] =	ssyncadd.s32 $0xFFFF3800;
	s22 =	smov.u32 s20;
	s23 =	sadd.s32 $0x32, s20  }
0x28: {  	[tilespmem:s3], [sflag:$0x3] =	stream.linear.gather [hbm4b:s21+s3], $0x190, $0x38;
	[tilespmem:$0x19400] =	vst v63  }
0x29: {  	p0 =	sne.s32 s20, $0xC8;
	_ =	swait.ge [sflag:s9], $0x190  }
0x2a: {  	[sflag:s9] =	ssyncset.done $0x0  }
0x2b: {  	s20 =	sadd.s32 s19, s7;
	s19 =	smov.u32 s22;
	[sflag:s9] =	ssyncadd.s32 $0xFFFFFE70  }
0x2c: {  	[tilespmem:s10], [sflag:$0x3] =	stream.linear.gather [hbm4b:s20+s3], $0x190, $0x38;
	[tilespmem:$0x19400] =	vst v63  }
0x2d: {  	_ =	swait.ge [sflag:s9], $0x190  }
0x2e: {  	[sflag:s9] =	ssyncset.done $0x0  }
0x2f: {  	[sflag:s9] =	ssyncadd.s32 $0xFFFFFE70  }
0x30: {  	[tilespmem:s12], [sflag:$0x1] =	stream.indirect.gather [hbm4b:s2+s11], $0x80, s3, s11, $0xb8;
	[tilespmem:$0x19400] =	vst v63  }
0x31: {  	_ = 	snop  }
0x32: {  	[tilespmem:s13], [sflag:$0x2] =	stream.indirect.gather [hbm4b:s2+s11], $0x80, s10, s11, $0xb8;
	[tilespmem:$0x19400] =	vst v63  }
0x33: {  	_ =	swait.ge [sflag:s14], $0xC800  }
0x34: {  	[sflag:s14] =	ssyncset.done $0x0  }
0x35: {  	[sflag:s14] =	ssyncadd.s32 $0xFFFF3800  }
0x36: {  	_ =	swait.ge [sflag:s15], $0xC800  }
0x37: {  	[sflag:s15] =	ssyncset.done $0x0  }
0x38: {  	[sflag:s15] =	ssyncadd.s32 $0xFFFF3800  }
0x39: {  	[hbm4b:s18+s3] =	stream.linear.scatter [tilespmem:s12], [sflag:$0x3], $0xC800, $0x38;
	[tilespmem:$0x19400] =	vst v63  }
0x3a: {  	_ =	swait.ge [sflag:s9], $0xC800  }
.Ltmp0:
0x3b: {  	[sflag:s9] =	ssyncset.done $0x0;
	(pc) =	sbr.rel @p0 .LBB2_2-.Ltmp0, $4  }
0x3c: {  	[sflag:s9] =	ssyncadd.s32 $0xFFFF3800  }
0x3d: {  	[hbm4b:s17+s3] =	stream.linear.scatter [tilespmem:s13], [sflag:$0x3], $0xC800, $0x38;
	[tilespmem:$0x19400] =	vst v63  }
0x3e: {  	s20 =	smov.u32 s23;
	_ =	swait.ge [sflag:s9], $0xC800  }
0x3f: {  	s18 =	sadd.s32 $0x1900, s18;
	s17 =	sadd.s32 $0x1900, s17;
	[sflag:s9] =	ssyncset.done $0x0  }
0x40: {  	s20 =	sadd.s32 s19, s8;
	[sflag:s9] =	ssyncadd.s32 $0xFFFF3800  }
0x41: {  	[tilespmem:s3], [sflag:$0x3] =	stream.linear.gather [hbm4b:s20+s3], $0x190, $0x38;
	[tilespmem:$0x19400] =	vst v63  }
0x42: {  	_ =	swait.ge [sflag:s9], $0x190  }
0x43: {  	[sflag:s9] =	ssyncset.done $0x0  }
0x44: {  	s31 =	sadd.s32 s19, s7;
	[sflag:s9] =	ssyncadd.s32 $0xFFFFFE70  }
0x45: {  	[tilespmem:s10], [sflag:$0x3] =	stream.linear.gather [hbm4b:s31+s3], $0x190, $0x38;
	[tilespmem:$0x19400] =	vst v63  }
0x46: {  	_ =	swait.ge [sflag:s9], $0x190  }
0x47: {  	[sflag:s9] =	ssyncset.done $0x0  }
0x48: {  	[sflag:s9] =	ssyncadd.s32 $0xFFFFFE70  }
0x49: {  	[tilespmem:s12], [sflag:$0x1] =	stream.indirect.gather [hbm4b:s2+s11], $0x80, s3, s11, $0xb8;
	[tilespmem:$0x19400] =	vst v63  }
0x4a: {  	_ = 	snop  }
0x4b: {  	[tilespmem:s13], [sflag:$0x2] =	stream.indirect.gather [hbm4b:s2+s11], $0x80, s10, s11, $0xb8;
	[tilespmem:$0x19400] =	vst v63  }
0x4c: {  	_ =	swait.ge [sflag:s14], $0xC800  }
0x4d: {  	[sflag:s14] =	ssyncset.done $0x0  }
0x4e: {  	[sflag:s14] =	ssyncadd.s32 $0xFFFF3800  }
0x4f: {  	_ =	swait.ge [sflag:s15], $0xC800  }
0x50: {  	[sflag:s15] =	ssyncset.done $0x0  }
0x51: {  	[sflag:s15] =	ssyncadd.s32 $0xFFFF3800  }
0x52: {  	[hbm4b:s18+s3] =	stream.linear.scatter [tilespmem:s12], [sflag:$0x3], $0xC800, $0x38;
	[tilespmem:$0x19400] =	vst v63  }
0x53: {  	s16 =	sadd.s32 $0x1, s16;
	_ =	swait.ge [sflag:s9], $0xC800  }
0x54: {  	p0 =	sne.s32 s16, s5;
	[sflag:s9] =	ssyncset.done $0x0  }
.Ltmp1:
0x55: {  	[sflag:s9] =	ssyncadd.s32 $0xFFFF3800;
	(pc) =	sbr.rel @p0 .LBB2_1-.Ltmp1, $4  }
0x56: {  	[hbm4b:s17+s3] =	stream.linear.scatter [tilespmem:s13], [sflag:$0x3], $0xC800, $0x38;
	[tilespmem:$0x19400] =	vst v63  }
0x57: {  	_ =	swait.ge [sflag:s9], $0xC800  }
0x58: {  	[sflag:s9] =	ssyncset.done $0x0  }
0x59: {  	[sflag:s9] =	ssyncadd.s32 $0xFFFF3800  }
0x5a: {  	_ =	sfence.sel $0x180000  }
0x5b: {  	[bflag:$0x0] =	sbarrier.arrive $0xFFFF  }
0x5c: {  	p0 =	sne.s32 s0, $0x0;
	_ =	strace $0x90000050  }
0x5d: {  	s0 =	sadd.s32 @!p0 $0x100000, s1;
	[bflag:$0x2] =	sbarrier.arrive $0xFFFF  }
0x5e: {  	[sflag:s0] =	ssyncadd.tile.s32 @!p0 $0x1;
	_ =	shalt  }
.Lfunc_end2:
_tile_overlayer_lowered:
.L_overlay_start_2:
0x5f: {  	(tag) =	ssettag $0x2  }
0x60: {  	s0 =	rddreg [dreg:$0x0];
	s2 =	stileid.u32  }
0x61: {  	s1 =	rddreg [dreg:$0x1];
	p0 =	sne.s32 s2, $0x0  }
0x62: {  	s3 =	rddreg [dreg:$0x2];
	[bflag:$0x3] =	sbarrier.arrive $0xFFFF;
	s2 =	simm.s32 @!p0 $0x1C03  }
0x63: {  	[timem:s3], [sflag:s2] =	dma.local @!p0 [hbm:s0], s1  }
0x64: {  	s0 =	simm.s32 @!p0 $0x3  }
0x65: {  	_ =	swait.ge @!p0 [sflag:s0], s1  }
0x66: {  	s1 =	ssub.s32 @!p0 $0x0, s1;
	[sflag:s0] =	ssyncset.done @!p0 $0x0  }
0x67: {  	[sflag:s0] =	ssyncadd.s32 @!p0 s1  }
0x68: {  	[bflag:$0x3] =	sbarrier.arrive $0xFFFF  }
0x69: {  	_ =	shalt  }

// kernel: kernel.27.cloned.1.call-start
scs
__scs_entry_jumppad:
0x0: {  	(pc) =	sbr.rel $0x88, $3  }
0x1: {  	(tag) =	ssettag $0x0;
	lr =	simm.s32 $0x1  }
0x2: {  	[smem:$0x3F96] =	sst lr;
	_ =	strace $0xD0000000  }
0x3: {  	_ = 	snop  }
0x4: {  	_ = 	snop  }
0x5: {  	_ = 	snop  }
0x6: {  	_ = 	snop  }
0x7: {  	_ = 	snop  }
__scs_overlays_trampoline_lowered:
0x8: {  	[smem:$0x3FA5] =	sst s0  }
0x9: {  	[smem:$0x3FA6] =	sst s1  }
0xa: {  	[smem:$0x3FA7] =	sst s2  }
0xb: {  	[smem:$0x3FA8] =	sst s3  }
0xc: {  	[smem:$0x3FA9] =	sst s4  }
0xd: {  	[smem:$0x3FAA] =	sst s5  }
0xe: {  	[smem:$0x3FAB] =	sst s6  }
0xf: {  	[smem:$0x3FAC] =	sst s7  }
0x10: {  	[smem:$0x3FAD] =	sst s8  }
0x11: {  	[smem:$0x3FAE] =	sst s9;
	s0 =	simm.s32 @!p0 $0x0  }
0x12: {  	s1 =	sld [smem:$0x3F94];
	s0 =	simm.s32 @p0 $0x1  }
0x13: {  	[smem:$0x3FAF] =	sst s0;
	s0 =	simm.s32 @!p1 $0x0  }
0x14: {  	s2 =	sld [smem:$0x3F93];
	s0 =	simm.s32 @p1 $0x1  }
0x15: {  	[smem:$0x3FB0] =	sst s0;
	s0 =	simm.s32 @!p2 $0x0  }
0x16: {  	s3 =	sld [smem:$0x3FDB];
	s0 =	simm.s32 @p2 $0x1  }
0x17: {  	s4 =	simm.s32 $0x1BF5;
	[smem:$0x3FB2] =	sst s0  }
0x18: {  	s0 =	sld [smem:$0x3F95];
	_ =	swait.ge [sflag:s4], $0x0  }
0x19: {  	s7 =	sld [smem:$0x3F96]  }
0x1a: {  	s8 =	sadd.s32 $0xFFFFE003, lr  }
0x1b: {  	s9 =	sadd.s32 $0xFFFFFEF7, lr;
	s5 =	simm.s32 $0xFFFFFFFF;
	p2 =	slt.u32 s8, $0xFFFFF086  }
0x1c: {  	p1 =	slt.u32 s9, $0xF7A;
	s5 =	simm.s32 @!p2 $0x0  }
0x1d: {  	s5 =	simm.s32 @p1 $0x1;
	p0 =	seq.s32 s7, s2  }
0x1e: {  	s7 =	smul.u32 @!p0 $0xF7A, s2;
	p2 =	seq.s32 @!p0 s5, $0x0  }
0x1f: {  	s9 =	smul.u32 $0xF7A, s1;
	s8 =	simm.s32 @!p0 $0x1BF5;
	p2 =	por !p2, p0  }
0x20: {  	[sflag:s8] =	ssyncset.s32 @!p0 $0xFFFFF086;
	s6 =	sadd.s32 @!p0 s3, s7;
	s7 =	simm.s32 @!p0 $0x108  }
0x21: {  	s3 =	sadd.s32 s3, s9;
	s6 =	sadd.s32 @!p0 $0x88, s6;
	s7 =	simm.s32 @p2 $0x1082  }
0x22: {  	[simem:s7], [sflag:s8] =	dma.local @!p0 [hbm:s6], $0xF7A  }
0x23: {  	s9 =	sor.u32 $0xD0000000, s2;
	s6 =	simm.s32 $0x108;
	_ =	swait.ge @!p0 [sflag:s8], $0x0  }
0x24: {  	s3 =	sadd.s32 $0x88, s3;
	s6 =	simm.s32 @!p1 $0x1082;
	[sflag:s4] =	ssyncset.s32 $0xFFFFF086  }
0x25: {  	[simem:s6], [sflag:s4] =	dma.local [hbm:s3], $0xF7A  }
0x26: {  	[smem:$0x3F96] =	sst s1;
	(tag) =	ssettag s2;
	_ =	strace s9  }
0x27: {  	s1 =	sld [smem:$0x3FA6]  }
0x28: {  	s2 =	sld [smem:$0x3FA7]  }
0x29: {  	s4 =	sld [smem:$0x3FA9]  }
0x2a: {  	p0 =	seq.s32 s5, $0x0;
	s5 =	sld [smem:$0x3FAA]  }
0x2b: {  	s6 =	sld [smem:$0x3FAB]  }
0x2c: {  	s7 =	sld [smem:$0x3FAC]  }
0x2d: {  	s3 =	simm.s32 $0x108;
	s8 =	sld [smem:$0x3FAD]  }
0x2e: {  	s3 =	simm.s32 @!p0 $0x1082;
	s9 =	sld [smem:$0x3FAE]  }
0x2f: {  	lr =	sadd.s32 s0, s3;
	s0 =	sld [smem:$0x3FA5]  }
0x30: {  	s3 =	sld [smem:$0x3FA8]  }
0x31: {  	[smem:$0x3FB1] =	sst s10  }
0x32: {  	s10 =	sld [smem:$0x3FAF];
	_ =	sdelay $0x3  }
0x33: {  	p0 =	seq.s32 s10, $0x1;
	s10 =	sld [smem:$0x3FB1];
	_ =	sdelay $0x3  }
0x34: {  	[smem:$0x3FB1] =	sst s10  }
0x35: {  	s10 =	sld [smem:$0x3FB0];
	_ =	sdelay $0x3  }
0x36: {  	p1 =	seq.s32 s10, $0x1;
	s10 =	sld [smem:$0x3FB1];
	_ =	sdelay $0x3  }
0x37: {  	[smem:$0x3FB1] =	sst s10  }
0x38: {  	s10 =	sld [smem:$0x3FB2]  }
0x39: {  	_ = 	snop;
	(pc) =	sbr.ind lr, $3  }
0x3a: {  	_ = 	snop  }
0x3b: {  	_ = 	snop  }
0x3c: {  	p2 =	seq.s32 s10, $0x1;
	s10 =	sld [smem:$0x3FB1]  }
0x3d: {  	_ =	shalt  }
0x3e: {  	_ =	shalt  }
0x3f: {  	_ =	shalt  }
0x40: {  	_ =	shalt  }
0x41: {  	_ =	shalt  }
0x42: {  	_ =	shalt  }
0x43: {  	_ =	shalt  }
0x44: {  	_ =	shalt  }
0x45: {  	_ =	shalt  }
0x46: {  	_ =	shalt  }
0x47: {  	_ =	shalt  }
0x48: {  	_ =	shalt  }
0x49: {  	_ =	shalt  }
0x4a: {  	_ =	shalt  }
0x4b: {  	_ =	shalt  }
0x4c: {  	_ =	shalt  }
0x4d: {  	_ =	shalt  }
0x4e: {  	_ =	shalt  }
0x4f: {  	_ =	shalt  }
0x50: {  	_ =	shalt  }
0x51: {  	_ =	shalt  }
0x52: {  	_ =	shalt  }
0x53: {  	_ =	shalt  }
0x54: {  	_ =	shalt  }
0x55: {  	_ =	shalt  }
0x56: {  	_ =	shalt  }
0x57: {  	_ =	shalt  }
0x58: {  	_ =	shalt  }
0x59: {  	_ =	shalt  }
0x5a: {  	_ =	shalt  }
0x5b: {  	_ =	shalt  }
0x5c: {  	_ =	shalt  }
0x5d: {  	_ =	shalt  }
0x5e: {  	_ =	shalt  }
0x5f: {  	_ =	shalt  }
0x60: {  	_ =	shalt  }
0x61: {  	_ =	shalt  }
0x62: {  	_ =	shalt  }
0x63: {  	_ =	shalt  }
0x64: {  	_ =	shalt  }
0x65: {  	_ =	shalt  }
0x66: {  	_ =	shalt  }
0x67: {  	_ =	shalt  }
0x68: {  	_ =	shalt  }
0x69: {  	_ =	shalt  }
0x6a: {  	_ =	shalt  }
0x6b: {  	_ =	shalt  }
0x6c: {  	_ =	shalt  }
0x6d: {  	_ =	shalt  }
0x6e: {  	_ =	shalt  }
0x6f: {  	_ =	shalt  }
0x70: {  	_ =	shalt  }
0x71: {  	_ =	shalt  }
0x72: {  	_ =	shalt  }
0x73: {  	_ =	shalt  }
0x74: {  	_ =	shalt  }
0x75: {  	_ =	shalt  }
0x76: {  	_ =	shalt  }
0x77: {  	_ =	shalt  }
0x78: {  	_ =	shalt  }
0x79: {  	_ =	shalt  }
0x7a: {  	_ =	shalt  }
0x7b: {  	_ =	shalt  }
0x7c: {  	_ =	shalt  }
0x7d: {  	_ =	shalt  }
0x7e: {  	_ =	shalt  }
0x7f: {  	_ =	shalt  }
0x80: {  	_ =	shalt  }
0x81: {  	_ =	shalt  }
0x82: {  	_ =	shalt  }
0x83: {  	_ =	shalt  }
0x84: {  	_ =	shalt  }
0x85: {  	_ =	shalt  }
0x86: {  	_ =	shalt  }
0x87: {  	_ =	shalt  }
.Lfunc_end0:
.L_simem_size_0:
called_computation.4_lowered:
.L_overlay_start_0:
0x88: {  	s2 =	sld [smem:$0x3FD9]  }
0x89: {  	s3 =	sld [smem:$0x3FFE];
	_ =	sdelay $0x1  }
0x8a: {  	s1 =	srdreg.scid  }
0x8b: {  	s0 =	sand.u32 $0x1, s1  }
0x8c: {  	s17 =	sshll.u32 s0, $0xA;
	s2 =	sadd.s32 s3, s2  }
0x8d: {  	s2 =	sadd.s32 s2, s17  }
0x8e: {  	[smem:$0x3FBD] =	sst s2  }
0x8f: {  	_ = 	snop  }
0x90: {  	s18 =	sld [smem:$0x3FC9];
	(tm) =	ssettm $0x1  }
0x91: {  	s19 =	sld [smem:$0x3FFB];
	_ =	sdelay $0x3  }
0x92: {  	_ =	strace s19  }
0x93: {  	s2 =	sld [smem:$0x3FFC];
	_ =	sdelay $0x3  }
0x94: {  	_ =	strace s2  }
0x95: {  	s2 =	sld [smem:$0x3FFD];
	_ =	sdelay $0x3  }
0x96: {  	_ =	strace s2  }
0x97: {  	_ =	strace $0x8FFFFFFF  }
0x98: {  	s20 =	sld [smem:$0x3FDB];
	_ =	sdelay $0x1  }
0x99: {  	s4 =	simm.s32 $_scs_section_size  }
0x9a: {  	s5 =	simm.s32 $_size__tile_overlayer_lowered;
	s6 =	simm.s32 $_tile_overlayer_lowered  }
0x9b: {  	s7 =	simm.s32 $0x1BFF;
	s21 =	sshll.u32 s6, $0x1;
	s4 =	sadd.s32 s4, s20  }
0x9c: {  	s22 =	simm.s32 $0x0;
	s5 =	sshll.u32 s5, $0x1;
	s6 =	sadd.s32 s21, s4  }
0x9d: {  	[timem:s22], [sflag:s7] =	dma.local [hbm:s6], s5  }
0x9e: {  	_ =	swait.ge [sflag:s7], s5  }
0x9f: {  	s5 =	ssub.s32 $0x0, s5;
	[sflag:s7] =	ssyncset.done $0x0  }
0xa0: {  	[sflag:s7] =	ssyncadd.s32 s5;
	_ =	sdelay $0x1  }
0xa1: {  	s23 =	simm.s32 $0x1B8B  }
0xa2: {  	_ =	swait.ge [sflag:s23], $0x1  }
0xa3: {  	[sflag:s23] =	ssyncset.done $0x0  }
0xa4: {  	[sflag:s23] =	ssyncadd.s32 $0xFFFFFFFF  }
0xa5: {  	s5 =	sld [smem:$0x0]  }
0xa6: {  	s6 =	sand.u32 $0xFFFFFFFE, s1  }
0xa7: {  	p0 =	sne.s32 s1, s6  }
0xa8: {  	s6 =	sshll.u32 @p0 s6, $0xE  }
0xa9: {  	s6 =	sadd.s32 @p0 $0x11B8D, s6;
	s7 =	sshll.u32 @p0 s5, $0x11  }
0xaa: {  	s6 =	sor.u32 @p0 s7, s6  }
0xab: {  	[sflag:s6] =	ssyncadd.remote.s32 @p0 $0x1;
	_ =	sdelay $0x1  }
0xac: {  	s6 =	simm.s32 @p0 $0x1B8D  }
0xad: {  	_ =	swait.eq @p0 [sflag:s6], $0x1  }
0xae: {  	[sflag:s6] =	ssyncadd.s32 @p0 $0xFFFFFFFF  }
0xaf: {  	s7 =	sshll.u32 @!p0 s1, $0xE  }
0xb0: {  	s7 =	sor.u32 @!p0 $0x4000, s7;
	s6 =	simm.s32 @!p0 $0x1B8D  }
0xb1: {  	s5 =	sshll.u32 @!p0 s5, $0x11;
	s7 =	sadd.s32 @!p0 $0x11B8D, s7;
	_ =	swait.eq @!p0 [sflag:s6], $0x1  }
0xb2: {  	s5 =	sor.u32 @!p0 s5, s7;
	[sflag:s6] =	ssyncadd.s32 @!p0 $0xFFFFFFFF  }
0xb3: {  	s25 =	simm.s32 $0x1B8E;
	s24 =	sld [smem:$0x3FFE];
	[sflag:s5] =	ssyncadd.remote.s32 @!p0 $0x1  }
0xb4: {  	s26 =	simm.s32 $execute0_lowered;
	[smem:$0x3FD2] =	sst s25  }
0xb5: {  	s6 =	sshll.u32 s26, $0x1;
	_ =	strace $0x80000052;
	[dreg:$0x1] =	wrdreg $0xFFFFFFFF  }
0xb6: {  	s28 =	simm.s32 $_size_execute0_lowered;
	s4 =	sadd.s32 s4, s6;
	[dreg:$0x0] =	wrdreg $0x0  }
0xb7: {  	s6 =	sshll.u32 s28, $0x1;
	[dreg:$0x2] =	wrdreg s4  }
0xb8: {  	[dreg:$0x3] =	wrdreg s6  }
0xb9: {  	[dreg:$0x4] =	wrdreg $0xC0  }
0xba: {  	_ =	task [dreg:s22], $0x5FFFF  }
0xbb: {  	[dreg:$0x1] =	wrdreg $0xFFFFFFFF  }
0xbc: {  	[dreg:$0x0] =	wrdreg $0x60  }
0xbd: {  	[dreg:$0x2] =	wrdreg s18  }
0xbe: {  	[dreg:$0x3] =	wrdreg s24  }
0xbf: {  	[dreg:$0x4] =	wrdreg $0xA  }
0xc0: {  	_ =	task.clear_ibuf [dreg:s22], $0x5FFFF;
	_ =	strace $0x90000052  }
0xc1: {  	s29 =	simm.s32 $0xA;
	_ =	strace $0x80000054  }
0xc2: {  	_ =	swait.ge [sflag:s29], $0x1  }
0xc3: {  	[sflag:s29] =	ssyncadd.s32 $0xFFFFFFFF  }
0xc4: {  	_ =	strace $0x90000054  }
0xc5: {  	_ =	sfence  }
0xc6: {  	s30 =	sld [smem:$0x0];
	_ =	sdelay $0x2  }
0xc7: {  	s31 =	sshll.u32 s1, $0xD;
	s1 =	sshrl.u32 s1, $0x2  }
0xc8: {  	s4 =	sand.u32 $0x4000, s31;
	s1 =	sadd.s32 s1, s30  }
0xc9: {  	s0 =	sor.u32 s4, s0;
	s1 =	sshll.u32 s1, $0x11  }
0xca: {  	s0 =	sor.u32 s1, s0  }
0xcb: {  	s0 =	sadd.s32 $0x8F2B, s0  }
0xcc: {  	[sflag:s0] =	ssyncadd.remote.s32 $0x1  }
0xcd: {  	_ =	sfence.sel $0xFFFF  }
0xce: {  	[dreg:$0x0] =	wrdreg $0xFFFFFFFF;
	(pc) =	sbr.abs _section_cstart, $3  }
0xcf: {  	[dreg:$0x1] =	wrdreg $0xFFFFFFFF  }
0xd0: {  	_ =	task.clear_ibuf [dreg:s22], $0x2FFFF;
	_ =	strace $0x9FFFFFFF  }
0xd1: {  	(tm) =	ssettm $0x7FFFFFFF  }
tec
execute0_lowered:
.L_overlay_start_1:
0x0: {  	(tag) =	ssettag $0x1  }
0x1: {  	s2 =	rddreg [dreg:$0x0];
	s1 =	srdreg.scid  }
0x2: {  	s0 =	stileid.u32;
	s4 =	rddreg [dreg:$0x1]  }
0x3: {  	s3 =	simm.s32 $0x0;
	s10 =	simm.s32 $0x200;
	s11 =	simm.s32 $0x190  }
0x4: {  	s12 =	simm.s32 $0x400;
	s13 =	simm.s32 $0xCC00;
	s6 =	smul.u32 $0xFA0, s0  }
0x5: {  	s14 =	simm.s32 $0x1;
	s5 =	sand.u32 $0x1, s1;
	s8 =	smul.u32 $0xFA00, s0  }
0x6: {  	s15 =	simm.s32 $0x2;
	s1 =	rddreg [dreg:$0x2];
	s7 =	smul.u32 $0x7D0, s5  }
0x7: {  	s16 =	simm.s32 $0x0;
	[smem:$0x7FF] =	sst s3;
	s9 =	smul.u32 $0x7D00, s5  }
0x8: {  	_ =	strace $0x80000053;
	s5 =	ssub.s32 $0x2, s5;
	s29 =	sadd.s32 s8, s4  }
0x9: {  	s30 =	sshrl.u32 s5, $0x1;
	s6 =	sadd.s32 s7, s6;
	s7 =	sadd.s32 s9, s29  }
0xa: {  	s5 =	ssub.s32 s5, s30;
	s9 =	simm.s32 $0x3;
	s6 =	sshrl.u32 s6, $0x3  }
0xb: {  	s5 =	smax.u32 s5, $0x1;
	s31 =	sadd.s32 s6, s4;
	s4 =	sadd.s32 $0x7F3200, s7  }
0xc: {  	s6 =	sadd.s32 $0x8ED200, s7;
	s7 =	sadd.s32 $0x1B200, s31;
	s8 =	sadd.s32 $0x1D200, s31  }
.LBB2_1:
0xd: {  	s17 =	sadd.s32 $0x0, s8  }
0xe: {  	[tilespmem:s3], [sflag:$0x3] =	stream.linear.gather [hbm4b:s17+s3], $0x190, $0x38;
	[tilespmem:$0x19400] =	vst v63  }
0xf: {  	_ =	swait.ge [sflag:s9], $0x190  }
0x10: {  	[sflag:s9] =	ssyncset.done $0x0  }
0x11: {  	s31 =	sadd.s32 $0x0, s7;
	[sflag:s9] =	ssyncadd.s32 $0xFFFFFE70  }
0x12: {  	[tilespmem:s10], [sflag:$0x3] =	stream.linear.gather [hbm4b:s31+s3], $0x190, $0x38;
	[tilespmem:$0x19400] =	vst v63  }
0x13: {  	_ =	swait.ge [sflag:s9], $0x190  }
0x14: {  	[sflag:s9] =	ssyncset.done $0x0  }
0x15: {  	[sflag:s9] =	ssyncadd.s32 $0xFFFFFE70  }
0x16: {  	[tilespmem:s12], [sflag:$0x1] =	stream.indirect.gather [hbm4b:s2+s11], $0x80, s3, s11, $0xb8;
	[tilespmem:$0x19400] =	vst v63  }
0x17: {  	_ = 	snop  }
0x18: {  	[tilespmem:s13], [sflag:$0x2] =	stream.indirect.gather [hbm4b:s2+s11], $0x80, s10, s11, $0xb8;
	[tilespmem:$0x19400] =	vst v63  }
0x19: {  	_ =	swait.ge [sflag:s14], $0xC800  }
0x1a: {  	[sflag:s14] =	ssyncset.done $0x0  }
0x1b: {  	[sflag:s14] =	ssyncadd.s32 $0xFFFF3800  }
0x1c: {  	_ =	swait.ge [sflag:s15], $0xC800  }
0x1d: {  	[sflag:s15] =	ssyncset.done $0x0  }
0x1e: {  	[sflag:s15] =	ssyncadd.s32 $0xFFFF3800  }
0x1f: {  	[hbm4b:s4+s3] =	stream.linear.scatter [tilespmem:s12], [sflag:$0x3], $0xC800, $0x38;
	[tilespmem:$0x19400] =	vst v63  }
0x20: {  	_ =	swait.ge [sflag:s9], $0xC800  }
0x21: {  	[sflag:s9] =	ssyncset.done $0x0  }
0x22: {  	[sflag:s9] =	ssyncadd.s32 $0xFFFF3800  }
0x23: {  	[hbm4b:s6+s3] =	stream.linear.scatter [tilespmem:s13], [sflag:$0x3], $0xC800, $0x38;
	[tilespmem:$0x19400] =	vst v63  }
0x24: {  	s19 =	simm.s32 $0x32;
	s20 =	simm.s32 $0x64;
	_ =	swait.ge [sflag:s9], $0xC800  }
0x25: {  	s18 =	sadd.s32 $0x1900, s4;
	s17 =	sadd.s32 $0x1900, s6;
	[sflag:s9] =	ssyncset.done $0x0  }
.LBB2_2:
0x26: {  	s21 =	sadd.s32 s19, s8  }
0x27: {  	[sflag:s9] =	ssyncadd.s32 $0xFFFF3800;
	s22 =	smov.u32 s20;
	s23 =	sadd.s32 $0x32, s20  }
0x28: {  	[tilespmem:s3], [sflag:$0x3] =	stream.linear.gather [hbm4b:s21+s3], $0x190, $0x38;
	[tilespmem:$0x19400] =	vst v63  }
0x29: {  	p0 =	sne.s32 s20, $0xC8;
	_ =	swait.ge [sflag:s9], $0x190  }
0x2a: {  	[sflag:s9] =	ssyncset.done $0x0  }
0x2b: {  	s20 =	sadd.s32 s19, s7;
	s19 =	smov.u32 s22;
	[sflag:s9] =	ssyncadd.s32 $0xFFFFFE70  }
0x2c: {  	[tilespmem:s10], [sflag:$0x3] =	stream.linear.gather [hbm4b:s20+s3], $0x190, $0x38;
	[tilespmem:$0x19400] =	vst v63  }
0x2d: {  	_ =	swait.ge [sflag:s9], $0x190  }
0x2e: {  	[sflag:s9] =	ssyncset.done $0x0  }
0x2f: {  	[sflag:s9] =	ssyncadd.s32 $0xFFFFFE70  }
0x30: {  	[tilespmem:s12], [sflag:$0x1] =	stream.indirect.gather [hbm4b:s2+s11], $0x80, s3, s11, $0xb8;
	[tilespmem:$0x19400] =	vst v63  }
0x31: {  	_ = 	snop  }
0x32: {  	[tilespmem:s13], [sflag:$0x2] =	stream.indirect.gather [hbm4b:s2+s11], $0x80, s10, s11, $0xb8;
	[tilespmem:$0x19400] =	vst v63  }
0x33: {  	_ =	swait.ge [sflag:s14], $0xC800  }
0x34: {  	[sflag:s14] =	ssyncset.done $0x0  }
0x35: {  	[sflag:s14] =	ssyncadd.s32 $0xFFFF3800  }
0x36: {  	_ =	swait.ge [sflag:s15], $0xC800  }
0x37: {  	[sflag:s15] =	ssyncset.done $0x0  }
0x38: {  	[sflag:s15] =	ssyncadd.s32 $0xFFFF3800  }
0x39: {  	[hbm4b:s18+s3] =	stream.linear.scatter [tilespmem:s12], [sflag:$0x3], $0xC800, $0x38;
	[tilespmem:$0x19400] =	vst v63  }
0x3a: {  	_ =	swait.ge [sflag:s9], $0xC800  }
.Ltmp0:
0x3b: {  	[sflag:s9] =	ssyncset.done $0x0;
	(pc) =	sbr.rel @p0 .LBB2_2-.Ltmp0, $4  }
0x3c: {  	[sflag:s9] =	ssyncadd.s32 $0xFFFF3800  }
0x3d: {  	[hbm4b:s17+s3] =	stream.linear.scatter [tilespmem:s13], [sflag:$0x3], $0xC800, $0x38;
	[tilespmem:$0x19400] =	vst v63  }
0x3e: {  	s20 =	smov.u32 s23;
	_ =	swait.ge [sflag:s9], $0xC800  }
0x3f: {  	s18 =	sadd.s32 $0x1900, s18;
	s17 =	sadd.s32 $0x1900, s17;
	[sflag:s9] =	ssyncset.done $0x0  }
0x40: {  	s20 =	sadd.s32 s19, s8;
	[sflag:s9] =	ssyncadd.s32 $0xFFFF3800  }
0x41: {  	[tilespmem:s3], [sflag:$0x3] =	stream.linear.gather [hbm4b:s20+s3], $0x190, $0x38;
	[tilespmem:$0x19400] =	vst v63  }
0x42: {  	_ =	swait.ge [sflag:s9], $0x190  }
0x43: {  	[sflag:s9] =	ssyncset.done $0x0  }
0x44: {  	s31 =	sadd.s32 s19, s7;
	[sflag:s9] =	ssyncadd.s32 $0xFFFFFE70  }
0x45: {  	[tilespmem:s10], [sflag:$0x3] =	stream.linear.gather [hbm4b:s31+s3], $0x190, $0x38;
	[tilespmem:$0x19400] =	vst v63  }
0x46: {  	_ =	swait.ge [sflag:s9], $0x190  }
0x47: {  	[sflag:s9] =	ssyncset.done $0x0  }
0x48: {  	[sflag:s9] =	ssyncadd.s32 $0xFFFFFE70  }
0x49: {  	[tilespmem:s12], [sflag:$0x1] =	stream.indirect.gather [hbm4b:s2+s11], $0x80, s3, s11, $0xb8;
	[tilespmem:$0x19400] =	vst v63  }
0x4a: {  	_ = 	snop  }
0x4b: {  	[tilespmem:s13], [sflag:$0x2] =	stream.indirect.gather [hbm4b:s2+s11], $0x80, s10, s11, $0xb8;
	[tilespmem:$0x19400] =	vst v63  }
0x4c: {  	_ =	swait.ge [sflag:s14], $0xC800  }
0x4d: {  	[sflag:s14] =	ssyncset.done $0x0  }
0x4e: {  	[sflag:s14] =	ssyncadd.s32 $0xFFFF3800  }
0x4f: {  	_ =	swait.ge [sflag:s15], $0xC800  }
0x50: {  	[sflag:s15] =	ssyncset.done $0x0  }
0x51: {  	[sflag:s15] =	ssyncadd.s32 $0xFFFF3800  }
0x52: {  	[hbm4b:s18+s3] =	stream.linear.scatter [tilespmem:s12], [sflag:$0x3], $0xC800, $0x38;
	[tilespmem:$0x19400] =	vst v63  }
0x53: {  	s16 =	sadd.s32 $0x1, s16;
	_ =	swait.ge [sflag:s9], $0xC800  }
0x54: {  	p0 =	sne.s32 s16, s5;
	[sflag:s9] =	ssyncset.done $0x0  }
.Ltmp1:
0x55: {  	[sflag:s9] =	ssyncadd.s32 $0xFFFF3800;
	(pc) =	sbr.rel @p0 .LBB2_1-.Ltmp1, $4  }
0x56: {  	[hbm4b:s17+s3] =	stream.linear.scatter [tilespmem:s13], [sflag:$0x3], $0xC800, $0x38;
	[tilespmem:$0x19400] =	vst v63  }
0x57: {  	_ =	swait.ge [sflag:s9], $0xC800  }
0x58: {  	[sflag:s9] =	ssyncset.done $0x0  }
0x59: {  	[sflag:s9] =	ssyncadd.s32 $0xFFFF3800  }
0x5a: {  	_ =	sfence.sel $0x180000  }
0x5b: {  	[bflag:$0x0] =	sbarrier.arrive $0xFFFF  }
0x5c: {  	p0 =	sne.s32 s0, $0x0;
	_ =	strace $0x90000053  }
0x5d: {  	s0 =	sadd.s32 @!p0 $0x100000, s1;
	[bflag:$0x2] =	sbarrier.arrive $0xFFFF  }
0x5e: {  	[sflag:s0] =	ssyncadd.tile.s32 @!p0 $0x1;
	_ =	shalt  }
.Lfunc_end2:
_tile_overlayer_lowered:
.L_overlay_start_2:
0x5f: {  	(tag) =	ssettag $0x2  }
0x60: {  	s0 =	rddreg [dreg:$0x0];
	s2 =	stileid.u32  }
0x61: {  	s1 =	rddreg [dreg:$0x1];
	p0 =	sne.s32 s2, $0x0  }
0x62: {  	s3 =	rddreg [dreg:$0x2];
	[bflag:$0x3] =	sbarrier.arrive $0xFFFF;
	s2 =	simm.s32 @!p0 $0x1C03  }
0x63: {  	[timem:s3], [sflag:s2] =	dma.local @!p0 [hbm:s0], s1  }
0x64: {  	s0 =	simm.s32 @!p0 $0x3  }
0x65: {  	_ =	swait.ge @!p0 [sflag:s0], s1  }
0x66: {  	s1 =	ssub.s32 @!p0 $0x0, s1;
	[sflag:s0] =	ssyncset.done @!p0 $0x0  }
0x67: {  	[sflag:s0] =	ssyncadd.s32 @!p0 s1  }
0x68: {  	[bflag:$0x3] =	sbarrier.arrive $0xFFFF  }
0x69: {  	_ =	shalt  }

// kernel: kernel.30.cloned.1.call-start
scs
__scs_entry_jumppad:
0x0: {  	(pc) =	sbr.rel $0x88, $3  }
0x1: {  	(tag) =	ssettag $0x0;
	lr =	simm.s32 $0x1  }
0x2: {  	[smem:$0x3F96] =	sst lr;
	_ =	strace $0xD0000000  }
0x3: {  	_ = 	snop  }
0x4: {  	_ = 	snop  }
0x5: {  	_ = 	snop  }
0x6: {  	_ = 	snop  }
0x7: {  	_ = 	snop  }
__scs_overlays_trampoline_lowered:
0x8: {  	[smem:$0x3FA5] =	sst s0  }
0x9: {  	[smem:$0x3FA6] =	sst s1  }
0xa: {  	[smem:$0x3FA7] =	sst s2  }
0xb: {  	[smem:$0x3FA8] =	sst s3  }
0xc: {  	[smem:$0x3FA9] =	sst s4  }
0xd: {  	[smem:$0x3FAA] =	sst s5  }
0xe: {  	[smem:$0x3FAB] =	sst s6  }
0xf: {  	[smem:$0x3FAC] =	sst s7  }
0x10: {  	[smem:$0x3FAD] =	sst s8  }
0x11: {  	[smem:$0x3FAE] =	sst s9;
	s0 =	simm.s32 @!p0 $0x0  }
0x12: {  	s1 =	sld [smem:$0x3F94];
	s0 =	simm.s32 @p0 $0x1  }
0x13: {  	[smem:$0x3FAF] =	sst s0;
	s0 =	simm.s32 @!p1 $0x0  }
0x14: {  	s2 =	sld [smem:$0x3F93];
	s0 =	simm.s32 @p1 $0x1  }
0x15: {  	[smem:$0x3FB0] =	sst s0;
	s0 =	simm.s32 @!p2 $0x0  }
0x16: {  	s3 =	sld [smem:$0x3FDB];
	s0 =	simm.s32 @p2 $0x1  }
0x17: {  	s4 =	simm.s32 $0x1BF5;
	[smem:$0x3FB2] =	sst s0  }
0x18: {  	s0 =	sld [smem:$0x3F95];
	_ =	swait.ge [sflag:s4], $0x0  }
0x19: {  	s7 =	sld [smem:$0x3F96]  }
0x1a: {  	s8 =	sadd.s32 $0xFFFFE003, lr  }
0x1b: {  	s9 =	sadd.s32 $0xFFFFFEF7, lr;
	s5 =	simm.s32 $0xFFFFFFFF;
	p2 =	slt.u32 s8, $0xFFFFF086  }
0x1c: {  	p1 =	slt.u32 s9, $0xF7A;
	s5 =	simm.s32 @!p2 $0x0  }
0x1d: {  	s5 =	simm.s32 @p1 $0x1;
	p0 =	seq.s32 s7, s2  }
0x1e: {  	s7 =	smul.u32 @!p0 $0xF7A, s2;
	p2 =	seq.s32 @!p0 s5, $0x0  }
0x1f: {  	s9 =	smul.u32 $0xF7A, s1;
	s8 =	simm.s32 @!p0 $0x1BF5;
	p2 =	por !p2, p0  }
0x20: {  	[sflag:s8] =	ssyncset.s32 @!p0 $0xFFFFF086;
	s6 =	sadd.s32 @!p0 s3, s7;
	s7 =	simm.s32 @!p0 $0x108  }
0x21: {  	s3 =	sadd.s32 s3, s9;
	s6 =	sadd.s32 @!p0 $0x88, s6;
	s7 =	simm.s32 @p2 $0x1082  }
0x22: {  	[simem:s7], [sflag:s8] =	dma.local @!p0 [hbm:s6], $0xF7A  }
0x23: {  	s9 =	sor.u32 $0xD0000000, s2;
	s6 =	simm.s32 $0x108;
	_ =	swait.ge @!p0 [sflag:s8], $0x0  }
0x24: {  	s3 =	sadd.s32 $0x88, s3;
	s6 =	simm.s32 @!p1 $0x1082;
	[sflag:s4] =	ssyncset.s32 $0xFFFFF086  }
0x25: {  	[simem:s6], [sflag:s4] =	dma.local [hbm:s3], $0xF7A  }
0x26: {  	[smem:$0x3F96] =	sst s1;
	(tag) =	ssettag s2;
	_ =	strace s9  }
0x27: {  	s1 =	sld [smem:$0x3FA6]  }
0x28: {  	s2 =	sld [smem:$0x3FA7]  }
0x29: {  	s4 =	sld [smem:$0x3FA9]  }
0x2a: {  	p0 =	seq.s32 s5, $0x0;
	s5 =	sld [smem:$0x3FAA]  }
0x2b: {  	s6 =	sld [smem:$0x3FAB]  }
0x2c: {  	s7 =	sld [smem:$0x3FAC]  }
0x2d: {  	s3 =	simm.s32 $0x108;
	s8 =	sld [smem:$0x3FAD]  }
0x2e: {  	s3 =	simm.s32 @!p0 $0x1082;
	s9 =	sld [smem:$0x3FAE]  }
0x2f: {  	lr =	sadd.s32 s0, s3;
	s0 =	sld [smem:$0x3FA5]  }
0x30: {  	s3 =	sld [smem:$0x3FA8]  }
0x31: {  	[smem:$0x3FB1] =	sst s10  }
0x32: {  	s10 =	sld [smem:$0x3FAF];
	_ =	sdelay $0x3  }
0x33: {  	p0 =	seq.s32 s10, $0x1;
	s10 =	sld [smem:$0x3FB1];
	_ =	sdelay $0x3  }
0x34: {  	[smem:$0x3FB1] =	sst s10  }
0x35: {  	s10 =	sld [smem:$0x3FB0];
	_ =	sdelay $0x3  }
0x36: {  	p1 =	seq.s32 s10, $0x1;
	s10 =	sld [smem:$0x3FB1];
	_ =	sdelay $0x3  }
0x37: {  	[smem:$0x3FB1] =	sst s10  }
0x38: {  	s10 =	sld [smem:$0x3FB2]  }
0x39: {  	_ = 	snop;
	(pc) =	sbr.ind lr, $3  }
0x3a: {  	_ = 	snop  }
0x3b: {  	_ = 	snop  }
0x3c: {  	p2 =	seq.s32 s10, $0x1;
	s10 =	sld [smem:$0x3FB1]  }
0x3d: {  	_ =	shalt  }
0x3e: {  	_ =	shalt  }
0x3f: {  	_ =	shalt  }
0x40: {  	_ =	shalt  }
0x41: {  	_ =	shalt  }
0x42: {  	_ =	shalt  }
0x43: {  	_ =	shalt  }
0x44: {  	_ =	shalt  }
0x45: {  	_ =	shalt  }
0x46: {  	_ =	shalt  }
0x47: {  	_ =	shalt  }
0x48: {  	_ =	shalt  }
0x49: {  	_ =	shalt  }
0x4a: {  	_ =	shalt  }
0x4b: {  	_ =	shalt  }
0x4c: {  	_ =	shalt  }
0x4d: {  	_ =	shalt  }
0x4e: {  	_ =	shalt  }
0x4f: {  	_ =	shalt  }
0x50: {  	_ =	shalt  }
0x51: {  	_ =	shalt  }
0x52: {  	_ =	shalt  }
0x53: {  	_ =	shalt  }
0x54: {  	_ =	shalt  }
0x55: {  	_ =	shalt  }
0x56: {  	_ =	shalt  }
0x57: {  	_ =	shalt  }
0x58: {  	_ =	shalt  }
0x59: {  	_ =	shalt  }
0x5a: {  	_ =	shalt  }
0x5b: {  	_ =	shalt  }
0x5c: {  	_ =	shalt  }
0x5d: {  	_ =	shalt  }
0x5e: {  	_ =	shalt  }
0x5f: {  	_ =	shalt  }
0x60: {  	_ =	shalt  }
0x61: {  	_ =	shalt  }
0x62: {  	_ =	shalt  }
0x63: {  	_ =	shalt  }
0x64: {  	_ =	shalt  }
0x65: {  	_ =	shalt  }
0x66: {  	_ =	shalt  }
0x67: {  	_ =	shalt  }
0x68: {  	_ =	shalt  }
0x69: {  	_ =	shalt  }
0x6a: {  	_ =	shalt  }
0x6b: {  	_ =	shalt  }
0x6c: {  	_ =	shalt  }
0x6d: {  	_ =	shalt  }
0x6e: {  	_ =	shalt  }
0x6f: {  	_ =	shalt  }
0x70: {  	_ =	shalt  }
0x71: {  	_ =	shalt  }
0x72: {  	_ =	shalt  }
0x73: {  	_ =	shalt  }
0x74: {  	_ =	shalt  }
0x75: {  	_ =	shalt  }
0x76: {  	_ =	shalt  }
0x77: {  	_ =	shalt  }
0x78: {  	_ =	shalt  }
0x79: {  	_ =	shalt  }
0x7a: {  	_ =	shalt  }
0x7b: {  	_ =	shalt  }
0x7c: {  	_ =	shalt  }
0x7d: {  	_ =	shalt  }
0x7e: {  	_ =	shalt  }
0x7f: {  	_ =	shalt  }
0x80: {  	_ =	shalt  }
0x81: {  	_ =	shalt  }
0x82: {  	_ =	shalt  }
0x83: {  	_ =	shalt  }
0x84: {  	_ =	shalt  }
0x85: {  	_ =	shalt  }
0x86: {  	_ =	shalt  }
0x87: {  	_ =	shalt  }
.Lfunc_end0:
.L_simem_size_0:
called_computation.5_lowered:
.L_overlay_start_0:
0x88: {  	s2 =	sld [smem:$0x3FD9]  }
0x89: {  	s3 =	sld [smem:$0x3FFE];
	_ =	sdelay $0x1  }
0x8a: {  	s1 =	srdreg.scid  }
0x8b: {  	s0 =	sand.u32 $0x1, s1  }
0x8c: {  	s17 =	sshll.u32 s0, $0xA;
	s2 =	sadd.s32 s3, s2  }
0x8d: {  	s2 =	sadd.s32 s2, s17  }
0x8e: {  	[smem:$0x3FBD] =	sst s2  }
0x8f: {  	_ = 	snop  }
0x90: {  	(tm) =	ssettm $0x1  }
0x91: {  	s18 =	sld [smem:$0x3FFB];
	_ =	sdelay $0x3  }
0x92: {  	_ =	strace s18  }
0x93: {  	s2 =	sld [smem:$0x3FFC];
	_ =	sdelay $0x3  }
0x94: {  	_ =	strace s2  }
0x95: {  	s2 =	sld [smem:$0x3FFD];
	_ =	sdelay $0x3  }
0x96: {  	_ =	strace s2  }
0x97: {  	_ =	strace $0x8FFFFFFF  }
0x98: {  	s19 =	sld [smem:$0x3FDB];
	_ =	sdelay $0x1  }
0x99: {  	s20 =	simm.s32 $_scs_section_size  }
0x9a: {  	s4 =	simm.s32 $_size__tile_overlayer_lowered;
	s5 =	simm.s32 $_tile_overlayer_lowered  }
0x9b: {  	s6 =	simm.s32 $0x1BFF;
	s21 =	sshll.u32 s5, $0x1;
	s3 =	sadd.s32 s20, s19  }
0x9c: {  	s22 =	simm.s32 $0x0;
	s4 =	sshll.u32 s4, $0x1;
	s5 =	sadd.s32 s21, s3  }
0x9d: {  	[timem:s22], [sflag:s6] =	dma.local [hbm:s5], s4  }
0x9e: {  	_ =	swait.ge [sflag:s6], s4  }
0x9f: {  	s4 =	ssub.s32 $0x0, s4;
	[sflag:s6] =	ssyncset.done $0x0  }
0xa0: {  	[sflag:s6] =	ssyncadd.s32 s4;
	_ =	sdelay $0x1  }
0xa1: {  	s23 =	simm.s32 $0x1B8B  }
0xa2: {  	_ =	swait.ge [sflag:s23], $0x1  }
0xa3: {  	[sflag:s23] =	ssyncset.done $0x0  }
0xa4: {  	[sflag:s23] =	ssyncadd.s32 $0xFFFFFFFF  }
0xa5: {  	s4 =	sld [smem:$0x0]  }
0xa6: {  	s5 =	sand.u32 $0xFFFFFFFE, s1  }
0xa7: {  	p0 =	sne.s32 s1, s5  }
0xa8: {  	s5 =	sshll.u32 @p0 s5, $0xE  }
0xa9: {  	s5 =	sadd.s32 @p0 $0x11B8D, s5;
	s6 =	sshll.u32 @p0 s4, $0x11  }
0xaa: {  	s5 =	sor.u32 @p0 s6, s5  }
0xab: {  	[sflag:s5] =	ssyncadd.remote.s32 @p0 $0x1;
	_ =	sdelay $0x1  }
0xac: {  	s5 =	simm.s32 @p0 $0x1B8D  }
0xad: {  	_ =	swait.eq @p0 [sflag:s5], $0x1  }
0xae: {  	[sflag:s5] =	ssyncadd.s32 @p0 $0xFFFFFFFF  }
0xaf: {  	s6 =	sshll.u32 @!p0 s1, $0xE  }
0xb0: {  	s6 =	sor.u32 @!p0 $0x4000, s6;
	s5 =	simm.s32 @!p0 $0x1B8D  }
0xb1: {  	s4 =	sshll.u32 @!p0 s4, $0x11;
	s6 =	sadd.s32 @!p0 $0x11B8D, s6;
	_ =	swait.eq @!p0 [sflag:s5], $0x1  }
0xb2: {  	s4 =	sor.u32 @!p0 s4, s6;
	[sflag:s5] =	ssyncadd.s32 @!p0 $0xFFFFFFFF  }
0xb3: {  	s25 =	simm.s32 $0x1B8E;
	s24 =	sld [smem:$0x3FFE];
	[sflag:s4] =	ssyncadd.remote.s32 @!p0 $0x1  }
0xb4: {  	s26 =	simm.s32 $execute0_lowered;
	[smem:$0x3FD2] =	sst s25  }
0xb5: {  	s5 =	sshll.u32 s26, $0x1;
	_ =	strace $0x80000055;
	[dreg:$0x1] =	wrdreg $0xFFFFFFFF  }
0xb6: {  	s28 =	simm.s32 $_size_execute0_lowered;
	s3 =	sadd.s32 s3, s5;
	[dreg:$0x0] =	wrdreg $0x0  }
0xb7: {  	s5 =	sshll.u32 s28, $0x1;
	[dreg:$0x2] =	wrdreg s3  }
0xb8: {  	[dreg:$0x3] =	wrdreg s5  }
0xb9: {  	[dreg:$0x4] =	wrdreg $0xC0  }
0xba: {  	_ =	task [dreg:s22], $0x5FFFF  }
0xbb: {  	[dreg:$0x1] =	wrdreg $0xFFFFFFFF  }
0xbc: {  	[dreg:$0x0] =	wrdreg $0x60  }
0xbd: {  	[dreg:$0x2] =	wrdreg s24  }
0xbe: {  	[dreg:$0x3] =	wrdreg $0x65000  }
0xbf: {  	[dreg:$0x4] =	wrdreg $0xB  }
0xc0: {  	_ =	task.clear_ibuf [dreg:s22], $0x5FFFF;
	_ =	strace $0x90000055  }
0xc1: {  	s29 =	simm.s32 $0xB;
	_ =	strace $0x80000057  }
0xc2: {  	_ =	swait.ge [sflag:s29], $0x1  }
0xc3: {  	[sflag:s29] =	ssyncadd.s32 $0xFFFFFFFF  }
0xc4: {  	_ =	strace $0x90000057  }
0xc5: {  	_ =	sfence  }
0xc6: {  	s30 =	sld [smem:$0x0];
	_ =	sdelay $0x2  }
0xc7: {  	s31 =	sshll.u32 s1, $0xD;
	s1 =	sshrl.u32 s1, $0x2  }
0xc8: {  	s4 =	sand.u32 $0x4000, s31;
	s1 =	sadd.s32 s1, s30  }
0xc9: {  	s0 =	sor.u32 s4, s0;
	s1 =	sshll.u32 s1, $0x11  }
0xca: {  	s0 =	sor.u32 s1, s0  }
0xcb: {  	s0 =	sadd.s32 $0x8F2B, s0  }
0xcc: {  	[sflag:s0] =	ssyncadd.remote.s32 $0x1  }
0xcd: {  	_ =	sfence.sel $0xFFFF  }
0xce: {  	[dreg:$0x0] =	wrdreg $0xFFFFFFFF;
	(pc) =	sbr.abs _section_cstart, $3  }
0xcf: {  	[dreg:$0x1] =	wrdreg $0xFFFFFFFF  }
0xd0: {  	_ =	task.clear_ibuf [dreg:s22], $0x2FFFF;
	_ =	strace $0x9FFFFFFF  }
0xd1: {  	(tm) =	ssettm $0x7FFFFFFF  }
tec
execute0_lowered:
.L_overlay_start_1:
0x0: {  	(tag) =	ssettag $0x1  }
0x1: {  	s4 =	rddreg [dreg:$0x0];
	s1 =	stileid.u32  }
0x2: {  	s0 =	srdreg.scid;
	s7 =	smul.u32 $0x13C00, s1  }
0x3: {  	s2 =	rddreg [dreg:$0x1];
	s3 =	simm.s32 $0x0;
	s8 =	smul.u32 $0xFA00, s1  }
0x4: {  	s17 =	simm.s32 $0xC8;
	s18 =	simm.s32 $0x0;
	s25 =	smul.u32 $0x4F000, s1  }
0x5: {  	s5 =	sand.u32 $0x1, s0;
	s0 =	rddreg [dreg:$0x2];
	s10 =	smul.u32 $0xFA0, s1  }
0x6: {  	[smem:$0x7FF] =	sst s3;
	s13 =	sadd.s32 $0xCF4600, s4;
	s6 =	smul.u32 $0x13C000, s5  }
0x7: {  	s11 =	sshll.u32 s1, $0x6;
	_ =	strace $0x80000056;
	s28 =	smul.u32 $0x7D0, s5  }
0x8: {  	s26 =	ssub.s32 $0x2, s5;
	s12 =	smul.u32 $0x7D00, s5;
	s5 =	sor.u32 $0x1C01, s11  }
0x9: {  	s8 =	sadd.s32 s8, s4;
	s9 =	sshrl.u32 s26, $0x1;
	s6 =	sadd.s32 s7, s6  }
0xa: {  	s7 =	sshrl.u32 s25, $0x2;
	s9 =	ssub.s32 s26, s9;
	s29 =	sadd.s32 s28, s10  }
0xb: {  	s12 =	sadd.s32 s12, s8;
	s6 =	sshrl.u32 s6, $0x3;
	s14 =	sadd.s32 s7, s2  }
0xc: {  	s7 =	smax.u32 s9, $0x1;
	s30 =	sshrl.u32 s29, $0x3;
	s8 =	sadd.s32 $0xB00600, s12  }
0xd: {  	s15 =	sadd.s32 $0xFA00, s29;
	s10 =	sadd.s32 $0xCFA400, s12;
	s16 =	sadd.s32 $0x1F400, s29  }
0xe: {  	s12 =	sadd.s32 $0xA06600, s12;
	s6 =	sadd.s32 s6, s4;
	s9 =	sadd.s32 s30, s13  }
0xf: {  	s15 =	sshrl.u32 s15, $0x3;
	s31 =	sshrl.u32 s16, $0x3;
	s14 =	sshrl.u32 s14, $0x3  }
0x10: {  	s16 =	simm.s32 $0x100;
	s4 =	sadd.s32 $0xBFA600, s6;
	s6 =	sadd.s32 $0xC49600, s6  }
0x11: {  	s11 =	sadd.s32 s15, s13;
	s13 =	sadd.s32 s31, s13;
	s15 =	simm.s32 $0x1  }
.LBB2_1:
0x12: {  	[spmem:s14], [sflag:s5] =	dma.local [hbm:s4], $0x2780  }
0x13: {  	_ =	swait.ge [sflag:s15], $0x2780  }
0x14: {  	[sflag:s15] =	ssyncset.done $0x0  }
0x15: {  	[sflag:s15] =	ssyncadd.s32 $0xFFFFD880  }
0x16: {  	s19 =	sadd.s32 $0x0, s9;
	[bflag:$0x0] =	sbarrier.arrive $0xFFFF  }
0x17: {  	[tilespmem:s3], [sflag:$0x1] =	stream.linear.gather [hbm4b:s19+s3], $0xC8, $0x38;
	[tilespmem:$0x1A100] =	vst v63  }
0x18: {  	_ =	swait.ge [sflag:s15], $0xC8  }
0x19: {  	[sflag:s15] =	ssyncset.done $0x0  }
0x1a: {  	[sflag:s15] =	ssyncadd.s32 $0xFFFFFF38  }
0x1b: {  	[tilespmem:s16], [sflag:$0x1] =	stream.linear.gather [hbm4b:s8+s3], $0x6400, $0x38;
	[tilespmem:$0x1A100] =	vst v63  }
0x1c: {  	_ =	swait.ge [sflag:s15], $0x6400  }
0x1d: {  	[sflag:s15] =	ssyncset.done $0x0  }
0x1e: {  	[sflag:s15] =	ssyncadd.s32 $0xFFFF9C00  }
0x1f: {  	[spmem:s2] =	stream.indirect.scatter.add.f32 [tilespmem:s16], [sflag:$0x1], $0x80, s3, s17, $0xb8;
	[tilespmem:$0x1A100] =	vst v63  }
0x20: {  	s22 =	sadd.s32 $0x19, s9;
	_ =	swait.ge [sflag:s15], $0x6400  }
0x21: {  	s21 =	simm.s32 $0x32;
	s19 =	sadd.s32 $0xC80, s8;
	[sflag:s15] =	ssyncset.done $0x0  }
.LBB2_2:
0x22: {  	s23 =	sadd.s32 s21, s9;
	s20 =	simm.s32 $0x0;
	[sflag:s15] =	ssyncadd.s32 $0xFFFF9C00  }
0x23: {  	[tilespmem:s20], [sflag:$0x1] =	stream.linear.gather [hbm4b:s22+s20], $0xC8, $0x38;
	[tilespmem:$0x1A100] =	vst v63  }
0x24: {  	p0 =	sne.s32 s21, $0xE1;
	s21 =	sadd.s32 $0x19, s21;
	_ =	swait.ge [sflag:s15], $0xC8  }
0x25: {  	s22 =	smov.u32 s23;
	[sflag:s15] =	ssyncset.done $0x0  }
0x26: {  	[sflag:s15] =	ssyncadd.s32 $0xFFFFFF38  }
0x27: {  	[tilespmem:s16], [sflag:$0x1] =	stream.linear.gather [hbm4b:s19+s20], $0x6400, $0x38;
	[tilespmem:$0x1A100] =	vst v63  }
0x28: {  	_ =	swait.ge [sflag:s15], $0x6400  }
.Ltmp0:
0x29: {  	[sflag:s15] =	ssyncset.done $0x0;
	(pc) =	sbr.rel @p0 .LBB2_2-.Ltmp0, $4  }
0x2a: {  	[sflag:s15] =	ssyncadd.s32 $0xFFFF9C00  }
0x2b: {  	[spmem:s2] =	stream.indirect.scatter.add.f32 [tilespmem:s16], [sflag:$0x1], $0x80, s20, s17, $0xb8;
	[tilespmem:$0x1A100] =	vst v63  }
0x2c: {  	_ =	swait.ge [sflag:s15], $0x6400  }
0x2d: {  	s19 =	sadd.s32 $0xC80, s19;
	[sflag:s15] =	ssyncset.done $0x0  }
0x2e: {  	[sflag:s15] =	ssyncadd.s32 $0xFFFF9C00  }
0x2f: {  	[tilespmem:s20], [sflag:$0x1] =	stream.linear.gather [hbm4b:s22+s20], $0xC8, $0x38;
	[tilespmem:$0x1A100] =	vst v63  }
0x30: {  	_ =	swait.ge [sflag:s15], $0xC8  }
0x31: {  	[sflag:s15] =	ssyncset.done $0x0  }
0x32: {  	[sflag:s15] =	ssyncadd.s32 $0xFFFFFF38  }
0x33: {  	[tilespmem:s16], [sflag:$0x1] =	stream.linear.gather [hbm4b:s19+s20], $0x6400, $0x38;
	[tilespmem:$0x1A100] =	vst v63  }
0x34: {  	_ =	swait.ge [sflag:s15], $0x6400  }
0x35: {  	p1 =	por $0x1, $0x1;
	[sflag:s15] =	ssyncset.done $0x0  }
.Ltmp1:
0x36: {  	[sflag:s15] =	ssyncadd.s32 $0xFFFF9C00;
	(pc) =	sbr.rel @!p1 .LBB2_7-.Ltmp1, $4  }
0x37: {  	[spmem:s2] =	stream.indirect.scatter.add.f32 [tilespmem:s16], [sflag:$0x1], $0x80, s20, s17, $0xb8;
	[tilespmem:$0x1A100] =	vst v63  }
0x38: {  	p0 =	por $0x0, $0x0;
	_ =	swait.ge [sflag:s15], $0x6400  }
0x39: {  	s21 =	smov.u32 s10;
	p2 =	por $0x0, $0x0;
	[sflag:s15] =	ssyncset.done $0x0  }
0x3a: {  	s22 =	simm.s32 $0x0;
	s19 =	simm.s32 $0x19;
	[sflag:s15] =	ssyncadd.s32 $0xFFFF9C00  }
0x3b: {  	s21 =	sadd.s32 $0x0, s11  }
0x3c: {  	[tilespmem:s20], [sflag:$0x1] =	stream.linear.gather [hbm4b:s21+s20], $0xC8, $0x38;
	[tilespmem:$0x1A100] =	vst v63  }
0x3d: {  	_ =	swait.ge [sflag:s15], $0xC8  }
0x3e: {  	[sflag:s15] =	ssyncset.done $0x0  }
0x3f: {  	[sflag:s15] =	ssyncadd.s32 $0xFFFFFF38  }
0x40: {  	[tilespmem:s16], [sflag:$0x1] =	stream.linear.gather [hbm4b:s10+s20], $0x6400, $0x38;
	[tilespmem:$0x1A100] =	vst v63  }
0x41: {  	p3 =	por $0x1, $0x1;
	_ =	swait.ge [sflag:s15], $0x6400  }
.Ltmp2:
0x42: {  	[sflag:s15] =	ssyncset.done $0x0;
	(pc) =	sbr.rel @!p3 .LBB2_5-.Ltmp2, $4  }
0x43: {  	[sflag:s15] =	ssyncadd.s32 $0xFFFF9C00  }
0x44: {  	[spmem:s2] =	stream.indirect.scatter.add.f32 [tilespmem:s16], [sflag:$0x1], $0x80, s20, s17, $0xb8;
	[tilespmem:$0x1A100] =	vst v63  }
0x45: {  	s23 =	simm.s32 $0x32;
	p2 =	por $0x1, $0x1;
	_ =	swait.ge [sflag:s15], $0x6400  }
0x46: {  	s22 =	simm.s32 $0x19;
	s21 =	sadd.s32 $0xC80, s10;
	[sflag:s15] =	ssyncset.done $0x0  }
.LBB2_6:
0x47: {  	s24 =	sadd.s32 s22, s11  }
0x48: {  	[sflag:s15] =	ssyncadd.s32 $0xFFFF9C00;
	s22 =	smov.u32 s23;
	s25 =	sadd.s32 $0x19, s23  }
0x49: {  	[tilespmem:s20], [sflag:$0x1] =	stream.linear.gather [hbm4b:s24+s20], $0xC8, $0x38;
	[tilespmem:$0x1A100] =	vst v63  }
0x4a: {  	p3 =	sne.s32 s23, $0xE1;
	_ =	swait.ge [sflag:s15], $0xC8  }
0x4b: {  	[sflag:s15] =	ssyncset.done $0x0  }
0x4c: {  	[sflag:s15] =	ssyncadd.s32 $0xFFFFFF38  }
0x4d: {  	[tilespmem:s16], [sflag:$0x1] =	stream.linear.gather [hbm4b:s21+s20], $0x6400, $0x38;
	[tilespmem:$0x1A100] =	vst v63  }
0x4e: {  	_ =	swait.ge [sflag:s15], $0x6400  }
.Ltmp3:
0x4f: {  	[sflag:s15] =	ssyncset.done $0x0;
	(pc) =	sbr.rel @p3 .LBB2_6-.Ltmp3, $4  }
0x50: {  	[sflag:s15] =	ssyncadd.s32 $0xFFFF9C00  }
0x51: {  	[spmem:s2] =	stream.indirect.scatter.add.f32 [tilespmem:s16], [sflag:$0x1], $0x80, s20, s17, $0xb8;
	[tilespmem:$0x1A100] =	vst v63  }
0x52: {  	_ =	swait.ge [sflag:s15], $0x6400  }
0x53: {  	s23 =	smov.u32 s25;
	s21 =	sadd.s32 $0xC80, s21;
	[sflag:s15] =	ssyncset.done $0x0  }
.LBB2_7:
0x54: {  	s22 =	sadd.s32 s22, s11;
	[sflag:s15] =	ssyncadd.s32 @p2 $0xFFFF9C00  }
0x55: {  	[tilespmem:s20], [sflag:$0x1] =	stream.linear.gather [hbm4b:s22+s20], $0xC8, $0x38;
	[tilespmem:$0x1A100] =	vst v63  }
0x56: {  	_ =	swait.ge [sflag:s15], $0xC8  }
0x57: {  	[sflag:s15] =	ssyncset.done $0x0  }
0x58: {  	[sflag:s15] =	ssyncadd.s32 $0xFFFFFF38  }
0x59: {  	[tilespmem:s16], [sflag:$0x1] =	stream.linear.gather [hbm4b:s21+s20], $0x6400, $0x38;
	[tilespmem:$0x1A100] =	vst v63  }
0x5a: {  	_ =	swait.ge [sflag:s15], $0x6400  }
0x5b: {  	[sflag:s15] =	ssyncset.done $0x0  }
.Ltmp4:
0x5c: {  	[sflag:s15] =	ssyncadd.s32 $0xFFFF9C00;
	(pc) =	sbr.rel @!p1 .LBB2_12-.Ltmp4, $4  }
0x5d: {  	[spmem:s2] =	stream.indirect.scatter.add.f32 [tilespmem:s16], [sflag:$0x1], $0x80, s20, s17, $0xb8;
	[tilespmem:$0x1A100] =	vst v63  }
0x5e: {  	_ =	swait.ge [sflag:s15], $0x6400  }
0x5f: {  	[sflag:s15] =	ssyncset.done $0x0  }
0x60: {  	s21 =	smov.u32 s12;
	[sflag:s15] =	ssyncadd.s32 $0xFFFF9C00  }
0x61: {  	s20 =	sadd.s32 $0x0, s13  }
0x62: {  	[tilespmem:s3], [sflag:$0x1] =	stream.linear.gather [hbm4b:s20+s3], $0xC8, $0x38;
	[tilespmem:$0x1A100] =	vst v63  }
0x63: {  	_ =	swait.ge [sflag:s15], $0xC8  }
0x64: {  	[sflag:s15] =	ssyncset.done $0x0  }
0x65: {  	[sflag:s15] =	ssyncadd.s32 $0xFFFFFF38  }
0x66: {  	[tilespmem:s16], [sflag:$0x1] =	stream.linear.gather [hbm4b:s12+s3], $0x6400, $0x38;
	[tilespmem:$0x1A100] =	vst v63  }
0x67: {  	p1 =	por $0x1, $0x1;
	_ =	swait.ge [sflag:s15], $0x6400  }
.Ltmp5:
0x68: {  	[sflag:s15] =	ssyncset.done $0x0;
	(pc) =	sbr.rel @!p1 .LBB2_9-.Ltmp5, $4  }
0x69: {  	[sflag:s15] =	ssyncadd.s32 $0xFFFF9C00  }
0x6a: {  	[spmem:s2] =	stream.indirect.scatter.add.f32 [tilespmem:s16], [sflag:$0x1], $0x80, s3, s17, $0xb8;
	[tilespmem:$0x1A100] =	vst v63  }
0x6b: {  	s21 =	sadd.s32 $0xC80, s12;
	_ =	swait.ge [sflag:s15], $0x6400  }
0x6c: {  	p0 =	por $0x1, $0x1;
	s20 =	simm.s32 $0x32;
	[sflag:s15] =	ssyncset.done $0x0  }
.LBB2_10:
0x6d: {  	s22 =	sadd.s32 s19, s13  }
0x6e: {  	[sflag:s15] =	ssyncadd.s32 $0xFFFF9C00;
	s19 =	smov.u32 s20;
	s23 =	sadd.s32 $0x19, s20  }
0x6f: {  	[tilespmem:s3], [sflag:$0x1] =	stream.linear.gather [hbm4b:s22+s3], $0xC8, $0x38;
	[tilespmem:$0x1A100] =	vst v63  }
0x70: {  	p1 =	sne.s32 s20, $0xE1;
	_ =	swait.ge [sflag:s15], $0xC8  }
0x71: {  	[sflag:s15] =	ssyncset.done $0x0  }
0x72: {  	[sflag:s15] =	ssyncadd.s32 $0xFFFFFF38  }
0x73: {  	[tilespmem:s16], [sflag:$0x1] =	stream.linear.gather [hbm4b:s21+s3], $0x6400, $0x38;
	[tilespmem:$0x1A100] =	vst v63  }
0x74: {  	_ =	swait.ge [sflag:s15], $0x6400  }
.Ltmp6:
0x75: {  	[sflag:s15] =	ssyncset.done $0x0;
	(pc) =	sbr.rel @p1 .LBB2_10-.Ltmp6, $4  }
0x76: {  	[sflag:s15] =	ssyncadd.s32 $0xFFFF9C00  }
0x77: {  	[spmem:s2] =	stream.indirect.scatter.add.f32 [tilespmem:s16], [sflag:$0x1], $0x80, s3, s17, $0xb8;
	[tilespmem:$0x1A100] =	vst v63  }
0x78: {  	_ =	swait.ge [sflag:s15], $0x6400  }
0x79: {  	s20 =	smov.u32 s23;
	s21 =	sadd.s32 $0xC80, s21;
	[sflag:s15] =	ssyncset.done $0x0  }
0x7a: {  	s20 =	smov.u32 s19  }
.LBB2_12:
0x7b: {  	s19 =	sadd.s32 s20, s13;
	[sflag:s15] =	ssyncadd.s32 @p0 $0xFFFF9C00  }
0x7c: {  	[tilespmem:s3], [sflag:$0x1] =	stream.linear.gather [hbm4b:s19+s3], $0xC8, $0x38;
	[tilespmem:$0x1A100] =	vst v63  }
0x7d: {  	_ =	swait.ge [sflag:s15], $0xC8  }
0x7e: {  	[sflag:s15] =	ssyncset.done $0x0  }
0x7f: {  	[sflag:s15] =	ssyncadd.s32 $0xFFFFFF38  }
0x80: {  	[tilespmem:s16], [sflag:$0x1] =	stream.linear.gather [hbm4b:s21+s3], $0x6400, $0x38;
	[tilespmem:$0x1A100] =	vst v63  }
0x81: {  	_ =	swait.ge [sflag:s15], $0x6400  }
0x82: {  	[sflag:s15] =	ssyncset.done $0x0  }
0x83: {  	[sflag:s15] =	ssyncadd.s32 $0xFFFF9C00  }
0x84: {  	[spmem:s2] =	stream.indirect.scatter.add.f32 [tilespmem:s16], [sflag:$0x1], $0x80, s3, s17, $0xb8;
	[tilespmem:$0x1A100] =	vst v63  }
0x85: {  	_ =	swait.ge [sflag:s15], $0x6400  }
0x86: {  	[sflag:s15] =	ssyncset.done $0x0  }
0x87: {  	s18 =	sadd.s32 $0x1, s18;
	[sflag:s15] =	ssyncadd.s32 $0xFFFF9C00  }
0x88: {  	p0 =	sne.s32 s18, s7;
	[bflag:$0x0] =	sbarrier.arrive $0xFFFF  }
0x89: {  	[hbm:s6], [sflag:s5] =	dma.local [spmem:s14], $0x2780  }
.Ltmp7:
0x8a: {  	_ = 	snop;
	(pc) =	sbr.rel @p0 .LBB2_1-.Ltmp7, $4  }
.Ltmp8:
0x8b: {  	_ = 	snop;
	(pc) =	sbr.rel @!p0 .LBB2_13-.Ltmp8, $4  }
0x8c: {  	_ =	swait.ge [sflag:s15], $0x2780  }
0x8d: {  	[sflag:s15] =	ssyncset.done $0x0  }
0x8e: {  	[sflag:s15] =	ssyncadd.s32 $0xFFFFD880  }
0x8f: {  	_ = 	snop  }
.LBB2_5:
.Ltmp9:
0x90: {  	(pc) =	sbr.rel .LBB2_7-.Ltmp9, $2  }
0x91: {  	_ =	sdelay $0x2  }
0x92: {  	s22 =	simm.s32 $0x19  }
.LBB2_9:
.Ltmp10:
0x93: {  	(pc) =	sbr.rel .LBB2_12-.Ltmp10, $2  }
0x94: {  	_ =	sdelay $0x2  }
0x95: {  	s20 =	simm.s32 $0x19  }
.LBB2_13:
0x96: {  	_ =	sfence.sel $0x180000  }
0x97: {  	[bflag:$0x0] =	sbarrier.arrive $0xFFFF  }
0x98: {  	p0 =	sne.s32 s1, $0x0;
	_ =	strace $0x90000056  }
0x99: {  	s0 =	sadd.s32 @!p0 $0x100000, s0;
	[bflag:$0x2] =	sbarrier.arrive $0xFFFF  }
0x9a: {  	[sflag:s0] =	ssyncadd.tile.s32 @!p0 $0x1;
	_ =	shalt  }
.Lfunc_end2:
_tile_overlayer_lowered:
.L_overlay_start_2:
0x9b: {  	(tag) =	ssettag $0x2  }
0x9c: {  	s0 =	rddreg [dreg:$0x0];
	s2 =	stileid.u32  }
0x9d: {  	s1 =	rddreg [dreg:$0x1];
	p0 =	sne.s32 s2, $0x0  }
0x9e: {  	s3 =	rddreg [dreg:$0x2];
	[bflag:$0x3] =	sbarrier.arrive $0xFFFF;
	s2 =	simm.s32 @!p0 $0x1C01  }
0x9f: {  	[timem:s3], [sflag:s2] =	dma.local @!p0 [hbm:s0], s1  }
0xa0: {  	s0 =	simm.s32 @!p0 $0x1  }
0xa1: {  	_ =	swait.ge @!p0 [sflag:s0], s1  }
0xa2: {  	s1 =	ssub.s32 @!p0 $0x0, s1;
	[sflag:s0] =	ssyncset.done @!p0 $0x0  }
0xa3: {  	[sflag:s0] =	ssyncadd.s32 @!p0 s1  }
0xa4: {  	[bflag:$0x3] =	sbarrier.arrive $0xFFFF  }
0xa5: {  	_ =	shalt  }

// kernel: kernel.33.cloned.1.call-start
scs
__scs_entry_jumppad:
0x0: {  	(pc) =	sbr.rel $0x88, $3  }
0x1: {  	(tag) =	ssettag $0x0;
	lr =	simm.s32 $0x1  }
0x2: {  	[smem:$0x3F96] =	sst lr;
	_ =	strace $0xD0000000  }
0x3: {  	_ = 	snop  }
0x4: {  	_ = 	snop  }
0x5: {  	_ = 	snop  }
0x6: {  	_ = 	snop  }
0x7: {  	_ = 	snop  }
__scs_overlays_trampoline_lowered:
0x8: {  	[smem:$0x3FA5] =	sst s0  }
0x9: {  	[smem:$0x3FA6] =	sst s1  }
0xa: {  	[smem:$0x3FA7] =	sst s2  }
0xb: {  	[smem:$0x3FA8] =	sst s3  }
0xc: {  	[smem:$0x3FA9] =	sst s4  }
0xd: {  	[smem:$0x3FAA] =	sst s5  }
0xe: {  	[smem:$0x3FAB] =	sst s6  }
0xf: {  	[smem:$0x3FAC] =	sst s7  }
0x10: {  	[smem:$0x3FAD] =	sst s8  }
0x11: {  	[smem:$0x3FAE] =	sst s9;
	s0 =	simm.s32 @!p0 $0x0  }
0x12: {  	s1 =	sld [smem:$0x3F94];
	s0 =	simm.s32 @p0 $0x1  }
0x13: {  	[smem:$0x3FAF] =	sst s0;
	s0 =	simm.s32 @!p1 $0x0  }
0x14: {  	s2 =	sld [smem:$0x3F93];
	s0 =	simm.s32 @p1 $0x1  }
0x15: {  	[smem:$0x3FB0] =	sst s0;
	s0 =	simm.s32 @!p2 $0x0  }
0x16: {  	s3 =	sld [smem:$0x3FDB];
	s0 =	simm.s32 @p2 $0x1  }
0x17: {  	s4 =	simm.s32 $0x1BF5;
	[smem:$0x3FB2] =	sst s0  }
0x18: {  	s0 =	sld [smem:$0x3F95];
	_ =	swait.ge [sflag:s4], $0x0  }
0x19: {  	s7 =	sld [smem:$0x3F96]  }
0x1a: {  	s8 =	sadd.s32 $0xFFFFE003, lr  }
0x1b: {  	s9 =	sadd.s32 $0xFFFFFEF7, lr;
	s5 =	simm.s32 $0xFFFFFFFF;
	p2 =	slt.u32 s8, $0xFFFFF086  }
0x1c: {  	p1 =	slt.u32 s9, $0xF7A;
	s5 =	simm.s32 @!p2 $0x0  }
0x1d: {  	s5 =	simm.s32 @p1 $0x1;
	p0 =	seq.s32 s7, s2  }
0x1e: {  	s7 =	smul.u32 @!p0 $0xF7A, s2;
	p2 =	seq.s32 @!p0 s5, $0x0  }
0x1f: {  	s9 =	smul.u32 $0xF7A, s1;
	s8 =	simm.s32 @!p0 $0x1BF5;
	p2 =	por !p2, p0  }
0x20: {  	[sflag:s8] =	ssyncset.s32 @!p0 $0xFFFFF086;
	s6 =	sadd.s32 @!p0 s3, s7;
	s7 =	simm.s32 @!p0 $0x108  }
0x21: {  	s3 =	sadd.s32 s3, s9;
	s6 =	sadd.s32 @!p0 $0x88, s6;
	s7 =	simm.s32 @p2 $0x1082  }
0x22: {  	[simem:s7], [sflag:s8] =	dma.local @!p0 [hbm:s6], $0xF7A  }
0x23: {  	s9 =	sor.u32 $0xD0000000, s2;
	s6 =	simm.s32 $0x108;
	_ =	swait.ge @!p0 [sflag:s8], $0x0  }
0x24: {  	s3 =	sadd.s32 $0x88, s3;
	s6 =	simm.s32 @!p1 $0x1082;
	[sflag:s4] =	ssyncset.s32 $0xFFFFF086  }
0x25: {  	[simem:s6], [sflag:s4] =	dma.local [hbm:s3], $0xF7A  }
0x26: {  	[smem:$0x3F96] =	sst s1;
	(tag) =	ssettag s2;
	_ =	strace s9  }
0x27: {  	s1 =	sld [smem:$0x3FA6]  }
0x28: {  	s2 =	sld [smem:$0x3FA7]  }
0x29: {  	s4 =	sld [smem:$0x3FA9]  }
0x2a: {  	p0 =	seq.s32 s5, $0x0;
	s5 =	sld [smem:$0x3FAA]  }
0x2b: {  	s6 =	sld [smem:$0x3FAB]  }
0x2c: {  	s7 =	sld [smem:$0x3FAC]  }
0x2d: {  	s3 =	simm.s32 $0x108;
	s8 =	sld [smem:$0x3FAD]  }
0x2e: {  	s3 =	simm.s32 @!p0 $0x1082;
	s9 =	sld [smem:$0x3FAE]  }
0x2f: {  	lr =	sadd.s32 s0, s3;
	s0 =	sld [smem:$0x3FA5]  }
0x30: {  	s3 =	sld [smem:$0x3FA8]  }
0x31: {  	[smem:$0x3FB1] =	sst s10  }
0x32: {  	s10 =	sld [smem:$0x3FAF];
	_ =	sdelay $0x3  }
0x33: {  	p0 =	seq.s32 s10, $0x1;
	s10 =	sld [smem:$0x3FB1];
	_ =	sdelay $0x3  }
0x34: {  	[smem:$0x3FB1] =	sst s10  }
0x35: {  	s10 =	sld [smem:$0x3FB0];
	_ =	sdelay $0x3  }
0x36: {  	p1 =	seq.s32 s10, $0x1;
	s10 =	sld [smem:$0x3FB1];
	_ =	sdelay $0x3  }
0x37: {  	[smem:$0x3FB1] =	sst s10  }
0x38: {  	s10 =	sld [smem:$0x3FB2]  }
0x39: {  	_ = 	snop;
	(pc) =	sbr.ind lr, $3  }
0x3a: {  	_ = 	snop  }
0x3b: {  	_ = 	snop  }
0x3c: {  	p2 =	seq.s32 s10, $0x1;
	s10 =	sld [smem:$0x3FB1]  }
0x3d: {  	_ =	shalt  }
0x3e: {  	_ =	shalt  }
0x3f: {  	_ =	shalt  }
0x40: {  	_ =	shalt  }
0x41: {  	_ =	shalt  }
0x42: {  	_ =	shalt  }
0x43: {  	_ =	shalt  }
0x44: {  	_ =	shalt  }
0x45: {  	_ =	shalt  }
0x46: {  	_ =	shalt  }
0x47: {  	_ =	shalt  }
0x48: {  	_ =	shalt  }
0x49: {  	_ =	shalt  }
0x4a: {  	_ =	shalt  }
0x4b: {  	_ =	shalt  }
0x4c: {  	_ =	shalt  }
0x4d: {  	_ =	shalt  }
0x4e: {  	_ =	shalt  }
0x4f: {  	_ =	shalt  }
0x50: {  	_ =	shalt  }
0x51: {  	_ =	shalt  }
0x52: {  	_ =	shalt  }
0x53: {  	_ =	shalt  }
0x54: {  	_ =	shalt  }
0x55: {  	_ =	shalt  }
0x56: {  	_ =	shalt  }
0x57: {  	_ =	shalt  }
0x58: {  	_ =	shalt  }
0x59: {  	_ =	shalt  }
0x5a: {  	_ =	shalt  }
0x5b: {  	_ =	shalt  }
0x5c: {  	_ =	shalt  }
0x5d: {  	_ =	shalt  }
0x5e: {  	_ =	shalt  }
0x5f: {  	_ =	shalt  }
0x60: {  	_ =	shalt  }
0x61: {  	_ =	shalt  }
0x62: {  	_ =	shalt  }
0x63: {  	_ =	shalt  }
0x64: {  	_ =	shalt  }
0x65: {  	_ =	shalt  }
0x66: {  	_ =	shalt  }
0x67: {  	_ =	shalt  }
0x68: {  	_ =	shalt  }
0x69: {  	_ =	shalt  }
0x6a: {  	_ =	shalt  }
0x6b: {  	_ =	shalt  }
0x6c: {  	_ =	shalt  }
0x6d: {  	_ =	shalt  }
0x6e: {  	_ =	shalt  }
0x6f: {  	_ =	shalt  }
0x70: {  	_ =	shalt  }
0x71: {  	_ =	shalt  }
0x72: {  	_ =	shalt  }
0x73: {  	_ =	shalt  }
0x74: {  	_ =	shalt  }
0x75: {  	_ =	shalt  }
0x76: {  	_ =	shalt  }
0x77: {  	_ =	shalt  }
0x78: {  	_ =	shalt  }
0x79: {  	_ =	shalt  }
0x7a: {  	_ =	shalt  }
0x7b: {  	_ =	shalt  }
0x7c: {  	_ =	shalt  }
0x7d: {  	_ =	shalt  }
0x7e: {  	_ =	shalt  }
0x7f: {  	_ =	shalt  }
0x80: {  	_ =	shalt  }
0x81: {  	_ =	shalt  }
0x82: {  	_ =	shalt  }
0x83: {  	_ =	shalt  }
0x84: {  	_ =	shalt  }
0x85: {  	_ =	shalt  }
0x86: {  	_ =	shalt  }
0x87: {  	_ =	shalt  }
.Lfunc_end0:
.L_simem_size_0:
called_computation.6_lowered:
.L_overlay_start_0:
0x88: {  	s2 =	sld [smem:$0x3FD9]  }
0x89: {  	s3 =	sld [smem:$0x3FFE];
	_ =	sdelay $0x1  }
0x8a: {  	s1 =	srdreg.scid  }
0x8b: {  	s0 =	sand.u32 $0x1, s1  }
0x8c: {  	s16 =	sshll.u32 s0, $0xA;
	s2 =	sadd.s32 s3, s2  }
0x8d: {  	s2 =	sadd.s32 s2, s16  }
0x8e: {  	[smem:$0x3FBD] =	sst s2  }
0x8f: {  	_ = 	snop  }
0x90: {  	(tm) =	ssettm $0x1  }
0x91: {  	s17 =	sld [smem:$0x3FFB];
	_ =	sdelay $0x3  }
0x92: {  	_ =	strace s17  }
0x93: {  	s2 =	sld [smem:$0x3FFC];
	_ =	sdelay $0x3  }
0x94: {  	_ =	strace s2  }
0x95: {  	s2 =	sld [smem:$0x3FFD];
	_ =	sdelay $0x3  }
0x96: {  	_ =	strace s2  }
0x97: {  	_ =	strace $0x8FFFFFFF  }
0x98: {  	s18 =	sld [smem:$0x3FDB];
	_ =	sdelay $0x1  }
0x99: {  	s19 =	simm.s32 $_scs_section_size  }
0x9a: {  	s4 =	simm.s32 $_size__tile_overlayer_lowered;
	s5 =	simm.s32 $_tile_overlayer_lowered  }
0x9b: {  	s22 =	simm.s32 $0x1BFF;
	s21 =	sshll.u32 s5, $0x1;
	s2 =	sadd.s32 s19, s18  }
0x9c: {  	s6 =	simm.s32 $0x0;
	s20 =	sshll.u32 s4, $0x1;
	s4 =	sadd.s32 s21, s2  }
0x9d: {  	[timem:s6], [sflag:s22] =	dma.local [hbm:s4], s20  }
0x9e: {  	_ =	swait.ge [sflag:s22], s20  }
0x9f: {  	s3 =	ssub.s32 $0x0, s20;
	[sflag:s22] =	ssyncset.done $0x0  }
0xa0: {  	[sflag:s22] =	ssyncadd.s32 s3;
	_ =	sdelay $0x1  }
0xa1: {  	s23 =	simm.s32 $0x1B8B  }
0xa2: {  	_ =	swait.ge [sflag:s23], $0x1  }
0xa3: {  	[sflag:s23] =	ssyncset.done $0x0  }
0xa4: {  	s25 =	simm.s32 $0x1B8E;
	s24 =	sld [smem:$0x3FFE];
	[sflag:s23] =	ssyncadd.s32 $0xFFFFFFFF  }
0xa5: {  	s26 =	simm.s32 $execute0_lowered;
	[smem:$0x3FD2] =	sst s25  }
0xa6: {  	s4 =	sshll.u32 s26, $0x1;
	_ =	strace $0x80000058;
	[dreg:$0x1] =	wrdreg $0xFFFFFFFF  }
0xa7: {  	s28 =	simm.s32 $_size_execute0_lowered;
	s2 =	sadd.s32 s2, s4;
	[dreg:$0x0] =	wrdreg $0x0  }
0xa8: {  	s4 =	sshll.u32 s28, $0x1;
	[dreg:$0x2] =	wrdreg s2  }
0xa9: {  	[dreg:$0x3] =	wrdreg s4  }
0xaa: {  	[dreg:$0x4] =	wrdreg $0xC0  }
0xab: {  	_ =	task [dreg:s6], $0x5FFFF  }
0xac: {  	[dreg:$0x1] =	wrdreg $0xFFFFFFFF  }
0xad: {  	[dreg:$0x0] =	wrdreg $0x60  }
0xae: {  	[dreg:$0x2] =	wrdreg s24  }
0xaf: {  	[dreg:$0x3] =	wrdreg $0x65000  }
0xb0: {  	[dreg:$0x4] =	wrdreg $0x9  }
0xb1: {  	_ =	task.clear_ibuf [dreg:s6], $0x5FFFF;
	_ =	strace $0x90000058  }
0xb2: {  	s29 =	simm.s32 $0x9;
	_ =	strace $0x8000005A  }
0xb3: {  	_ =	swait.ge [sflag:s29], $0x1  }
0xb4: {  	[sflag:s29] =	ssyncadd.s32 $0xFFFFFFFF  }
0xb5: {  	_ =	strace $0x9000005A  }
0xb6: {  	_ =	sfence  }
0xb7: {  	s30 =	sld [smem:$0x0];
	_ =	sdelay $0x2  }
0xb8: {  	s31 =	sshll.u32 s1, $0xD;
	s1 =	sshrl.u32 s1, $0x2  }
0xb9: {  	s3 =	sand.u32 $0x4000, s31;
	s1 =	sadd.s32 s1, s30  }
0xba: {  	s0 =	sor.u32 s3, s0;
	s1 =	sshll.u32 s1, $0x11  }
0xbb: {  	s0 =	sor.u32 s1, s0  }
0xbc: {  	s0 =	sadd.s32 $0x8F2B, s0  }
0xbd: {  	[sflag:s0] =	ssyncadd.remote.s32 $0x1  }
0xbe: {  	_ =	sfence.sel $0xFFFF  }
0xbf: {  	[dreg:$0x0] =	wrdreg $0xFFFFFFFF;
	(pc) =	sbr.abs _section_cstart, $3  }
0xc0: {  	[dreg:$0x1] =	wrdreg $0xFFFFFFFF  }
0xc1: {  	_ =	task.clear_ibuf [dreg:s6], $0x2FFFF;
	_ =	strace $0x9FFFFFFF  }
0xc2: {  	(tm) =	ssettm $0x7FFFFFFF  }
0xc3: {  	_ =	shalt  }
tec
execute0_lowered:
.L_overlay_start_1:
0x0: {  	(tag) =	ssettag $0x1  }
0x1: {  	s4 =	rddreg [dreg:$0x0];
	s0 =	stileid.u32  }
0x2: {  	s1 =	srdreg.scid;
	s5 =	smul.u32 $0xFA00, s0  }
0x3: {  	s2 =	rddreg [dreg:$0x1];
	s8 =	smul.u32 $0x13C00, s0  }
0x4: {  	s3 =	simm.s32 $0x0;
	s16 =	simm.s32 $0x0;
	s22 =	smul.u32 $0x4F000, s0  }
0x5: {  	s6 =	sand.u32 $0x1, s1;
	s1 =	rddreg [dreg:$0x2];
	s25 =	smul.u32 $0xFA0, s0  }
0x6: {  	[smem:$0x7FF] =	sst s3;
	s11 =	sadd.s32 $0xF200, s4;
	s7 =	smul.u32 $0x13C000, s6  }
0x7: {  	s13 =	sshll.u32 s0, $0x6;
	_ =	strace $0x80000059;
	s12 =	smul.u32 $0x7D00, s6  }
0x8: {  	s21 =	ssub.s32 $0x2, s6;
	s14 =	smul.u32 $0x7D0, s6;
	s9 =	sadd.s32 s5, s4  }
0x9: {  	s23 =	sshrl.u32 s21, $0x1;
	s24 =	sshrl.u32 s22, $0x2;
	s20 =	sadd.s32 s8, s7  }
0xa: {  	s7 =	ssub.s32 s21, s23;
	s15 =	sadd.s32 s24, s2;
	s26 =	sadd.s32 s12, s9  }
0xb: {  	s28 =	sadd.s32 s14, s25;
	s14 =	simm.s32 $0x100;
	s5 =	sshrl.u32 s20, $0x3  }
0xc: {  	s7 =	smax.u32 s7, $0x1;
	s8 =	sadd.s32 $0x213200, s26;
	s29 =	sshrl.u32 s28, $0x3  }
0xd: {  	s30 =	sadd.s32 $0xFA00, s28;
	s12 =	sshrl.u32 s15, $0x3;
	s15 =	simm.s32 $0xC8  }
0xe: {  	s10 =	sadd.s32 s5, s4;
	s5 =	sor.u32 $0x1C01, s13;
	s9 =	sadd.s32 s29, s11  }
0xf: {  	s31 =	sshrl.u32 s30, $0x3;
	s13 =	simm.s32 $0x1;
	s4 =	sadd.s32 $0xC49600, s10  }
0x10: {  	s6 =	sadd.s32 $0x10D200, s10;
	s10 =	sadd.s32 $0x13200, s26;
	s11 =	sadd.s32 s31, s11  }
.LBB2_1:
0x11: {  	[spmem:s12], [sflag:s5] =	dma.local [hbm:s4], $0x2780  }
0x12: {  	_ =	swait.ge [sflag:s13], $0x2780  }
0x13: {  	[sflag:s13] =	ssyncset.done $0x0  }
0x14: {  	[sflag:s13] =	ssyncadd.s32 $0xFFFFD880  }
0x15: {  	s17 =	sadd.s32 $0x0, s9;
	[bflag:$0x0] =	sbarrier.arrive $0xFFFF  }
0x16: {  	[tilespmem:s3], [sflag:$0x1] =	stream.linear.gather [hbm4b:s17+s3], $0xC8, $0x38;
	[tilespmem:$0x1A100] =	vst v63  }
0x17: {  	_ =	swait.ge [sflag:s13], $0xC8  }
0x18: {  	[sflag:s13] =	ssyncset.done $0x0  }
0x19: {  	[sflag:s13] =	ssyncadd.s32 $0xFFFFFF38  }
0x1a: {  	[tilespmem:s14], [sflag:$0x1] =	stream.linear.gather [hbm4b:s8+s3], $0x6400, $0x38;
	[tilespmem:$0x1A100] =	vst v63  }
0x1b: {  	_ =	swait.ge [sflag:s13], $0x6400  }
0x1c: {  	[sflag:s13] =	ssyncset.done $0x0  }
0x1d: {  	[sflag:s13] =	ssyncadd.s32 $0xFFFF9C00  }
0x1e: {  	[spmem:s2] =	stream.indirect.scatter.add.f32 [tilespmem:s14], [sflag:$0x1], $0x80, s3, s15, $0xb8;
	[tilespmem:$0x1A100] =	vst v63  }
0x1f: {  	s20 =	sadd.s32 $0x19, s9;
	_ =	swait.ge [sflag:s13], $0x6400  }
0x20: {  	s19 =	simm.s32 $0x32;
	s17 =	sadd.s32 $0xC80, s8;
	[sflag:s13] =	ssyncset.done $0x0  }
.LBB2_2:
0x21: {  	s21 =	sadd.s32 s19, s9;
	s18 =	simm.s32 $0x0;
	[sflag:s13] =	ssyncadd.s32 $0xFFFF9C00  }
0x22: {  	[tilespmem:s18], [sflag:$0x1] =	stream.linear.gather [hbm4b:s20+s18], $0xC8, $0x38;
	[tilespmem:$0x1A100] =	vst v63  }
0x23: {  	p0 =	sne.s32 s19, $0xE1;
	s19 =	sadd.s32 $0x19, s19;
	_ =	swait.ge [sflag:s13], $0xC8  }
0x24: {  	s20 =	smov.u32 s21;
	[sflag:s13] =	ssyncset.done $0x0  }
0x25: {  	[sflag:s13] =	ssyncadd.s32 $0xFFFFFF38  }
0x26: {  	[tilespmem:s14], [sflag:$0x1] =	stream.linear.gather [hbm4b:s17+s18], $0x6400, $0x38;
	[tilespmem:$0x1A100] =	vst v63  }
0x27: {  	_ =	swait.ge [sflag:s13], $0x6400  }
.Ltmp0:
0x28: {  	[sflag:s13] =	ssyncset.done $0x0;
	(pc) =	sbr.rel @p0 .LBB2_2-.Ltmp0, $4  }
0x29: {  	[sflag:s13] =	ssyncadd.s32 $0xFFFF9C00  }
0x2a: {  	[spmem:s2] =	stream.indirect.scatter.add.f32 [tilespmem:s14], [sflag:$0x1], $0x80, s18, s15, $0xb8;
	[tilespmem:$0x1A100] =	vst v63  }
0x2b: {  	_ =	swait.ge [sflag:s13], $0x6400  }
0x2c: {  	s17 =	sadd.s32 $0xC80, s17;
	[sflag:s13] =	ssyncset.done $0x0  }
0x2d: {  	[sflag:s13] =	ssyncadd.s32 $0xFFFF9C00  }
0x2e: {  	[tilespmem:s18], [sflag:$0x1] =	stream.linear.gather [hbm4b:s20+s18], $0xC8, $0x38;
	[tilespmem:$0x1A100] =	vst v63  }
0x2f: {  	_ =	swait.ge [sflag:s13], $0xC8  }
0x30: {  	[sflag:s13] =	ssyncset.done $0x0  }
0x31: {  	[sflag:s13] =	ssyncadd.s32 $0xFFFFFF38  }
0x32: {  	[tilespmem:s14], [sflag:$0x1] =	stream.linear.gather [hbm4b:s17+s18], $0x6400, $0x38;
	[tilespmem:$0x1A100] =	vst v63  }
0x33: {  	_ =	swait.ge [sflag:s13], $0x6400  }
0x34: {  	p1 =	por $0x1, $0x1;
	[sflag:s13] =	ssyncset.done $0x0  }
.Ltmp1:
0x35: {  	[sflag:s13] =	ssyncadd.s32 $0xFFFF9C00;
	(pc) =	sbr.rel @!p1 .LBB2_8-.Ltmp1, $4  }
0x36: {  	[spmem:s2] =	stream.indirect.scatter.add.f32 [tilespmem:s14], [sflag:$0x1], $0x80, s18, s15, $0xb8;
	[tilespmem:$0x1A100] =	vst v63  }
0x37: {  	_ =	swait.ge [sflag:s13], $0x6400  }
0x38: {  	p0 =	por $0x0, $0x0;
	[sflag:s13] =	ssyncset.done $0x0  }
0x39: {  	s19 =	smov.u32 s10;
	s17 =	simm.s32 $0x19;
	[sflag:s13] =	ssyncadd.s32 $0xFFFF9C00  }
0x3a: {  	s18 =	sadd.s32 $0x0, s11  }
0x3b: {  	[tilespmem:s3], [sflag:$0x1] =	stream.linear.gather [hbm4b:s18+s3], $0xC8, $0x38;
	[tilespmem:$0x1A100] =	vst v63  }
0x3c: {  	_ =	swait.ge [sflag:s13], $0xC8  }
0x3d: {  	[sflag:s13] =	ssyncset.done $0x0  }
0x3e: {  	[sflag:s13] =	ssyncadd.s32 $0xFFFFFF38  }
0x3f: {  	[tilespmem:s14], [sflag:$0x1] =	stream.linear.gather [hbm4b:s10+s3], $0x6400, $0x38;
	[tilespmem:$0x1A100] =	vst v63  }
0x40: {  	p1 =	por $0x1, $0x1;
	_ =	swait.ge [sflag:s13], $0x6400  }
.Ltmp2:
0x41: {  	[sflag:s13] =	ssyncset.done $0x0;
	(pc) =	sbr.rel @!p1 .LBB2_5-.Ltmp2, $4  }
0x42: {  	[sflag:s13] =	ssyncadd.s32 $0xFFFF9C00  }
0x43: {  	[spmem:s2] =	stream.indirect.scatter.add.f32 [tilespmem:s14], [sflag:$0x1], $0x80, s3, s15, $0xb8;
	[tilespmem:$0x1A100] =	vst v63  }
0x44: {  	s19 =	sadd.s32 $0xC80, s10;
	_ =	swait.ge [sflag:s13], $0x6400  }
0x45: {  	p0 =	por $0x1, $0x1;
	s18 =	simm.s32 $0x32;
	[sflag:s13] =	ssyncset.done $0x0  }
.LBB2_6:
0x46: {  	s20 =	sadd.s32 s17, s11  }
0x47: {  	[sflag:s13] =	ssyncadd.s32 $0xFFFF9C00;
	s17 =	smov.u32 s18;
	s21 =	sadd.s32 $0x19, s18  }
0x48: {  	[tilespmem:s3], [sflag:$0x1] =	stream.linear.gather [hbm4b:s20+s3], $0xC8, $0x38;
	[tilespmem:$0x1A100] =	vst v63  }
0x49: {  	p1 =	sne.s32 s18, $0xE1;
	_ =	swait.ge [sflag:s13], $0xC8  }
0x4a: {  	[sflag:s13] =	ssyncset.done $0x0  }
0x4b: {  	[sflag:s13] =	ssyncadd.s32 $0xFFFFFF38  }
0x4c: {  	[tilespmem:s14], [sflag:$0x1] =	stream.linear.gather [hbm4b:s19+s3], $0x6400, $0x38;
	[tilespmem:$0x1A100] =	vst v63  }
0x4d: {  	_ =	swait.ge [sflag:s13], $0x6400  }
.Ltmp3:
0x4e: {  	[sflag:s13] =	ssyncset.done $0x0;
	(pc) =	sbr.rel @p1 .LBB2_6-.Ltmp3, $4  }
0x4f: {  	[sflag:s13] =	ssyncadd.s32 $0xFFFF9C00  }
0x50: {  	[spmem:s2] =	stream.indirect.scatter.add.f32 [tilespmem:s14], [sflag:$0x1], $0x80, s3, s15, $0xb8;
	[tilespmem:$0x1A100] =	vst v63  }
0x51: {  	_ =	swait.ge [sflag:s13], $0x6400  }
0x52: {  	s18 =	smov.u32 s21;
	s19 =	sadd.s32 $0xC80, s19;
	[sflag:s13] =	ssyncset.done $0x0  }
0x53: {  	s18 =	smov.u32 s17  }
.LBB2_8:
0x54: {  	s17 =	sadd.s32 s18, s11;
	[sflag:s13] =	ssyncadd.s32 @p0 $0xFFFF9C00  }
0x55: {  	[tilespmem:s3], [sflag:$0x1] =	stream.linear.gather [hbm4b:s17+s3], $0xC8, $0x38;
	[tilespmem:$0x1A100] =	vst v63  }
0x56: {  	_ =	swait.ge [sflag:s13], $0xC8  }
0x57: {  	[sflag:s13] =	ssyncset.done $0x0  }
0x58: {  	[sflag:s13] =	ssyncadd.s32 $0xFFFFFF38  }
0x59: {  	[tilespmem:s14], [sflag:$0x1] =	stream.linear.gather [hbm4b:s19+s3], $0x6400, $0x38;
	[tilespmem:$0x1A100] =	vst v63  }
0x5a: {  	_ =	swait.ge [sflag:s13], $0x6400  }
0x5b: {  	[sflag:s13] =	ssyncset.done $0x0  }
0x5c: {  	[sflag:s13] =	ssyncadd.s32 $0xFFFF9C00  }
0x5d: {  	[spmem:s2] =	stream.indirect.scatter.add.f32 [tilespmem:s14], [sflag:$0x1], $0x80, s3, s15, $0xb8;
	[tilespmem:$0x1A100] =	vst v63  }
0x5e: {  	_ =	swait.ge [sflag:s13], $0x6400  }
0x5f: {  	[sflag:s13] =	ssyncset.done $0x0  }
0x60: {  	s16 =	sadd.s32 $0x1, s16;
	[sflag:s13] =	ssyncadd.s32 $0xFFFF9C00  }
0x61: {  	p0 =	sne.s32 s16, s7;
	[bflag:$0x0] =	sbarrier.arrive $0xFFFF  }
0x62: {  	[hbm:s6], [sflag:s5] =	dma.local [spmem:s12], $0x2780  }
.Ltmp4:
0x63: {  	_ = 	snop;
	(pc) =	sbr.rel @p0 .LBB2_1-.Ltmp4, $4  }
.Ltmp5:
0x64: {  	_ = 	snop;
	(pc) =	sbr.rel @!p0 .LBB2_9-.Ltmp5, $4  }
0x65: {  	_ =	swait.ge [sflag:s13], $0x2780  }
0x66: {  	[sflag:s13] =	ssyncset.done $0x0  }
0x67: {  	[sflag:s13] =	ssyncadd.s32 $0xFFFFD880  }
0x68: {  	_ = 	snop  }
.LBB2_5:
.Ltmp6:
0x69: {  	(pc) =	sbr.rel .LBB2_8-.Ltmp6, $2  }
0x6a: {  	_ =	sdelay $0x2  }
0x6b: {  	s18 =	simm.s32 $0x19  }
.LBB2_9:
0x6c: {  	_ =	sfence.sel $0x180000  }
0x6d: {  	[bflag:$0x0] =	sbarrier.arrive $0xFFFF  }
0x6e: {  	p0 =	sne.s32 s0, $0x0;
	_ =	strace $0x90000059  }
0x6f: {  	s0 =	sadd.s32 @!p0 $0x100000, s1;
	[bflag:$0x2] =	sbarrier.arrive $0xFFFF  }
0x70: {  	[sflag:s0] =	ssyncadd.tile.s32 @!p0 $0x1;
	_ =	shalt  }
.Lfunc_end2:
_tile_overlayer_lowered:
.L_overlay_start_2:
0x71: {  	(tag) =	ssettag $0x2  }
0x72: {  	s0 =	rddreg [dreg:$0x0];
	s2 =	stileid.u32  }
0x73: {  	s1 =	rddreg [dreg:$0x1];
	p0 =	sne.s32 s2, $0x0  }
0x74: {  	s3 =	rddreg [dreg:$0x2];
	[bflag:$0x3] =	sbarrier.arrive $0xFFFF;
	s2 =	simm.s32 @!p0 $0x1C01  }
0x75: {  	[timem:s3], [sflag:s2] =	dma.local @!p0 [hbm:s0], s1  }
0x76: {  	s0 =	simm.s32 @!p0 $0x1  }
0x77: {  	_ =	swait.ge @!p0 [sflag:s0], s1  }
0x78: {  	s1 =	ssub.s32 @!p0 $0x0, s1;
	[sflag:s0] =	ssyncset.done @!p0 $0x0  }
0x79: {  	[sflag:s0] =	ssyncadd.s32 @!p0 s1  }
0x7a: {  	[bflag:$0x3] =	sbarrier.arrive $0xFFFF  }
0x7b: {  	_ =	shalt  }

</sc_bundles>
